<compile_context>
chip_gen: v7x
topology: tpu7x:2x2x1
jax: 0.10.2.dev20260603
libtpu: 0.0.44.dev20260713+nightly
codegen_flags: <defaults>
</compile_context>

<pallas_src>
import functools

import jax
import jax.numpy as jnp
from jax import lax
from jax.experimental import pallas as pl
from jax.experimental.pallas import tpu as pltpu
from jax.experimental.pallas import tpu_sc as plsc

NC = 2
NS = 16
NW = NC * NS

N = 10000
E = 320000
D = 128
H = 128
C = 16

NP = 10240
RPT = NP // NS
EP = NW * 80 * 128
KB = EP // NW // 128
ZR = 64
NBUF = 4


def _mesh():
    return plsc.VectorSubcoreMesh(core_axis_name="c", subcore_axis_name="s")


DW = 16


@functools.partial(
    pl.kernel,
    out_type=jax.ShapeDtypeStruct((NC, NP, DW), jnp.float32),
    mesh=_mesh(),
    compiler_params=pltpu.CompilerParams(use_tc_tiling_on_sc=False),
    scratch_types=[
        pltpu.VMEM((KB, 128), jnp.int32),
        pltpu.VMEM((128, DW), jnp.float32),
        pltpu.VMEM((ZR, DW), jnp.float32),
        pltpu.VMEM_SHARED((NP, DW), jnp.float32),
        pltpu.SemaphoreType.DMA,
    ],
)
def _sc_degree(adj_hbm, out_hbm, dst_v, ones_v, zbuf, acc, ssem):
    c = lax.axis_index("c")
    s = lax.axis_index("s")
    w = c * NS + s
    pltpu.sync_copy(adj_hbm.at[1, pl.ds(w * KB, KB)], dst_v)

    zero16 = jnp.zeros((16,), jnp.float32)
    one16 = jnp.ones((16,), jnp.float32)

    @pl.loop(0, 128)
    def _(r):
        ones_v[r, :] = one16

    @pl.loop(0, ZR)
    def _(r):
        zbuf[r, :] = zero16

    @pl.loop(0, RPT // ZR)
    def _(i):
        pltpu.sync_copy(zbuf, acc.at[pl.ds(s * RPT + i * ZR, ZR)])

    plsc.subcore_barrier()

    @pl.loop(0, KB // 16)
    def _(g):
        for b in range(16):
            pltpu.async_copy(ones_v, acc.at[dst_v.at[16 * g + b]],
                             ssem, add=True)
        for b in range(16):
            pltpu.make_async_copy(ones_v, acc.at[dst_v.at[16 * g + b]],
                                  ssem).wait()

    plsc.subcore_barrier()

    @pl.loop(0, RPT // ZR)
    def _(i):
        sl = pl.ds(s * RPT + i * ZR, ZR)
        pltpu.sync_copy(acc.at[sl], out_hbm.at[c, sl])


FH = H // NC
KB2 = EP // NS // 128


@functools.partial(
    pl.kernel,
    out_type=jax.ShapeDtypeStruct((NP, H), jnp.bfloat16),
    mesh=_mesh(),
    compiler_params=pltpu.CompilerParams(use_tc_tiling_on_sc=False),
    scratch_types=[
        pltpu.VMEM((KB2, 128), jnp.int32),
        pltpu.VMEM((KB2, 128), jnp.int32),
        pltpu.VMEM((NBUF, 128, FH), jnp.bfloat16),
        pltpu.VMEM((ZR, FH), jnp.bfloat16),
        pltpu.VMEM_SHARED((NP, FH), jnp.bfloat16),
        pltpu.VMEM_SHARED((NP, FH), jnp.bfloat16),
        [pltpu.SemaphoreType.DMA] * NBUF,
        [pltpu.SemaphoreType.DMA] * NBUF,
    ],
)
def _sc_agg128(z_hbm, adj_hbm, out_hbm,
               src_v, dst_v, rows, zbuf, acc, zs, gsems, ssems):
    c = lax.axis_index("c")
    s = lax.axis_index("s")
    pltpu.sync_copy(z_hbm.at[pl.ds(s * RPT, RPT), pl.ds(c * FH, FH)],
                    zs.at[pl.ds(s * RPT, RPT)])
    pltpu.sync_copy(adj_hbm.at[0, pl.ds(s * KB2, KB2)], src_v)
    pltpu.sync_copy(adj_hbm.at[1, pl.ds(s * KB2, KB2)], dst_v)

    zero32 = jnp.zeros((32,), jnp.bfloat16)

    @pl.loop(0, ZR)
    def _(r):
        @pl.loop(0, FH // 32)
        def _(k):
            zbuf[r, pl.ds(k * 32, 32)] = zero32

    @pl.loop(0, RPT // ZR)
    def _(i):
        pltpu.sync_copy(zbuf, acc.at[pl.ds(s * RPT + i * ZR, ZR)])

    plsc.subcore_barrier()

    for b in range(NBUF):
        pltpu.async_copy(zs.at[src_v.at[b]], rows.at[b], gsems[b])

    @pl.loop(0, KB2 // NBUF)
    def _(g):
        j0 = NBUF * g
        for b in range(NBUF):
            pltpu.make_async_copy(
                zs.at[src_v.at[j0 + b]], rows.at[b], gsems[b]).wait()
            pltpu.async_copy(rows.at[b], acc.at[dst_v.at[j0 + b]],
                             ssems[b], add=True)
        for b in range(NBUF):
            @pl.when(j0 + b + NBUF < KB2)
            def _():
                pltpu.make_async_copy(
                    rows.at[b], acc.at[dst_v.at[j0 + b]], ssems[b]).wait()
                pltpu.async_copy(
                    zs.at[src_v.at[j0 + b + NBUF]], rows.at[b], gsems[b])

    for b in range(NBUF):
        pltpu.make_async_copy(
            rows.at[b], acc.at[dst_v.at[KB2 - NBUF + b]], ssems[b]).wait()

    plsc.subcore_barrier()

    @pl.loop(0, RPT // ZR)
    def _(i):
        sl = pl.ds(s * RPT + i * ZR, ZR)
        pltpu.sync_copy(acc.at[sl], out_hbm.at[sl, pl.ds(c * FH, FH)])


def _make_sc_agg(F):
    @functools.partial(
        pl.kernel,
        out_type=jax.ShapeDtypeStruct((NC, NP, F), jnp.float32),
        mesh=_mesh(),
        compiler_params=pltpu.CompilerParams(use_tc_tiling_on_sc=False),
        scratch_types=[
            pltpu.VMEM((KB, 128), jnp.int32),
            pltpu.VMEM((KB, 128), jnp.int32),
            pltpu.VMEM((NBUF, 128, F), jnp.float32),
            pltpu.VMEM((ZR, F), jnp.float32),
            pltpu.VMEM_SHARED((NP, F), jnp.float32),
            pltpu.VMEM_SHARED((NP, F), jnp.float32),
            [pltpu.SemaphoreType.DMA] * NBUF,
            [pltpu.SemaphoreType.DMA] * NBUF,
        ],
    )
    def agg(z_hbm, adj_hbm, out_hbm,
            src_v, dst_v, rows, zbuf, acc, zs, gsems, ssems):
        c = lax.axis_index("c")
        s = lax.axis_index("s")
        w = c * NS + s
        pltpu.sync_copy(z_hbm.at[pl.ds(s * RPT, RPT)],
                        zs.at[pl.ds(s * RPT, RPT)])
        pltpu.sync_copy(adj_hbm.at[0, pl.ds(w * KB, KB)], src_v)
        pltpu.sync_copy(adj_hbm.at[1, pl.ds(w * KB, KB)], dst_v)

        zero16 = jnp.zeros((16,), jnp.float32)

        @pl.loop(0, ZR)
        def _(r):
            @pl.loop(0, F // 16)
            def _(k):
                zbuf[r, pl.ds(k * 16, 16)] = zero16

        @pl.loop(0, RPT // ZR)
        def _(i):
            pltpu.sync_copy(zbuf, acc.at[pl.ds(s * RPT + i * ZR, ZR)])

        plsc.subcore_barrier()

        for b in range(NBUF):
            pltpu.async_copy(zs.at[src_v.at[b]], rows.at[b], gsems[b])

        @pl.loop(0, KB // NBUF)
        def _(g):
            j0 = NBUF * g
            for b in range(NBUF):
                pltpu.make_async_copy(
                    zs.at[src_v.at[j0 + b]], rows.at[b], gsems[b]).wait()
                pltpu.async_copy(rows.at[b], acc.at[dst_v.at[j0 + b]],
                                 ssems[b], add=True)
            for b in range(NBUF):
                @pl.when(j0 + b + NBUF < KB)
                def _():
                    pltpu.make_async_copy(
                        rows.at[b], acc.at[dst_v.at[j0 + b]], ssems[b]).wait()
                    pltpu.async_copy(
                        zs.at[src_v.at[j0 + b + NBUF]], rows.at[b], gsems[b])

        for b in range(NBUF):
            pltpu.make_async_copy(
                rows.at[b], acc.at[dst_v.at[KB - NBUF + b]], ssems[b]).wait()

        plsc.subcore_barrier()

        @pl.loop(0, RPT // ZR)
        def _(i):
            sl = pl.ds(s * RPT + i * ZR, ZR)
            pltpu.sync_copy(acc.at[sl], out_hbm.at[c, sl])

    return agg


_sc_agg16 = _make_sc_agg(C)


BLK = 1024


def _tc_pre_body(dp_ref, x_ref, w_ref, isd_ref, z_ref):
    deg = dp_ref[0, :, 0] + dp_ref[1, :, 0] + 1.0
    isd = lax.rsqrt(deg)
    isd_ref[...] = isd
    z_ref[...] = jnp.dot(x_ref[...] * isd[:, None], w_ref[...],
                         preferred_element_type=jnp.float32).astype(jnp.bfloat16)


def _tc_pre(degp, x_pad, W1):
    return pl.pallas_call(
        _tc_pre_body,
        grid=(NP // BLK,),
        in_specs=[
            pl.BlockSpec((NC, BLK, DW), lambda i: (0, i, 0)),
            pl.BlockSpec((BLK, D), lambda i: (i, 0)),
            pl.BlockSpec((D, H), lambda i: (0, 0)),
        ],
        out_specs=[
            pl.BlockSpec((BLK,), lambda i: (i,)),
            pl.BlockSpec((BLK, H), lambda i: (i, 0)),
        ],
        out_shape=[
            jax.ShapeDtypeStruct((NP,), jnp.float32),
            jax.ShapeDtypeStruct((NP, H), jnp.bfloat16),
        ],
    )(degp, x_pad, W1)


def _tc_mid_body(isd_ref, p_ref, b1_ref, w2_ref, z2_ref):
    isd = isd_ref[...]
    agg = p_ref[...].astype(jnp.float32)
    h = jnp.maximum(agg * isd[:, None] + b1_ref[...][None, :], 0.0)
    z2_ref[...] = jnp.dot(h * isd[:, None], w2_ref[...],
                          preferred_element_type=jnp.float32)


def _tc_mid(isd, p, b1, W2):
    return pl.pallas_call(
        _tc_mid_body,
        grid=(NP // BLK,),
        in_specs=[
            pl.BlockSpec((BLK,), lambda i: (i,)),
            pl.BlockSpec((BLK, H), lambda i: (i, 0)),
            pl.BlockSpec((H,), lambda i: (0,)),
            pl.BlockSpec((H, C), lambda i: (0, 0)),
        ],
        out_specs=pl.BlockSpec((BLK, C), lambda i: (i, 0)),
        out_shape=jax.ShapeDtypeStruct((NP, C), jnp.float32),
    )(isd, p, b1, W2)


def _tc_post_body(isd_ref, p0_ref, p1_ref, b2_ref, out_ref):
    logits = ((p0_ref[:N, :] + p1_ref[:N, :]) * isd_ref[:N][:, None]
              + b2_ref[...][None, :])
    m = jnp.max(logits, axis=-1, keepdims=True)
    e = jnp.exp(logits - m)
    out_ref[...] = e / jnp.sum(e, axis=-1, keepdims=True)


def _tc_post(isd, p0, p1, b2):
    return pl.pallas_call(
        _tc_post_body,
        grid=(1,),
        in_specs=[
            pl.BlockSpec((NP,), lambda i: (0,)),
            pl.BlockSpec((NP, C), lambda i: (0, 0)),
            pl.BlockSpec((NP, C), lambda i: (0, 0)),
            pl.BlockSpec((C,), lambda i: (0,)),
        ],
        out_specs=pl.BlockSpec((N, C), lambda i: (0, 0)),
        out_shape=jax.ShapeDtypeStruct((N, C), jnp.float32),
    )(isd, p0, p1, b2)


@jax.jit
def kernel(node_embeddings, adjacency_lists, W1, b1, W2, b2):
    adj2d = jnp.pad(adjacency_lists, ((0, 0), (0, EP - E)),
                    constant_values=N).reshape(2, EP // 128, 128)

    degp = _sc_degree(adj2d)
    isd, z1 = _tc_pre(degp, node_embeddings, W1)
    agg1 = _sc_agg128(z1, adj2d)
    z2 = _tc_mid(isd, agg1, b1, W2)
    agg2 = _sc_agg16(z2, adj2d)
    return _tc_post(isd, agg2[0], agg2[1], b2)

# --- scband reference (transcript-rebuilt; emitter-appended) ---
"""Pipeline reference for scband-gcnlayer-56530359550274 (READ-ONLY COPY).

The authoritative reference and input builder live on the scoring server;
editing this copy changes nothing except your own understanding.
"""

import jax, jax.numpy as jnp
import numpy as np

N = 10000
E = 320000
D = 128
H = 128
C = 16


def setup_inputs(seed: int = 0) -> dict:
    key = jax.random.key(seed)
    k1, k2, k3, k4, k5, k6 = jax.random.split(key, 6)
    node_embeddings = jax.random.normal(k1, (N, D), dtype=jnp.float32)
    adjacency_lists = jax.random.randint(k2, (2, E), 0, N, dtype=jnp.int32)
    W1 = jax.random.normal(k3, (D, H), dtype=jnp.float32) / jnp.sqrt(D)
    b1 = jnp.zeros((H,), dtype=jnp.float32)
    W2 = jax.random.normal(k4, (H, C), dtype=jnp.float32) / jnp.sqrt(H)
    b2 = jnp.zeros((C,), dtype=jnp.float32)
    return {"node_embeddings": node_embeddings, "adjacency_lists": adjacency_lists,
            "W1": W1, "b1": b1, "W2": W2, "b2": b2}


def _gcn_conv(x, src, dst, W, b):
    # symmetric-normalized GCN aggregation: A_hat @ x @ W + b
    deg = jnp.zeros((N,), x.dtype).at[dst].add(1.0) + 1.0  # +1 ~ self-loop smoothing, avoids div-by-zero
    norm = jax.lax.rsqrt(deg[src] * deg[dst])
    msgs = jnp.take(x, src, axis=0) * norm[:, None]        # gather (SparseCore)
    agg = jax.ops.segment_sum(msgs, dst, num_segments=N)   # scatter-add (SparseCore)
    return agg @ W + b


def reference(node_embeddings, adjacency_lists, W1, b1, W2, b2):
    # dropout layers are identity in eval mode (predict path: training=False)
    src = adjacency_lists[0]
    dst = adjacency_lists[1]
    h = _gcn_conv(node_embeddings, src, dst, W1, b1)
    h = jax.nn.relu(h)
    out = _gcn_conv(h, src, dst, W2, b2)
    return jax.nn.softmax(out, axis=-1)

if __name__ == "__main__":
    import jax
    _d = setup_inputs()
    print(jax.jit(kernel)(*tuple(_d.values())))

</pallas_src>

<mosaic_0001>
#map = affine_map<(d0, d1) -> (0, 0)>
#map1 = affine_map<(d0, d1) -> (0, 0, 0)>
module attributes {stable_mosaic.version = 14 : i64} {
  func.func @_sc_agg128(%arg0: i32, %arg1: i32, %arg2: memref<10240x128xbf16, #tpu.memory_space<hbm>>, %arg3: memref<2x2560x128xi32, #tpu.memory_space<hbm>>, %arg4: memref<10240x128xbf16, #tpu.memory_space<hbm>>, %arg5: memref<160x128xi32, #tpu.memory_space<vmem>>, %arg6: memref<160x128xi32, #tpu.memory_space<vmem>>, %arg7: memref<4x128x64xbf16, #tpu.memory_space<vmem>>, %arg8: memref<64x64xbf16, #tpu.memory_space<vmem>>, %arg9: memref<10240x64xbf16, #tpu.memory_space<vmem_shared>>, %arg10: memref<10240x64xbf16, #tpu.memory_space<vmem_shared>>, %arg11: memref<!tpu.dma_semaphore, #tpu.memory_space<semaphore_mem>>, %arg12: memref<!tpu.dma_semaphore, #tpu.memory_space<semaphore_mem>>, %arg13: memref<!tpu.dma_semaphore, #tpu.memory_space<semaphore_mem>>, %arg14: memref<!tpu.dma_semaphore, #tpu.memory_space<semaphore_mem>>, %arg15: memref<!tpu.dma_semaphore, #tpu.memory_space<semaphore_mem>>, %arg16: memref<!tpu.dma_semaphore, #tpu.memory_space<semaphore_mem>>, %arg17: memref<!tpu.dma_semaphore, #tpu.memory_space<semaphore_mem>>, %arg18: memref<!tpu.dma_semaphore, #tpu.memory_space<semaphore_mem>>) attributes {dimension_semantics = [#tpu.dimension_semantics<core_parallel>, #tpu.dimension_semantics<subcore_parallel>], iteration_bounds = array<i64: 2, 16>, scalar_prefetch = 0 : i64, scratch_operands = 14 : i64, tpu.core_type = #tpu.core_type<sc_vector_subcore>, window_params = [{transform_indices = #map}, {transform_indices = #map1}, {transform_indices = #map}]} {
    %mul3A = arith.constant 640 : i32
    %mul3A_0 = arith.muli %arg1, %mul3A : i32
    %mul3A_1 = arith.constant 64 : i32
    %mul3A_2 = arith.muli %arg0, %mul3A_1 : i32
    %mul3A_3 = arith.constant 640 : i32
    %mul3A_4 = arith.muli %arg1, %mul3A_3 : i32
    "tpu.region"() ({
      %run_scoped3A_125 = tpu.sem_alloc : memref<!tpu.dma_semaphore, #tpu.memory_space<semaphore_mem>>
      %dma_start3A_126 = arith.constant 0 : i32
      %dma_start3A_127 = tpu.memref_slice %arg10[%mul3A_4, %dma_start3A_126] : memref<10240x64xbf16, #tpu.memory_space<vmem_shared>> -> memref<640x64xbf16, #tpu.memory_space<vmem_shared>>
      %dma_start3A_128 = tpu.memref_slice %arg2[%mul3A_0, %mul3A_2] : memref<10240x128xbf16, #tpu.memory_space<hbm>> -> memref<640x64xbf16, #tpu.memory_space<hbm>>
      tpu.enqueue_dma source(%dma_start3A_128 : memref<640x64xbf16, #tpu.memory_space<hbm>>) target(%dma_start3A_127 : memref<640x64xbf16, #tpu.memory_space<vmem_shared>>) target_semaphore(%run_scoped3A_125 : memref<!tpu.dma_semaphore, #tpu.memory_space<semaphore_mem>>)
      %dma_wait3A_129 = arith.constant 0 : i32
      %dma_wait3A_130 = tpu.memref_slice %arg10[%mul3A_4, %dma_wait3A_129] : memref<10240x64xbf16, #tpu.memory_space<vmem_shared>> -> memref<640x64xbf16, #tpu.memory_space<vmem_shared>>
      %dma_wait3A_131 = tpu.memref_slice %arg2[%mul3A_0, %mul3A_2] : memref<10240x128xbf16, #tpu.memory_space<hbm>> -> memref<640x64xbf16, #tpu.memory_space<hbm>>
      tpu.wait_dma2 semaphore(%run_scoped3A_125 : memref<!tpu.dma_semaphore, #tpu.memory_space<semaphore_mem>>) src(%dma_wait3A_131 : memref<640x64xbf16, #tpu.memory_space<hbm>>) dst(%dma_wait3A_130 : memref<640x64xbf16, #tpu.memory_space<vmem_shared>>)
      tpu.yield
    }) : () -> ()
    %mul3A_5 = arith.constant 160 : i32
    %mul3A_6 = arith.muli %arg1, %mul3A_5 : i32
    %run_scoped3A = arith.constant 0 : i32
    "tpu.region"() ({
      %run_scoped3A_125 = tpu.sem_alloc : memref<!tpu.dma_semaphore, #tpu.memory_space<semaphore_mem>>
      %dma_start3A_126 = arith.constant 0 : i32
      %dma_start3A_127 = tpu.memref_slice %arg3[%run_scoped3A, %mul3A_6, %dma_start3A_126] : memref<2x2560x128xi32, #tpu.memory_space<hbm>> -> memref<1x160x128xi32, #tpu.memory_space<hbm>>
      %dma_start3A_128 = tpu.memref_squeeze %dma_start3A_127 : memref<1x160x128xi32, #tpu.memory_space<hbm>> -> memref<160x128xi32, #tpu.memory_space<hbm>>
      %dma_start3A_129 = arith.constant 0 : i32
      %dma_start3A_130 = tpu.memref_slice %arg3[%run_scoped3A, %mul3A_6, %dma_start3A_129] : memref<2x2560x128xi32, #tpu.memory_space<hbm>> -> memref<1x160x128xi32, #tpu.memory_space<hbm>>
      %dma_start3A_131 = tpu.memref_squeeze %dma_start3A_130 : memref<1x160x128xi32, #tpu.memory_space<hbm>> -> memref<160x128xi32, #tpu.memory_space<hbm>>
      tpu.enqueue_dma source(%dma_start3A_131 : memref<160x128xi32, #tpu.memory_space<hbm>>) target(%arg5 : memref<160x128xi32, #tpu.memory_space<vmem>>) target_semaphore(%run_scoped3A_125 : memref<!tpu.dma_semaphore, #tpu.memory_space<semaphore_mem>>)
      %dma_wait3A_132 = arith.constant 0 : i32
      %dma_wait3A_133 = tpu.memref_slice %arg3[%run_scoped3A, %mul3A_6, %dma_wait3A_132] : memref<2x2560x128xi32, #tpu.memory_space<hbm>> -> memref<1x160x128xi32, #tpu.memory_space<hbm>>
      %dma_wait3A_134 = tpu.memref_squeeze %dma_wait3A_133 : memref<1x160x128xi32, #tpu.memory_space<hbm>> -> memref<160x128xi32, #tpu.memory_space<hbm>>
      %dma_wait3A_135 = arith.constant 0 : i32
      %dma_wait3A_136 = tpu.memref_slice %arg3[%run_scoped3A, %mul3A_6, %dma_wait3A_135] : memref<2x2560x128xi32, #tpu.memory_space<hbm>> -> memref<1x160x128xi32, #tpu.memory_space<hbm>>
      %dma_wait3A_137 = tpu.memref_squeeze %dma_wait3A_136 : memref<1x160x128xi32, #tpu.memory_space<hbm>> -> memref<160x128xi32, #tpu.memory_space<hbm>>
      tpu.wait_dma2 semaphore(%run_scoped3A_125 : memref<!tpu.dma_semaphore, #tpu.memory_space<semaphore_mem>>) src(%dma_wait3A_137 : memref<160x128xi32, #tpu.memory_space<hbm>>) dst(%arg5 : memref<160x128xi32, #tpu.memory_space<vmem>>)
      tpu.yield
    }) : () -> ()
    %mul3A_7 = arith.constant 160 : i32
    %mul3A_8 = arith.muli %arg1, %mul3A_7 : i32
    %run_scoped3A_9 = arith.constant 1 : i32
    "tpu.region"() ({
      %run_scoped3A_125 = tpu.sem_alloc : memref<!tpu.dma_semaphore, #tpu.memory_space<semaphore_mem>>
      %dma_start3A_126 = arith.constant 0 : i32
      %dma_start3A_127 = tpu.memref_slice %arg3[%run_scoped3A_9, %mul3A_8, %dma_start3A_126] : memref<2x2560x128xi32, #tpu.memory_space<hbm>> -> memref<1x160x128xi32, #tpu.memory_space<hbm>>
      %dma_start3A_128 = tpu.memref_squeeze %dma_start3A_127 : memref<1x160x128xi32, #tpu.memory_space<hbm>> -> memref<160x128xi32, #tpu.memory_space<hbm>>
      %dma_start3A_129 = arith.constant 0 : i32
      %dma_start3A_130 = tpu.memref_slice %arg3[%run_scoped3A_9, %mul3A_8, %dma_start3A_129] : memref<2x2560x128xi32, #tpu.memory_space<hbm>> -> memref<1x160x128xi32, #tpu.memory_space<hbm>>
      %dma_start3A_131 = tpu.memref_squeeze %dma_start3A_130 : memref<1x160x128xi32, #tpu.memory_space<hbm>> -> memref<160x128xi32, #tpu.memory_space<hbm>>
      tpu.enqueue_dma source(%dma_start3A_131 : memref<160x128xi32, #tpu.memory_space<hbm>>) target(%arg6 : memref<160x128xi32, #tpu.memory_space<vmem>>) target_semaphore(%run_scoped3A_125 : memref<!tpu.dma_semaphore, #tpu.memory_space<semaphore_mem>>)
      %dma_wait3A_132 = arith.constant 0 : i32
      %dma_wait3A_133 = tpu.memref_slice %arg3[%run_scoped3A_9, %mul3A_8, %dma_wait3A_132] : memref<2x2560x128xi32, #tpu.memory_space<hbm>> -> memref<1x160x128xi32, #tpu.memory_space<hbm>>
      %dma_wait3A_134 = tpu.memref_squeeze %dma_wait3A_133 : memref<1x160x128xi32, #tpu.memory_space<hbm>> -> memref<160x128xi32, #tpu.memory_space<hbm>>
      %dma_wait3A_135 = arith.constant 0 : i32
      %dma_wait3A_136 = tpu.memref_slice %arg3[%run_scoped3A_9, %mul3A_8, %dma_wait3A_135] : memref<2x2560x128xi32, #tpu.memory_space<hbm>> -> memref<1x160x128xi32, #tpu.memory_space<hbm>>
      %dma_wait3A_137 = tpu.memref_squeeze %dma_wait3A_136 : memref<1x160x128xi32, #tpu.memory_space<hbm>> -> memref<160x128xi32, #tpu.memory_space<hbm>>
      tpu.wait_dma2 semaphore(%run_scoped3A_125 : memref<!tpu.dma_semaphore, #tpu.memory_space<semaphore_mem>>) src(%dma_wait3A_137 : memref<160x128xi32, #tpu.memory_space<hbm>>) dst(%arg6 : memref<160x128xi32, #tpu.memory_space<vmem>>)
      tpu.yield
    }) : () -> ()
    %broadcast_in_dim3A = arith.constant 0.000000e+00 : bf16
    %broadcast_in_dim3A_10 = vector.broadcast %broadcast_in_dim3A : bf16 to vector<32xbf16>
    %scan3A = arith.constant 0 : i32
    %scan3A_11 = arith.constant 64 : i32
    %scan3A_12 = arith.addi %scan3A, %scan3A_11 : i32
    %scan3A_13 = arith.constant 1 : i32
    scf.for %scan3A_125 = %scan3A to %scan3A_12 step %scan3A_13  : i32 {
      %mul3A_126 = arith.constant 1 : i32
      %mul3A_127 = arith.muli %scan3A_125, %mul3A_126 : i32
      %add3A = arith.constant 0 : i32
      %add3A_128 = arith.addi %add3A, %mul3A_127 : i32
      %scan3A_129 = arith.constant 0 : i32
      %scan3A_130 = arith.constant 2 : i32
      %scan3A_131 = arith.addi %scan3A_129, %scan3A_130 : i32
      %scan3A_132 = arith.constant 1 : i32
      scf.for %scan3A_134 = %scan3A_129 to %scan3A_131 step %scan3A_132  : i32 {
        %mul3A_135 = arith.constant 1 : i32
        %mul3A_136 = arith.muli %scan3A_134, %mul3A_135 : i32
        %add3A_137 = arith.constant 0 : i32
        %add3A_138 = arith.addi %add3A_137, %mul3A_136 : i32
        %mul3A_139 = arith.constant 32 : i32
        %mul3A_140 = arith.muli %add3A_138, %mul3A_139 : i32
        %swap3A = arith.index_cast %add3A_128 : i32 to index
        %swap3A_141 = arith.index_cast %mul3A_140 : i32 to index
        %swap3A_142 = tpu.vector_load %arg8[%swap3A, %swap3A_141] {strides = array<i32>} : memref<64x64xbf16, #tpu.memory_space<vmem>>, vector<1x32xbf16>,
        %swap3A_143 = vector.shape_cast %swap3A_142 : vector<1x32xbf16> to vector<32xbf16>
        %swap3A_144 = vector.shape_cast %broadcast_in_dim3A_10 : vector<32xbf16> to vector<1x32xbf16>
        tpu.vector_store %arg8[%swap3A, %swap3A_141], %swap3A_144 {strides = array<i32>} : memref<64x64xbf16, #tpu.memory_space<vmem>>, vector<1x32xbf16>,
      }
      %scan3A_133 = arith.constant 2 : i32
    }
    %scan3A_14 = arith.constant 64 : i32
    %scan3A_15 = arith.constant 0 : i32
    %scan3A_16 = arith.constant 10 : i32
    %scan3A_17 = arith.addi %scan3A_15, %scan3A_16 : i32
    %scan3A_18 = arith.constant 1 : i32
    scf.for %scan3A_125 = %scan3A_15 to %scan3A_17 step %scan3A_18  : i32 {
      %mul3A_126 = arith.constant 1 : i32
      %mul3A_127 = arith.muli %scan3A_125, %mul3A_126 : i32
      %add3A = arith.constant 0 : i32
      %add3A_128 = arith.addi %add3A, %mul3A_127 : i32
      %mul3A_129 = arith.constant 640 : i32
      %mul3A_130 = arith.muli %arg1, %mul3A_129 : i32
      %mul3A_131 = arith.constant 64 : i32
      %mul3A_132 = arith.muli %add3A_128, %mul3A_131 : i32
      %add3A_133 = arith.addi %mul3A_130, %mul3A_132 : i32
      "tpu.region"() ({
        %run_scoped3A_134 = tpu.sem_alloc : memref<!tpu.dma_semaphore, #tpu.memory_space<semaphore_mem>>
        %dma_start3A_135 = arith.constant 0 : i32
        %dma_start3A_136 = tpu.memref_slice %arg9[%add3A_133, %dma_start3A_135] : memref<10240x64xbf16, #tpu.memory_space<vmem_shared>> -> memref<64x64xbf16, #tpu.memory_space<vmem_shared>>
        %dma_start3A_137 = arith.constant 0 : i32
        %dma_start3A_138 = tpu.memref_slice %arg9[%add3A_133, %dma_start3A_137] : memref<10240x64xbf16, #tpu.memory_space<vmem_shared>> -> memref<64x64xbf16, #tpu.memory_space<vmem_shared>>
        tpu.enqueue_dma source(%arg8 : memref<64x64xbf16, #tpu.memory_space<vmem>>) target(%dma_start3A_138 : memref<64x64xbf16, #tpu.memory_space<vmem_shared>>) target_semaphore(%run_scoped3A_134 : memref<!tpu.dma_semaphore, #tpu.memory_space<semaphore_mem>>)
        %dma_wait3A_139 = arith.constant 0 : i32
        %dma_wait3A_140 = tpu.memref_slice %arg9[%add3A_133, %dma_wait3A_139] : memref<10240x64xbf16, #tpu.memory_space<vmem_shared>> -> memref<64x64xbf16, #tpu.memory_space<vmem_shared>>
        %dma_wait3A_141 = arith.constant 0 : i32
        %dma_wait3A_142 = tpu.memref_slice %arg9[%add3A_133, %dma_wait3A_141] : memref<10240x64xbf16, #tpu.memory_space<vmem_shared>> -> memref<64x64xbf16, #tpu.memory_space<vmem_shared>>
        tpu.wait_dma2 semaphore(%run_scoped3A_134 : memref<!tpu.dma_semaphore, #tpu.memory_space<semaphore_mem>>) src(%arg8 : memref<64x64xbf16, #tpu.memory_space<vmem>>) dst(%dma_wait3A_142 : memref<64x64xbf16, #tpu.memory_space<vmem_shared>>)
        tpu.yield
      }) : () -> ()
    }
    %scan3A_19 = arith.constant 10 : i32
    %barrier3A = arith.constant 0 : index
    tpu.barrier barrier_id(%barrier3A)
    %dma_start3A = arith.constant 0 : i32
    %dma_start3A_20 = arith.constant 0 : i32
    %dma_start3A_21 = arith.constant 0 : i32
    %dma_start3A_22 = arith.constant 0 : i32
    %dma_start3A_23 = tpu.memref_slice %arg7[%dma_start3A_20, %dma_start3A_21, %dma_start3A_22] : memref<4x128x64xbf16, #tpu.memory_space<vmem>> -> memref<1x128x64xbf16, #tpu.memory_space<vmem>>
    %dma_start3A_24 = tpu.memref_squeeze %dma_start3A_23 : memref<1x128x64xbf16, #tpu.memory_space<vmem>> -> memref<128x64xbf16, #tpu.memory_space<vmem>>
    %dma_start3A_25 = arith.constant 0 : i32
    %dma_start3A_26 = tpu.memref_slice %arg5[%dma_start3A, %dma_start3A_25] : memref<160x128xi32, #tpu.memory_space<vmem>> -> memref<1x128xi32, #tpu.memory_space<vmem>>
    %dma_start3A_27 = tpu.memref_squeeze %dma_start3A_26 : memref<1x128xi32, #tpu.memory_space<vmem>> -> memref<128xi32, #tpu.memory_space<vmem>>
    %dma_start3A_28 = arith.constant 0 : i32
    %dma_start3A_29 = arith.constant 0 : i32
    %dma_start3A_30 = tpu.memref_slice %arg10[%dma_start3A_28, %dma_start3A_29] : memref<10240x64xbf16, #tpu.memory_space<vmem_shared>> -> memref<10240x64xbf16, #tpu.memory_space<vmem_shared>>
    tpu.enqueue_indirect_dma source(%dma_start3A_30 : memref<10240x64xbf16, #tpu.memory_space<vmem_shared>>) target(%dma_start3A_24 : memref<128x64xbf16, #tpu.memory_space<vmem>>) offsets(%dma_start3A_27 : memref<128xi32, #tpu.memory_space<vmem>>) semaphore(%arg11 : memref<!tpu.dma_semaphore, #tpu.memory_space<semaphore_mem>>)
    %dma_start3A_31 = arith.constant 1 : i32
    %dma_start3A_32 = arith.constant 1 : i32
    %dma_start3A_33 = arith.constant 0 : i32
    %dma_start3A_34 = arith.constant 0 : i32
    %dma_start3A_35 = tpu.memref_slice %arg7[%dma_start3A_32, %dma_start3A_33, %dma_start3A_34] : memref<4x128x64xbf16, #tpu.memory_space<vmem>> -> memref<1x128x64xbf16, #tpu.memory_space<vmem>>
    %dma_start3A_36 = tpu.memref_squeeze %dma_start3A_35 : memref<1x128x64xbf16, #tpu.memory_space<vmem>> -> memref<128x64xbf16, #tpu.memory_space<vmem>>
    %dma_start3A_37 = arith.constant 0 : i32
    %dma_start3A_38 = tpu.memref_slice %arg5[%dma_start3A_31, %dma_start3A_37] : memref<160x128xi32, #tpu.memory_space<vmem>> -> memref<1x128xi32, #tpu.memory_space<vmem>>
    %dma_start3A_39 = tpu.memref_squeeze %dma_start3A_38 : memref<1x128xi32, #tpu.memory_space<vmem>> -> memref<128xi32, #tpu.memory_space<vmem>>
    %dma_start3A_40 = arith.constant 0 : i32
    %dma_start3A_41 = arith.constant 0 : i32
    %dma_start3A_42 = tpu.memref_slice %arg10[%dma_start3A_40, %dma_start3A_41] : memref<10240x64xbf16, #tpu.memory_space<vmem_shared>> -> memref<10240x64xbf16, #tpu.memory_space<vmem_shared>>
    tpu.enqueue_indirect_dma source(%dma_start3A_42 : memref<10240x64xbf16, #tpu.memory_space<vmem_shared>>) target(%dma_start3A_36 : memref<128x64xbf16, #tpu.memory_space<vmem>>) offsets(%dma_start3A_39 : memref<128xi32, #tpu.memory_space<vmem>>) semaphore(%arg12 : memref<!tpu.dma_semaphore, #tpu.memory_space<semaphore_mem>>)
    %dma_start3A_43 = arith.constant 2 : i32
    %dma_start3A_44 = arith.constant 2 : i32
    %dma_start3A_45 = arith.constant 0 : i32
    %dma_start3A_46 = arith.constant 0 : i32
    %dma_start3A_47 = tpu.memref_slice %arg7[%dma_start3A_44, %dma_start3A_45, %dma_start3A_46] : memref<4x128x64xbf16, #tpu.memory_space<vmem>> -> memref<1x128x64xbf16, #tpu.memory_space<vmem>>
    %dma_start3A_48 = tpu.memref_squeeze %dma_start3A_47 : memref<1x128x64xbf16, #tpu.memory_space<vmem>> -> memref<128x64xbf16, #tpu.memory_space<vmem>>
    %dma_start3A_49 = arith.constant 0 : i32
    %dma_start3A_50 = tpu.memref_slice %arg5[%dma_start3A_43, %dma_start3A_49] : memref<160x128xi32, #tpu.memory_space<vmem>> -> memref<1x128xi32, #tpu.memory_space<vmem>>
    %dma_start3A_51 = tpu.memref_squeeze %dma_start3A_50 : memref<1x128xi32, #tpu.memory_space<vmem>> -> memref<128xi32, #tpu.memory_space<vmem>>
    %dma_start3A_52 = arith.constant 0 : i32
    %dma_start3A_53 = arith.constant 0 : i32
    %dma_start3A_54 = tpu.memref_slice %arg10[%dma_start3A_52, %dma_start3A_53] : memref<10240x64xbf16, #tpu.memory_space<vmem_shared>> -> memref<10240x64xbf16, #tpu.memory_space<vmem_shared>>
    tpu.enqueue_indirect_dma source(%dma_start3A_54 : memref<10240x64xbf16, #tpu.memory_space<vmem_shared>>) target(%dma_start3A_48 : memref<128x64xbf16, #tpu.memory_space<vmem>>) offsets(%dma_start3A_51 : memref<128xi32, #tpu.memory_space<vmem>>) semaphore(%arg13 : memref<!tpu.dma_semaphore, #tpu.memory_space<semaphore_mem>>)
    %dma_start3A_55 = arith.constant 3 : i32
    %dma_start3A_56 = arith.constant 3 : i32
    %dma_start3A_57 = arith.constant 0 : i32
    %dma_start3A_58 = arith.constant 0 : i32
    %dma_start3A_59 = tpu.memref_slice %arg7[%dma_start3A_56, %dma_start3A_57, %dma_start3A_58] : memref<4x128x64xbf16, #tpu.memory_space<vmem>> -> memref<1x128x64xbf16, #tpu.memory_space<vmem>>
    %dma_start3A_60 = tpu.memref_squeeze %dma_start3A_59 : memref<1x128x64xbf16, #tpu.memory_space<vmem>> -> memref<128x64xbf16, #tpu.memory_space<vmem>>
    %dma_start3A_61 = arith.constant 0 : i32
    %dma_start3A_62 = tpu.memref_slice %arg5[%dma_start3A_55, %dma_start3A_61] : memref<160x128xi32, #tpu.memory_space<vmem>> -> memref<1x128xi32, #tpu.memory_space<vmem>>
    %dma_start3A_63 = tpu.memref_squeeze %dma_start3A_62 : memref<1x128xi32, #tpu.memory_space<vmem>> -> memref<128xi32, #tpu.memory_space<vmem>>
    %dma_start3A_64 = arith.constant 0 : i32
    %dma_start3A_65 = arith.constant 0 : i32
    %dma_start3A_66 = tpu.memref_slice %arg10[%dma_start3A_64, %dma_start3A_65] : memref<10240x64xbf16, #tpu.memory_space<vmem_shared>> -> memref<10240x64xbf16, #tpu.memory_space<vmem_shared>>
    tpu.enqueue_indirect_dma source(%dma_start3A_66 : memref<10240x64xbf16, #tpu.memory_space<vmem_shared>>) target(%dma_start3A_60 : memref<128x64xbf16, #tpu.memory_space<vmem>>) offsets(%dma_start3A_63 : memref<128xi32, #tpu.memory_space<vmem>>) semaphore(%arg14 : memref<!tpu.dma_semaphore, #tpu.memory_space<semaphore_mem>>)
    %scan3A_67 = arith.constant 0 : i32
    %scan3A_68 = arith.constant 40 : i32
    %scan3A_69 = arith.addi %scan3A_67, %scan3A_68 : i32
    %scan3A_70 = arith.constant 1 : i32
    scf.for %scan3A_125 = %scan3A_67 to %scan3A_69 step %scan3A_70  : i32 {
      %mul3A_126 = arith.constant 1 : i32
      %mul3A_127 = arith.muli %scan3A_125, %mul3A_126 : i32
      %add3A = arith.constant 0 : i32
      %add3A_128 = arith.addi %add3A, %mul3A_127 : i32
      %mul3A_129 = arith.constant 4 : i32
      %mul3A_130 = arith.muli %mul3A_129, %add3A_128 : i32
      %add3A_131 = arith.constant 0 : i32
      %add3A_132 = arith.addi %mul3A_130, %add3A_131 : i32
      %dma_wait3A_133 = arith.constant 0 : i32
      %dma_wait3A_134 = arith.constant 0 : i32
      %dma_wait3A_135 = arith.constant 0 : i32
      %dma_wait3A_136 = tpu.memref_slice %arg7[%dma_wait3A_133, %dma_wait3A_134, %dma_wait3A_135] : memref<4x128x64xbf16, #tpu.memory_space<vmem>> -> memref<1x128x64xbf16, #tpu.memory_space<vmem>>
      %dma_wait3A_137 = tpu.memref_squeeze %dma_wait3A_136 : memref<1x128x64xbf16, #tpu.memory_space<vmem>> -> memref<128x64xbf16, #tpu.memory_space<vmem>>
      %dma_wait3A_138 = arith.constant 0 : i32
      %dma_wait3A_139 = tpu.memref_slice %arg5[%add3A_132, %dma_wait3A_138] : memref<160x128xi32, #tpu.memory_space<vmem>> -> memref<1x128xi32, #tpu.memory_space<vmem>>
      %dma_wait3A_140 = tpu.memref_squeeze %dma_wait3A_139 : memref<1x128xi32, #tpu.memory_space<vmem>> -> memref<128xi32, #tpu.memory_space<vmem>>
      %dma_wait3A_141 = arith.constant 0 : i32
      %dma_wait3A_142 = arith.constant 0 : i32
      %dma_wait3A_143 = tpu.memref_slice %arg10[%dma_wait3A_141, %dma_wait3A_142] : memref<10240x64xbf16, #tpu.memory_space<vmem_shared>> -> memref<10240x64xbf16, #tpu.memory_space<vmem_shared>>
      tpu.wait_indirect_dma semaphore(%arg11 : memref<!tpu.dma_semaphore, #tpu.memory_space<semaphore_mem>>) src(%dma_wait3A_143 : memref<10240x64xbf16, #tpu.memory_space<vmem_shared>>) dst(%dma_wait3A_137 : memref<128x64xbf16, #tpu.memory_space<vmem>>)
      %add3A_144 = arith.constant 0 : i32
      %add3A_145 = arith.addi %mul3A_130, %add3A_144 : i32
      %dma_start3A_146 = arith.constant 0 : i32
      %dma_start3A_147 = arith.constant 0 : i32
      %dma_start3A_148 = arith.constant 0 : i32
      %dma_start3A_149 = tpu.memref_slice %arg7[%dma_start3A_146, %dma_start3A_147, %dma_start3A_148] : memref<4x128x64xbf16, #tpu.memory_space<vmem>> -> memref<1x128x64xbf16, #tpu.memory_space<vmem>>
      %dma_start3A_150 = tpu.memref_squeeze %dma_start3A_149 : memref<1x128x64xbf16, #tpu.memory_space<vmem>> -> memref<128x64xbf16, #tpu.memory_space<vmem>>
      %dma_start3A_151 = arith.constant 0 : i32
      %dma_start3A_152 = tpu.memref_slice %arg6[%add3A_145, %dma_start3A_151] : memref<160x128xi32, #tpu.memory_space<vmem>> -> memref<1x128xi32, #tpu.memory_space<vmem>>
      %dma_start3A_153 = tpu.memref_squeeze %dma_start3A_152 : memref<1x128xi32, #tpu.memory_space<vmem>> -> memref<128xi32, #tpu.memory_space<vmem>>
      %dma_start3A_154 = arith.constant 0 : i32
      %dma_start3A_155 = arith.constant 0 : i32
      %dma_start3A_156 = tpu.memref_slice %arg9[%dma_start3A_154, %dma_start3A_155] : memref<10240x64xbf16, #tpu.memory_space<vmem_shared>> -> memref<10240x64xbf16, #tpu.memory_space<vmem_shared>>
      tpu.enqueue_indirect_dma source(%dma_start3A_150 : memref<128x64xbf16, #tpu.memory_space<vmem>>) target(%dma_start3A_156 : memref<10240x64xbf16, #tpu.memory_space<vmem_shared>>) offsets(%dma_start3A_153 : memref<128xi32, #tpu.memory_space<vmem>>) semaphore(%arg15 : memref<!tpu.dma_semaphore, #tpu.memory_space<semaphore_mem>>) {add = true}
      %add3A_157 = arith.constant 1 : i32
      %add3A_158 = arith.addi %mul3A_130, %add3A_157 : i32
      %dma_wait3A_159 = arith.constant 1 : i32
      %dma_wait3A_160 = arith.constant 0 : i32
      %dma_wait3A_161 = arith.constant 0 : i32
      %dma_wait3A_162 = tpu.memref_slice %arg7[%dma_wait3A_159, %dma_wait3A_160, %dma_wait3A_161] : memref<4x128x64xbf16, #tpu.memory_space<vmem>> -> memref<1x128x64xbf16, #tpu.memory_space<vmem>>
      %dma_wait3A_163 = tpu.memref_squeeze %dma_wait3A_162 : memref<1x128x64xbf16, #tpu.memory_space<vmem>> -> memref<128x64xbf16, #tpu.memory_space<vmem>>
      %dma_wait3A_164 = arith.constant 0 : i32
      %dma_wait3A_165 = tpu.memref_slice %arg5[%add3A_158, %dma_wait3A_164] : memref<160x128xi32, #tpu.memory_space<vmem>> -> memref<1x128xi32, #tpu.memory_space<vmem>>
      %dma_wait3A_166 = tpu.memref_squeeze %dma_wait3A_165 : memref<1x128xi32, #tpu.memory_space<vmem>> -> memref<128xi32, #tpu.memory_space<vmem>>
      %dma_wait3A_167 = arith.constant 0 : i32
      %dma_wait3A_168 = arith.constant 0 : i32
      %dma_wait3A_169 = tpu.memref_slice %arg10[%dma_wait3A_167, %dma_wait3A_168] : memref<10240x64xbf16, #tpu.memory_space<vmem_shared>> -> memref<10240x64xbf16, #tpu.memory_space<vmem_shared>>
      tpu.wait_indirect_dma semaphore(%arg12 : memref<!tpu.dma_semaphore, #tpu.memory_space<semaphore_mem>>) src(%dma_wait3A_169 : memref<10240x64xbf16, #tpu.memory_space<vmem_shared>>) dst(%dma_wait3A_163 : memref<128x64xbf16, #tpu.memory_space<vmem>>)
      %add3A_170 = arith.constant 1 : i32
      %add3A_171 = arith.addi %mul3A_130, %add3A_170 : i32
      %dma_start3A_172 = arith.constant 1 : i32
      %dma_start3A_173 = arith.constant 0 : i32
      %dma_start3A_174 = arith.constant 0 : i32
      %dma_start3A_175 = tpu.memref_slice %arg7[%dma_start3A_172, %dma_start3A_173, %dma_start3A_174] : memref<4x128x64xbf16, #tpu.memory_space<vmem>> -> memref<1x128x64xbf16, #tpu.memory_space<vmem>>
      %dma_start3A_176 = tpu.memref_squeeze %dma_start3A_175 : memref<1x128x64xbf16, #tpu.memory_space<vmem>> -> memref<128x64xbf16, #tpu.memory_space<vmem>>
      %dma_start3A_177 = arith.constant 0 : i32
      %dma_start3A_178 = tpu.memref_slice %arg6[%add3A_171, %dma_start3A_177] : memref<160x128xi32, #tpu.memory_space<vmem>> -> memref<1x128xi32, #tpu.memory_space<vmem>>
      %dma_start3A_179 = tpu.memref_squeeze %dma_start3A_178 : memref<1x128xi32, #tpu.memory_space<vmem>> -> memref<128xi32, #tpu.memory_space<vmem>>
      %dma_start3A_180 = arith.constant 0 : i32
      %dma_start3A_181 = arith.constant 0 : i32
      %dma_start3A_182 = tpu.memref_slice %arg9[%dma_start3A_180, %dma_start3A_181] : memref<10240x64xbf16, #tpu.memory_space<vmem_shared>> -> memref<10240x64xbf16, #tpu.memory_space<vmem_shared>>
      tpu.enqueue_indirect_dma source(%dma_start3A_176 : memref<128x64xbf16, #tpu.memory_space<vmem>>) target(%dma_start3A_182 : memref<10240x64xbf16, #tpu.memory_space<vmem_shared>>) offsets(%dma_start3A_179 : memref<128xi32, #tpu.memory_space<vmem>>) semaphore(%arg16 : memref<!tpu.dma_semaphore, #tpu.memory_space<semaphore_mem>>) {add = true}
      %add3A_183 = arith.constant 2 : i32
      %add3A_184 = arith.addi %mul3A_130, %add3A_183 : i32
      %dma_wait3A_185 = arith.constant 2 : i32
      %dma_wait3A_186 = arith.constant 0 : i32
      %dma_wait3A_187 = arith.constant 0 : i32
      %dma_wait3A_188 = tpu.memref_slice %arg7[%dma_wait3A_185, %dma_wait3A_186, %dma_wait3A_187] : memref<4x128x64xbf16, #tpu.memory_space<vmem>> -> memref<1x128x64xbf16, #tpu.memory_space<vmem>>
      %dma_wait3A_189 = tpu.memref_squeeze %dma_wait3A_188 : memref<1x128x64xbf16, #tpu.memory_space<vmem>> -> memref<128x64xbf16, #tpu.memory_space<vmem>>
      %dma_wait3A_190 = arith.constant 0 : i32
      %dma_wait3A_191 = tpu.memref_slice %arg5[%add3A_184, %dma_wait3A_190] : memref<160x128xi32, #tpu.memory_space<vmem>> -> memref<1x128xi32, #tpu.memory_space<vmem>>
      %dma_wait3A_192 = tpu.memref_squeeze %dma_wait3A_191 : memref<1x128xi32, #tpu.memory_space<vmem>> -> memref<128xi32, #tpu.memory_space<vmem>>
      %dma_wait3A_193 = arith.constant 0 : i32
      %dma_wait3A_194 = arith.constant 0 : i32
      %dma_wait3A_195 = tpu.memref_slice %arg10[%dma_wait3A_193, %dma_wait3A_194] : memref<10240x64xbf16, #tpu.memory_space<vmem_shared>> -> memref<10240x64xbf16, #tpu.memory_space<vmem_shared>>
      tpu.wait_indirect_dma semaphore(%arg13 : memref<!tpu.dma_semaphore, #tpu.memory_space<semaphore_mem>>) src(%dma_wait3A_195 : memref<10240x64xbf16, #tpu.memory_space<vmem_shared>>) dst(%dma_wait3A_189 : memref<128x64xbf16, #tpu.memory_space<vmem>>)
      %add3A_196 = arith.constant 2 : i32
      %add3A_197 = arith.addi %mul3A_130, %add3A_196 : i32
      %dma_start3A_198 = arith.constant 2 : i32
      %dma_start3A_199 = arith.constant 0 : i32
      %dma_start3A_200 = arith.constant 0 : i32
      %dma_start3A_201 = tpu.memref_slice %arg7[%dma_start3A_198, %dma_start3A_199, %dma_start3A_200] : memref<4x128x64xbf16, #tpu.memory_space<vmem>> -> memref<1x128x64xbf16, #tpu.memory_space<vmem>>
      %dma_start3A_202 = tpu.memref_squeeze %dma_start3A_201 : memref<1x128x64xbf16, #tpu.memory_space<vmem>> -> memref<128x64xbf16, #tpu.memory_space<vmem>>
      %dma_start3A_203 = arith.constant 0 : i32
      %dma_start3A_204 = tpu.memref_slice %arg6[%add3A_197, %dma_start3A_203] : memref<160x128xi32, #tpu.memory_space<vmem>> -> memref<1x128xi32, #tpu.memory_space<vmem>>
      %dma_start3A_205 = tpu.memref_squeeze %dma_start3A_204 : memref<1x128xi32, #tpu.memory_space<vmem>> -> memref<128xi32, #tpu.memory_space<vmem>>
      %dma_start3A_206 = arith.constant 0 : i32
      %dma_start3A_207 = arith.constant 0 : i32
      %dma_start3A_208 = tpu.memref_slice %arg9[%dma_start3A_206, %dma_start3A_207] : memref<10240x64xbf16, #tpu.memory_space<vmem_shared>> -> memref<10240x64xbf16, #tpu.memory_space<vmem_shared>>
      tpu.enqueue_indirect_dma source(%dma_start3A_202 : memref<128x64xbf16, #tpu.memory_space<vmem>>) target(%dma_start3A_208 : memref<10240x64xbf16, #tpu.memory_space<vmem_shared>>) offsets(%dma_start3A_205 : memref<128xi32, #tpu.memory_space<vmem>>) semaphore(%arg17 : memref<!tpu.dma_semaphore, #tpu.memory_space<semaphore_mem>>) {add = true}
      %add3A_209 = arith.constant 3 : i32
      %add3A_210 = arith.addi %mul3A_130, %add3A_209 : i32
      %dma_wait3A_211 = arith.constant 3 : i32
      %dma_wait3A_212 = arith.constant 0 : i32
      %dma_wait3A_213 = arith.constant 0 : i32
      %dma_wait3A_214 = tpu.memref_slice %arg7[%dma_wait3A_211, %dma_wait3A_212, %dma_wait3A_213] : memref<4x128x64xbf16, #tpu.memory_space<vmem>> -> memref<1x128x64xbf16, #tpu.memory_space<vmem>>
      %dma_wait3A_215 = tpu.memref_squeeze %dma_wait3A_214 : memref<1x128x64xbf16, #tpu.memory_space<vmem>> -> memref<128x64xbf16, #tpu.memory_space<vmem>>
      %dma_wait3A_216 = arith.constant 0 : i32
      %dma_wait3A_217 = tpu.memref_slice %arg5[%add3A_210, %dma_wait3A_216] : memref<160x128xi32, #tpu.memory_space<vmem>> -> memref<1x128xi32, #tpu.memory_space<vmem>>
      %dma_wait3A_218 = tpu.memref_squeeze %dma_wait3A_217 : memref<1x128xi32, #tpu.memory_space<vmem>> -> memref<128xi32, #tpu.memory_space<vmem>>
      %dma_wait3A_219 = arith.constant 0 : i32
      %dma_wait3A_220 = arith.constant 0 : i32
      %dma_wait3A_221 = tpu.memref_slice %arg10[%dma_wait3A_219, %dma_wait3A_220] : memref<10240x64xbf16, #tpu.memory_space<vmem_shared>> -> memref<10240x64xbf16, #tpu.memory_space<vmem_shared>>
      tpu.wait_indirect_dma semaphore(%arg14 : memref<!tpu.dma_semaphore, #tpu.memory_space<semaphore_mem>>) src(%dma_wait3A_221 : memref<10240x64xbf16, #tpu.memory_space<vmem_shared>>) dst(%dma_wait3A_215 : memref<128x64xbf16, #tpu.memory_space<vmem>>)
      %add3A_222 = arith.constant 3 : i32
      %add3A_223 = arith.addi %mul3A_130, %add3A_222 : i32
      %dma_start3A_224 = arith.constant 3 : i32
      %dma_start3A_225 = arith.constant 0 : i32
      %dma_start3A_226 = arith.constant 0 : i32
      %dma_start3A_227 = tpu.memref_slice %arg7[%dma_start3A_224, %dma_start3A_225, %dma_start3A_226] : memref<4x128x64xbf16, #tpu.memory_space<vmem>> -> memref<1x128x64xbf16, #tpu.memory_space<vmem>>
      %dma_start3A_228 = tpu.memref_squeeze %dma_start3A_227 : memref<1x128x64xbf16, #tpu.memory_space<vmem>> -> memref<128x64xbf16, #tpu.memory_space<vmem>>
      %dma_start3A_229 = arith.constant 0 : i32
      %dma_start3A_230 = tpu.memref_slice %arg6[%add3A_223, %dma_start3A_229] : memref<160x128xi32, #tpu.memory_space<vmem>> -> memref<1x128xi32, #tpu.memory_space<vmem>>
      %dma_start3A_231 = tpu.memref_squeeze %dma_start3A_230 : memref<1x128xi32, #tpu.memory_space<vmem>> -> memref<128xi32, #tpu.memory_space<vmem>>
      %dma_start3A_232 = arith.constant 0 : i32
      %dma_start3A_233 = arith.constant 0 : i32
      %dma_start3A_234 = tpu.memref_slice %arg9[%dma_start3A_232, %dma_start3A_233] : memref<10240x64xbf16, #tpu.memory_space<vmem_shared>> -> memref<10240x64xbf16, #tpu.memory_space<vmem_shared>>
      tpu.enqueue_indirect_dma source(%dma_start3A_228 : memref<128x64xbf16, #tpu.memory_space<vmem>>) target(%dma_start3A_234 : memref<10240x64xbf16, #tpu.memory_space<vmem_shared>>) offsets(%dma_start3A_231 : memref<128xi32, #tpu.memory_space<vmem>>) semaphore(%arg18 : memref<!tpu.dma_semaphore, #tpu.memory_space<semaphore_mem>>) {add = true}
      %add3A_235 = arith.constant 0 : i32
      %add3A_236 = arith.addi %mul3A_130, %add3A_235 : i32
      %add3A_237 = arith.constant 4 : i32
      %add3A_238 = arith.addi %add3A_236, %add3A_237 : i32
      %lt3A = arith.constant 160 : i32
      %lt3A_239 = arith.cmpi slt, %add3A_238, %lt3A : i32
      %convert_element_type3A = arith.extui %lt3A_239 : i1 to i32
      %cond3A = arith.constant 0 : i32
      %cond3A_240 = arith.cmpi ne, %convert_element_type3A, %cond3A : i32
      scf.if %cond3A_240 {
        %add3A_268 = arith.constant 0 : i32
        %add3A_269 = arith.addi %mul3A_130, %add3A_268 : i32
        %dma_wait3A_270 = arith.constant 0 : i32
        %dma_wait3A_271 = arith.constant 0 : i32
        %dma_wait3A_272 = arith.constant 0 : i32
        %dma_wait3A_273 = tpu.memref_slice %arg7[%dma_wait3A_270, %dma_wait3A_271, %dma_wait3A_272] : memref<4x128x64xbf16, #tpu.memory_space<vmem>> -> memref<1x128x64xbf16, #tpu.memory_space<vmem>>
        %dma_wait3A_274 = tpu.memref_squeeze %dma_wait3A_273 : memref<1x128x64xbf16, #tpu.memory_space<vmem>> -> memref<128x64xbf16, #tpu.memory_space<vmem>>
        %dma_wait3A_275 = arith.constant 0 : i32
        %dma_wait3A_276 = tpu.memref_slice %arg6[%add3A_269, %dma_wait3A_275] : memref<160x128xi32, #tpu.memory_space<vmem>> -> memref<1x128xi32, #tpu.memory_space<vmem>>
        %dma_wait3A_277 = tpu.memref_squeeze %dma_wait3A_276 : memref<1x128xi32, #tpu.memory_space<vmem>> -> memref<128xi32, #tpu.memory_space<vmem>>
        %dma_wait3A_278 = arith.constant 0 : i32
        %dma_wait3A_279 = arith.constant 0 : i32
        %dma_wait3A_280 = tpu.memref_slice %arg9[%dma_wait3A_278, %dma_wait3A_279] : memref<10240x64xbf16, #tpu.memory_space<vmem_shared>> -> memref<10240x64xbf16, #tpu.memory_space<vmem_shared>>
        tpu.wait_indirect_dma semaphore(%arg15 : memref<!tpu.dma_semaphore, #tpu.memory_space<semaphore_mem>>) src(%dma_wait3A_274 : memref<128x64xbf16, #tpu.memory_space<vmem>>) dst(%dma_wait3A_280 : memref<10240x64xbf16, #tpu.memory_space<vmem_shared>>)
        %add3A_281 = arith.constant 0 : i32
        %add3A_282 = arith.addi %mul3A_130, %add3A_281 : i32
        %add3A_283 = arith.constant 4 : i32
        %add3A_284 = arith.addi %add3A_282, %add3A_283 : i32
        %dma_start3A_285 = arith.constant 0 : i32
        %dma_start3A_286 = arith.constant 0 : i32
        %dma_start3A_287 = arith.constant 0 : i32
        %dma_start3A_288 = tpu.memref_slice %arg7[%dma_start3A_285, %dma_start3A_286, %dma_start3A_287] : memref<4x128x64xbf16, #tpu.memory_space<vmem>> -> memref<1x128x64xbf16, #tpu.memory_space<vmem>>
        %dma_start3A_289 = tpu.memref_squeeze %dma_start3A_288 : memref<1x128x64xbf16, #tpu.memory_space<vmem>> -> memref<128x64xbf16, #tpu.memory_space<vmem>>
        %dma_start3A_290 = arith.constant 0 : i32
        %dma_start3A_291 = tpu.memref_slice %arg5[%add3A_284, %dma_start3A_290] : memref<160x128xi32, #tpu.memory_space<vmem>> -> memref<1x128xi32, #tpu.memory_space<vmem>>
        %dma_start3A_292 = tpu.memref_squeeze %dma_start3A_291 : memref<1x128xi32, #tpu.memory_space<vmem>> -> memref<128xi32, #tpu.memory_space<vmem>>
        %dma_start3A_293 = arith.constant 0 : i32
        %dma_start3A_294 = arith.constant 0 : i32
        %dma_start3A_295 = tpu.memref_slice %arg10[%dma_start3A_293, %dma_start3A_294] : memref<10240x64xbf16, #tpu.memory_space<vmem_shared>> -> memref<10240x64xbf16, #tpu.memory_space<vmem_shared>>
        tpu.enqueue_indirect_dma source(%dma_start3A_295 : memref<10240x64xbf16, #tpu.memory_space<vmem_shared>>) target(%dma_start3A_289 : memref<128x64xbf16, #tpu.memory_space<vmem>>) offsets(%dma_start3A_292 : memref<128xi32, #tpu.memory_space<vmem>>) semaphore(%arg11 : memref<!tpu.dma_semaphore, #tpu.memory_space<semaphore_mem>>)
      } else {
      }
      %add3A_241 = arith.constant 1 : i32
      %add3A_242 = arith.addi %mul3A_130, %add3A_241 : i32
      %add3A_243 = arith.constant 4 : i32
      %add3A_244 = arith.addi %add3A_242, %add3A_243 : i32
      %lt3A_245 = arith.constant 160 : i32
      %lt3A_246 = arith.cmpi slt, %add3A_244, %lt3A_245 : i32
      %convert_element_type3A_247 = arith.extui %lt3A_246 : i1 to i32
      %cond3A_248 = arith.constant 0 : i32
      %cond3A_249 = arith.cmpi ne, %convert_element_type3A_247, %cond3A_248 : i32
      scf.if %cond3A_249 {
        %add3A_268 = arith.constant 1 : i32
        %add3A_269 = arith.addi %mul3A_130, %add3A_268 : i32
        %dma_wait3A_270 = arith.constant 1 : i32
        %dma_wait3A_271 = arith.constant 0 : i32
        %dma_wait3A_272 = arith.constant 0 : i32
        %dma_wait3A_273 = tpu.memref_slice %arg7[%dma_wait3A_270, %dma_wait3A_271, %dma_wait3A_272] : memref<4x128x64xbf16, #tpu.memory_space<vmem>> -> memref<1x128x64xbf16, #tpu.memory_space<vmem>>
        %dma_wait3A_274 = tpu.memref_squeeze %dma_wait3A_273 : memref<1x128x64xbf16, #tpu.memory_space<vmem>> -> memref<128x64xbf16, #tpu.memory_space<vmem>>
        %dma_wait3A_275 = arith.constant 0 : i32
        %dma_wait3A_276 = tpu.memref_slice %arg6[%add3A_269, %dma_wait3A_275] : memref<160x128xi32, #tpu.memory_space<vmem>> -> memref<1x128xi32, #tpu.memory_space<vmem>>
        %dma_wait3A_277 = tpu.memref_squeeze %dma_wait3A_276 : memref<1x128xi32, #tpu.memory_space<vmem>> -> memref<128xi32, #tpu.memory_space<vmem>>
        %dma_wait3A_278 = arith.constant 0 : i32
        %dma_wait3A_279 = arith.constant 0 : i32
        %dma_wait3A_280 = tpu.memref_slice %arg9[%dma_wait3A_278, %dma_wait3A_279] : memref<10240x64xbf16, #tpu.memory_space<vmem_shared>> -> memref<10240x64xbf16, #tpu.memory_space<vmem_shared>>
        tpu.wait_indirect_dma semaphore(%arg16 : memref<!tpu.dma_semaphore, #tpu.memory_space<semaphore_mem>>) src(%dma_wait3A_274 : memref<128x64xbf16, #tpu.memory_space<vmem>>) dst(%dma_wait3A_280 : memref<10240x64xbf16, #tpu.memory_space<vmem_shared>>)
        %add3A_281 = arith.constant 1 : i32
        %add3A_282 = arith.addi %mul3A_130, %add3A_281 : i32
        %add3A_283 = arith.constant 4 : i32
        %add3A_284 = arith.addi %add3A_282, %add3A_283 : i32
        %dma_start3A_285 = arith.constant 1 : i32
        %dma_start3A_286 = arith.constant 0 : i32
        %dma_start3A_287 = arith.constant 0 : i32
        %dma_start3A_288 = tpu.memref_slice %arg7[%dma_start3A_285, %dma_start3A_286, %dma_start3A_287] : memref<4x128x64xbf16, #tpu.memory_space<vmem>> -> memref<1x128x64xbf16, #tpu.memory_space<vmem>>
        %dma_start3A_289 = tpu.memref_squeeze %dma_start3A_288 : memref<1x128x64xbf16, #tpu.memory_space<vmem>> -> memref<128x64xbf16, #tpu.memory_space<vmem>>
        %dma_start3A_290 = arith.constant 0 : i32
        %dma_start3A_291 = tpu.memref_slice %arg5[%add3A_284, %dma_start3A_290] : memref<160x128xi32, #tpu.memory_space<vmem>> -> memref<1x128xi32, #tpu.memory_space<vmem>>
        %dma_start3A_292 = tpu.memref_squeeze %dma_start3A_291 : memref<1x128xi32, #tpu.memory_space<vmem>> -> memref<128xi32, #tpu.memory_space<vmem>>
        %dma_start3A_293 = arith.constant 0 : i32
        %dma_start3A_294 = arith.constant 0 : i32
        %dma_start3A_295 = tpu.memref_slice %arg10[%dma_start3A_293, %dma_start3A_294] : memref<10240x64xbf16, #tpu.memory_space<vmem_shared>> -> memref<10240x64xbf16, #tpu.memory_space<vmem_shared>>
        tpu.enqueue_indirect_dma source(%dma_start3A_295 : memref<10240x64xbf16, #tpu.memory_space<vmem_shared>>) target(%dma_start3A_289 : memref<128x64xbf16, #tpu.memory_space<vmem>>) offsets(%dma_start3A_292 : memref<128xi32, #tpu.memory_space<vmem>>) semaphore(%arg12 : memref<!tpu.dma_semaphore, #tpu.memory_space<semaphore_mem>>)
      } else {
      }
      %add3A_250 = arith.constant 2 : i32
      %add3A_251 = arith.addi %mul3A_130, %add3A_250 : i32
      %add3A_252 = arith.constant 4 : i32
      %add3A_253 = arith.addi %add3A_251, %add3A_252 : i32
      %lt3A_254 = arith.constant 160 : i32
      %lt3A_255 = arith.cmpi slt, %add3A_253, %lt3A_254 : i32
      %convert_element_type3A_256 = arith.extui %lt3A_255 : i1 to i32
      %cond3A_257 = arith.constant 0 : i32
      %cond3A_258 = arith.cmpi ne, %convert_element_type3A_256, %cond3A_257 : i32
      scf.if %cond3A_258 {
        %add3A_268 = arith.constant 2 : i32
        %add3A_269 = arith.addi %mul3A_130, %add3A_268 : i32
        %dma_wait3A_270 = arith.constant 2 : i32
        %dma_wait3A_271 = arith.constant 0 : i32
        %dma_wait3A_272 = arith.constant 0 : i32
        %dma_wait3A_273 = tpu.memref_slice %arg7[%dma_wait3A_270, %dma_wait3A_271, %dma_wait3A_272] : memref<4x128x64xbf16, #tpu.memory_space<vmem>> -> memref<1x128x64xbf16, #tpu.memory_space<vmem>>
        %dma_wait3A_274 = tpu.memref_squeeze %dma_wait3A_273 : memref<1x128x64xbf16, #tpu.memory_space<vmem>> -> memref<128x64xbf16, #tpu.memory_space<vmem>>
        %dma_wait3A_275 = arith.constant 0 : i32
        %dma_wait3A_276 = tpu.memref_slice %arg6[%add3A_269, %dma_wait3A_275] : memref<160x128xi32, #tpu.memory_space<vmem>> -> memref<1x128xi32, #tpu.memory_space<vmem>>
        %dma_wait3A_277 = tpu.memref_squeeze %dma_wait3A_276 : memref<1x128xi32, #tpu.memory_space<vmem>> -> memref<128xi32, #tpu.memory_space<vmem>>
        %dma_wait3A_278 = arith.constant 0 : i32
        %dma_wait3A_279 = arith.constant 0 : i32
        %dma_wait3A_280 = tpu.memref_slice %arg9[%dma_wait3A_278, %dma_wait3A_279] : memref<10240x64xbf16, #tpu.memory_space<vmem_shared>> -> memref<10240x64xbf16, #tpu.memory_space<vmem_shared>>
        tpu.wait_indirect_dma semaphore(%arg17 : memref<!tpu.dma_semaphore, #tpu.memory_space<semaphore_mem>>) src(%dma_wait3A_274 : memref<128x64xbf16, #tpu.memory_space<vmem>>) dst(%dma_wait3A_280 : memref<10240x64xbf16, #tpu.memory_space<vmem_shared>>)
        %add3A_281 = arith.constant 2 : i32
        %add3A_282 = arith.addi %mul3A_130, %add3A_281 : i32
        %add3A_283 = arith.constant 4 : i32
        %add3A_284 = arith.addi %add3A_282, %add3A_283 : i32
        %dma_start3A_285 = arith.constant 2 : i32
        %dma_start3A_286 = arith.constant 0 : i32
        %dma_start3A_287 = arith.constant 0 : i32
        %dma_start3A_288 = tpu.memref_slice %arg7[%dma_start3A_285, %dma_start3A_286, %dma_start3A_287] : memref<4x128x64xbf16, #tpu.memory_space<vmem>> -> memref<1x128x64xbf16, #tpu.memory_space<vmem>>
        %dma_start3A_289 = tpu.memref_squeeze %dma_start3A_288 : memref<1x128x64xbf16, #tpu.memory_space<vmem>> -> memref<128x64xbf16, #tpu.memory_space<vmem>>
        %dma_start3A_290 = arith.constant 0 : i32
        %dma_start3A_291 = tpu.memref_slice %arg5[%add3A_284, %dma_start3A_290] : memref<160x128xi32, #tpu.memory_space<vmem>> -> memref<1x128xi32, #tpu.memory_space<vmem>>
        %dma_start3A_292 = tpu.memref_squeeze %dma_start3A_291 : memref<1x128xi32, #tpu.memory_space<vmem>> -> memref<128xi32, #tpu.memory_space<vmem>>
        %dma_start3A_293 = arith.constant 0 : i32
        %dma_start3A_294 = arith.constant 0 : i32
        %dma_start3A_295 = tpu.memref_slice %arg10[%dma_start3A_293, %dma_start3A_294] : memref<10240x64xbf16, #tpu.memory_space<vmem_shared>> -> memref<10240x64xbf16, #tpu.memory_space<vmem_shared>>
        tpu.enqueue_indirect_dma source(%dma_start3A_295 : memref<10240x64xbf16, #tpu.memory_space<vmem_shared>>) target(%dma_start3A_289 : memref<128x64xbf16, #tpu.memory_space<vmem>>) offsets(%dma_start3A_292 : memref<128xi32, #tpu.memory_space<vmem>>) semaphore(%arg13 : memref<!tpu.dma_semaphore, #tpu.memory_space<semaphore_mem>>)
      } else {
      }
      %add3A_259 = arith.constant 3 : i32
      %add3A_260 = arith.addi %mul3A_130, %add3A_259 : i32
      %add3A_261 = arith.constant 4 : i32
      %add3A_262 = arith.addi %add3A_260, %add3A_261 : i32
      %lt3A_263 = arith.constant 160 : i32
      %lt3A_264 = arith.cmpi slt, %add3A_262, %lt3A_263 : i32
      %convert_element_type3A_265 = arith.extui %lt3A_264 : i1 to i32
      %cond3A_266 = arith.constant 0 : i32
      %cond3A_267 = arith.cmpi ne, %convert_element_type3A_265, %cond3A_266 : i32
      scf.if %cond3A_267 {
        %add3A_268 = arith.constant 3 : i32
        %add3A_269 = arith.addi %mul3A_130, %add3A_268 : i32
        %dma_wait3A_270 = arith.constant 3 : i32
        %dma_wait3A_271 = arith.constant 0 : i32
        %dma_wait3A_272 = arith.constant 0 : i32
        %dma_wait3A_273 = tpu.memref_slice %arg7[%dma_wait3A_270, %dma_wait3A_271, %dma_wait3A_272] : memref<4x128x64xbf16, #tpu.memory_space<vmem>> -> memref<1x128x64xbf16, #tpu.memory_space<vmem>>
        %dma_wait3A_274 = tpu.memref_squeeze %dma_wait3A_273 : memref<1x128x64xbf16, #tpu.memory_space<vmem>> -> memref<128x64xbf16, #tpu.memory_space<vmem>>
        %dma_wait3A_275 = arith.constant 0 : i32
        %dma_wait3A_276 = tpu.memref_slice %arg6[%add3A_269, %dma_wait3A_275] : memref<160x128xi32, #tpu.memory_space<vmem>> -> memref<1x128xi32, #tpu.memory_space<vmem>>
        %dma_wait3A_277 = tpu.memref_squeeze %dma_wait3A_276 : memref<1x128xi32, #tpu.memory_space<vmem>> -> memref<128xi32, #tpu.memory_space<vmem>>
        %dma_wait3A_278 = arith.constant 0 : i32
        %dma_wait3A_279 = arith.constant 0 : i32
        %dma_wait3A_280 = tpu.memref_slice %arg9[%dma_wait3A_278, %dma_wait3A_279] : memref<10240x64xbf16, #tpu.memory_space<vmem_shared>> -> memref<10240x64xbf16, #tpu.memory_space<vmem_shared>>
        tpu.wait_indirect_dma semaphore(%arg18 : memref<!tpu.dma_semaphore, #tpu.memory_space<semaphore_mem>>) src(%dma_wait3A_274 : memref<128x64xbf16, #tpu.memory_space<vmem>>) dst(%dma_wait3A_280 : memref<10240x64xbf16, #tpu.memory_space<vmem_shared>>)
        %add3A_281 = arith.constant 3 : i32
        %add3A_282 = arith.addi %mul3A_130, %add3A_281 : i32
        %add3A_283 = arith.constant 4 : i32
        %add3A_284 = arith.addi %add3A_282, %add3A_283 : i32
        %dma_start3A_285 = arith.constant 3 : i32
        %dma_start3A_286 = arith.constant 0 : i32
        %dma_start3A_287 = arith.constant 0 : i32
        %dma_start3A_288 = tpu.memref_slice %arg7[%dma_start3A_285, %dma_start3A_286, %dma_start3A_287] : memref<4x128x64xbf16, #tpu.memory_space<vmem>> -> memref<1x128x64xbf16, #tpu.memory_space<vmem>>
        %dma_start3A_289 = tpu.memref_squeeze %dma_start3A_288 : memref<1x128x64xbf16, #tpu.memory_space<vmem>> -> memref<128x64xbf16, #tpu.memory_space<vmem>>
        %dma_start3A_290 = arith.constant 0 : i32
        %dma_start3A_291 = tpu.memref_slice %arg5[%add3A_284, %dma_start3A_290] : memref<160x128xi32, #tpu.memory_space<vmem>> -> memref<1x128xi32, #tpu.memory_space<vmem>>
        %dma_start3A_292 = tpu.memref_squeeze %dma_start3A_291 : memref<1x128xi32, #tpu.memory_space<vmem>> -> memref<128xi32, #tpu.memory_space<vmem>>
        %dma_start3A_293 = arith.constant 0 : i32
        %dma_start3A_294 = arith.constant 0 : i32
        %dma_start3A_295 = tpu.memref_slice %arg10[%dma_start3A_293, %dma_start3A_294] : memref<10240x64xbf16, #tpu.memory_space<vmem_shared>> -> memref<10240x64xbf16, #tpu.memory_space<vmem_shared>>
        tpu.enqueue_indirect_dma source(%dma_start3A_295 : memref<10240x64xbf16, #tpu.memory_space<vmem_shared>>) target(%dma_start3A_289 : memref<128x64xbf16, #tpu.memory_space<vmem>>) offsets(%dma_start3A_292 : memref<128xi32, #tpu.memory_space<vmem>>) semaphore(%arg14 : memref<!tpu.dma_semaphore, #tpu.memory_space<semaphore_mem>>)
      } else {
      }
    }
    %scan3A_71 = arith.constant 40 : i32
    %dma_wait3A = arith.constant 0 : i32
    %dma_wait3A_72 = arith.constant 156 : i32
    %dma_wait3A_73 = arith.constant 0 : i32
    %dma_wait3A_74 = arith.constant 0 : i32
    %dma_wait3A_75 = tpu.memref_slice %arg7[%dma_wait3A, %dma_wait3A_73, %dma_wait3A_74] : memref<4x128x64xbf16, #tpu.memory_space<vmem>> -> memref<1x128x64xbf16, #tpu.memory_space<vmem>>
    %dma_wait3A_76 = tpu.memref_squeeze %dma_wait3A_75 : memref<1x128x64xbf16, #tpu.memory_space<vmem>> -> memref<128x64xbf16, #tpu.memory_space<vmem>>
    %dma_wait3A_77 = arith.constant 0 : i32
    %dma_wait3A_78 = tpu.memref_slice %arg6[%dma_wait3A_72, %dma_wait3A_77] : memref<160x128xi32, #tpu.memory_space<vmem>> -> memref<1x128xi32, #tpu.memory_space<vmem>>
    %dma_wait3A_79 = tpu.memref_squeeze %dma_wait3A_78 : memref<1x128xi32, #tpu.memory_space<vmem>> -> memref<128xi32, #tpu.memory_space<vmem>>
    %dma_wait3A_80 = arith.constant 0 : i32
    %dma_wait3A_81 = arith.constant 0 : i32
    %dma_wait3A_82 = tpu.memref_slice %arg9[%dma_wait3A_80, %dma_wait3A_81] : memref<10240x64xbf16, #tpu.memory_space<vmem_shared>> -> memref<10240x64xbf16, #tpu.memory_space<vmem_shared>>
    tpu.wait_indirect_dma semaphore(%arg15 : memref<!tpu.dma_semaphore, #tpu.memory_space<semaphore_mem>>) src(%dma_wait3A_76 : memref<128x64xbf16, #tpu.memory_space<vmem>>) dst(%dma_wait3A_82 : memref<10240x64xbf16, #tpu.memory_space<vmem_shared>>)
    %dma_wait3A_83 = arith.constant 1 : i32
    %dma_wait3A_84 = arith.constant 157 : i32
    %dma_wait3A_85 = arith.constant 0 : i32
    %dma_wait3A_86 = arith.constant 0 : i32
    %dma_wait3A_87 = tpu.memref_slice %arg7[%dma_wait3A_83, %dma_wait3A_85, %dma_wait3A_86] : memref<4x128x64xbf16, #tpu.memory_space<vmem>> -> memref<1x128x64xbf16, #tpu.memory_space<vmem>>
    %dma_wait3A_88 = tpu.memref_squeeze %dma_wait3A_87 : memref<1x128x64xbf16, #tpu.memory_space<vmem>> -> memref<128x64xbf16, #tpu.memory_space<vmem>>
    %dma_wait3A_89 = arith.constant 0 : i32
    %dma_wait3A_90 = tpu.memref_slice %arg6[%dma_wait3A_84, %dma_wait3A_89] : memref<160x128xi32, #tpu.memory_space<vmem>> -> memref<1x128xi32, #tpu.memory_space<vmem>>
    %dma_wait3A_91 = tpu.memref_squeeze %dma_wait3A_90 : memref<1x128xi32, #tpu.memory_space<vmem>> -> memref<128xi32, #tpu.memory_space<vmem>>
    %dma_wait3A_92 = arith.constant 0 : i32
    %dma_wait3A_93 = arith.constant 0 : i32
    %dma_wait3A_94 = tpu.memref_slice %arg9[%dma_wait3A_92, %dma_wait3A_93] : memref<10240x64xbf16, #tpu.memory_space<vmem_shared>> -> memref<10240x64xbf16, #tpu.memory_space<vmem_shared>>
    tpu.wait_indirect_dma semaphore(%arg16 : memref<!tpu.dma_semaphore, #tpu.memory_space<semaphore_mem>>) src(%dma_wait3A_88 : memref<128x64xbf16, #tpu.memory_space<vmem>>) dst(%dma_wait3A_94 : memref<10240x64xbf16, #tpu.memory_space<vmem_shared>>)
    %dma_wait3A_95 = arith.constant 2 : i32
    %dma_wait3A_96 = arith.constant 158 : i32
    %dma_wait3A_97 = arith.constant 0 : i32
    %dma_wait3A_98 = arith.constant 0 : i32
    %dma_wait3A_99 = tpu.memref_slice %arg7[%dma_wait3A_95, %dma_wait3A_97, %dma_wait3A_98] : memref<4x128x64xbf16, #tpu.memory_space<vmem>> -> memref<1x128x64xbf16, #tpu.memory_space<vmem>>
    %dma_wait3A_100 = tpu.memref_squeeze %dma_wait3A_99 : memref<1x128x64xbf16, #tpu.memory_space<vmem>> -> memref<128x64xbf16, #tpu.memory_space<vmem>>
    %dma_wait3A_101 = arith.constant 0 : i32
    %dma_wait3A_102 = tpu.memref_slice %arg6[%dma_wait3A_96, %dma_wait3A_101] : memref<160x128xi32, #tpu.memory_space<vmem>> -> memref<1x128xi32, #tpu.memory_space<vmem>>
    %dma_wait3A_103 = tpu.memref_squeeze %dma_wait3A_102 : memref<1x128xi32, #tpu.memory_space<vmem>> -> memref<128xi32, #tpu.memory_space<vmem>>
    %dma_wait3A_104 = arith.constant 0 : i32
    %dma_wait3A_105 = arith.constant 0 : i32
    %dma_wait3A_106 = tpu.memref_slice %arg9[%dma_wait3A_104, %dma_wait3A_105] : memref<10240x64xbf16, #tpu.memory_space<vmem_shared>> -> memref<10240x64xbf16, #tpu.memory_space<vmem_shared>>
    tpu.wait_indirect_dma semaphore(%arg17 : memref<!tpu.dma_semaphore, #tpu.memory_space<semaphore_mem>>) src(%dma_wait3A_100 : memref<128x64xbf16, #tpu.memory_space<vmem>>) dst(%dma_wait3A_106 : memref<10240x64xbf16, #tpu.memory_space<vmem_shared>>)
    %dma_wait3A_107 = arith.constant 3 : i32
    %dma_wait3A_108 = arith.constant 159 : i32
    %dma_wait3A_109 = arith.constant 0 : i32
    %dma_wait3A_110 = arith.constant 0 : i32
    %dma_wait3A_111 = tpu.memref_slice %arg7[%dma_wait3A_107, %dma_wait3A_109, %dma_wait3A_110] : memref<4x128x64xbf16, #tpu.memory_space<vmem>> -> memref<1x128x64xbf16, #tpu.memory_space<vmem>>
    %dma_wait3A_112 = tpu.memref_squeeze %dma_wait3A_111 : memref<1x128x64xbf16, #tpu.memory_space<vmem>> -> memref<128x64xbf16, #tpu.memory_space<vmem>>
    %dma_wait3A_113 = arith.constant 0 : i32
    %dma_wait3A_114 = tpu.memref_slice %arg6[%dma_wait3A_108, %dma_wait3A_113] : memref<160x128xi32, #tpu.memory_space<vmem>> -> memref<1x128xi32, #tpu.memory_space<vmem>>
    %dma_wait3A_115 = tpu.memref_squeeze %dma_wait3A_114 : memref<1x128xi32, #tpu.memory_space<vmem>> -> memref<128xi32, #tpu.memory_space<vmem>>
    %dma_wait3A_116 = arith.constant 0 : i32
    %dma_wait3A_117 = arith.constant 0 : i32
    %dma_wait3A_118 = tpu.memref_slice %arg9[%dma_wait3A_116, %dma_wait3A_117] : memref<10240x64xbf16, #tpu.memory_space<vmem_shared>> -> memref<10240x64xbf16, #tpu.memory_space<vmem_shared>>
    tpu.wait_indirect_dma semaphore(%arg18 : memref<!tpu.dma_semaphore, #tpu.memory_space<semaphore_mem>>) src(%dma_wait3A_112 : memref<128x64xbf16, #tpu.memory_space<vmem>>) dst(%dma_wait3A_118 : memref<10240x64xbf16, #tpu.memory_space<vmem_shared>>)
    %barrier3A_119 = arith.constant 0 : index
    tpu.barrier barrier_id(%barrier3A_119)
    %scan3A_120 = arith.constant 0 : i32
    %scan3A_121 = arith.constant 10 : i32
    %scan3A_122 = arith.addi %scan3A_120, %scan3A_121 : i32
    %scan3A_123 = arith.constant 1 : i32
    scf.for %scan3A_125 = %scan3A_120 to %scan3A_122 step %scan3A_123  : i32 {
      %mul3A_126 = arith.constant 1 : i32
      %mul3A_127 = arith.muli %scan3A_125, %mul3A_126 : i32
      %add3A = arith.constant 0 : i32
      %add3A_128 = arith.addi %add3A, %mul3A_127 : i32
      %mul3A_129 = arith.constant 640 : i32
      %mul3A_130 = arith.muli %arg1, %mul3A_129 : i32
      %mul3A_131 = arith.constant 64 : i32
      %mul3A_132 = arith.muli %add3A_128, %mul3A_131 : i32
      %add3A_133 = arith.addi %mul3A_130, %mul3A_132 : i32
      %mul3A_134 = arith.constant 64 : i32
      %mul3A_135 = arith.muli %arg0, %mul3A_134 : i32
      "tpu.region"() ({
        %run_scoped3A_136 = tpu.sem_alloc : memref<!tpu.dma_semaphore, #tpu.memory_space<semaphore_mem>>
        %dma_start3A_137 = tpu.memref_slice %arg4[%add3A_133, %mul3A_135] : memref<10240x128xbf16, #tpu.memory_space<hbm>> -> memref<64x64xbf16, #tpu.memory_space<hbm>>
        %dma_start3A_138 = arith.constant 0 : i32
        %dma_start3A_139 = tpu.memref_slice %arg9[%add3A_133, %dma_start3A_138] : memref<10240x64xbf16, #tpu.memory_space<vmem_shared>> -> memref<64x64xbf16, #tpu.memory_space<vmem_shared>>
        tpu.enqueue_dma source(%dma_start3A_139 : memref<64x64xbf16, #tpu.memory_space<vmem_shared>>) target(%dma_start3A_137 : memref<64x64xbf16, #tpu.memory_space<hbm>>) target_semaphore(%run_scoped3A_136 : memref<!tpu.dma_semaphore, #tpu.memory_space<semaphore_mem>>)
        %dma_wait3A_140 = tpu.memref_slice %arg4[%add3A_133, %mul3A_135] : memref<10240x128xbf16, #tpu.memory_space<hbm>> -> memref<64x64xbf16, #tpu.memory_space<hbm>>
        %dma_wait3A_141 = arith.constant 0 : i32
        %dma_wait3A_142 = tpu.memref_slice %arg9[%add3A_133, %dma_wait3A_141] : memref<10240x64xbf16, #tpu.memory_space<vmem_shared>> -> memref<64x64xbf16, #tpu.memory_space<vmem_shared>>
        tpu.wait_dma2 semaphore(%run_scoped3A_136 : memref<!tpu.dma_semaphore, #tpu.memory_space<semaphore_mem>>) src(%dma_wait3A_142 : memref<64x64xbf16, #tpu.memory_space<vmem_shared>>) dst(%dma_wait3A_140 : memref<64x64xbf16, #tpu.memory_space<hbm>>)
        tpu.yield
      }) : () -> ()
    }
    %scan3A_124 = arith.constant 10 : i32
    return
  }
}

#map = affine_map<(d0, d1) -> (0, 0, 0)>
module attributes {stable_mosaic.version = 14 : i64} {
  func.func @_sc_degree(%arg0: i32, %arg1: i32, %arg2: memref<2x2560x128xi32, #tpu.memory_space<hbm>>, %arg3: memref<2x10240x16xf32, #tpu.memory_space<hbm>>, %arg4: memref<80x128xi32, #tpu.memory_space<vmem>>, %arg5: memref<128x16xf32, #tpu.memory_space<vmem>>, %arg6: memref<64x16xf32, #tpu.memory_space<vmem>>, %arg7: memref<10240x16xf32, #tpu.memory_space<vmem_shared>>, %arg8: memref<!tpu.dma_semaphore, #tpu.memory_space<semaphore_mem>>) attributes {dimension_semantics = [#tpu.dimension_semantics<core_parallel>, #tpu.dimension_semantics<subcore_parallel>], iteration_bounds = array<i64: 2, 16>, scalar_prefetch = 0 : i64, scratch_operands = 5 : i64, tpu.core_type = #tpu.core_type<sc_vector_subcore>, window_params = [{transform_indices = #map}, {transform_indices = #map}]} {
    %mul3A = arith.constant 16 : i32
    %mul3A_0 = arith.muli %arg0, %mul3A : i32
    %add3A = arith.addi %mul3A_0, %arg1 : i32
    %mul3A_1 = arith.constant 80 : i32
    %mul3A_2 = arith.muli %add3A, %mul3A_1 : i32
    %run_scoped3A = arith.constant 1 : i32
    "tpu.region"() ({
      %run_scoped3A_31 = tpu.sem_alloc : memref<!tpu.dma_semaphore, #tpu.memory_space<semaphore_mem>>
      %dma_start3A = arith.constant 0 : i32
      %dma_start3A_32 = tpu.memref_slice %arg2[%run_scoped3A, %mul3A_2, %dma_start3A] : memref<2x2560x128xi32, #tpu.memory_space<hbm>> -> memref<1x80x128xi32, #tpu.memory_space<hbm>>
      %dma_start3A_33 = tpu.memref_squeeze %dma_start3A_32 : memref<1x80x128xi32, #tpu.memory_space<hbm>> -> memref<80x128xi32, #tpu.memory_space<hbm>>
      %dma_start3A_34 = arith.constant 0 : i32
      %dma_start3A_35 = tpu.memref_slice %arg2[%run_scoped3A, %mul3A_2, %dma_start3A_34] : memref<2x2560x128xi32, #tpu.memory_space<hbm>> -> memref<1x80x128xi32, #tpu.memory_space<hbm>>
      %dma_start3A_36 = tpu.memref_squeeze %dma_start3A_35 : memref<1x80x128xi32, #tpu.memory_space<hbm>> -> memref<80x128xi32, #tpu.memory_space<hbm>>
      tpu.enqueue_dma source(%dma_start3A_36 : memref<80x128xi32, #tpu.memory_space<hbm>>) target(%arg4 : memref<80x128xi32, #tpu.memory_space<vmem>>) target_semaphore(%run_scoped3A_31 : memref<!tpu.dma_semaphore, #tpu.memory_space<semaphore_mem>>)
      %dma_wait3A = arith.constant 0 : i32
      %dma_wait3A_37 = tpu.memref_slice %arg2[%run_scoped3A, %mul3A_2, %dma_wait3A] : memref<2x2560x128xi32, #tpu.memory_space<hbm>> -> memref<1x80x128xi32, #tpu.memory_space<hbm>>
      %dma_wait3A_38 = tpu.memref_squeeze %dma_wait3A_37 : memref<1x80x128xi32, #tpu.memory_space<hbm>> -> memref<80x128xi32, #tpu.memory_space<hbm>>
      %dma_wait3A_39 = arith.constant 0 : i32
      %dma_wait3A_40 = tpu.memref_slice %arg2[%run_scoped3A, %mul3A_2, %dma_wait3A_39] : memref<2x2560x128xi32, #tpu.memory_space<hbm>> -> memref<1x80x128xi32, #tpu.memory_space<hbm>>
      %dma_wait3A_41 = tpu.memref_squeeze %dma_wait3A_40 : memref<1x80x128xi32, #tpu.memory_space<hbm>> -> memref<80x128xi32, #tpu.memory_space<hbm>>
      tpu.wait_dma2 semaphore(%run_scoped3A_31 : memref<!tpu.dma_semaphore, #tpu.memory_space<semaphore_mem>>) src(%dma_wait3A_41 : memref<80x128xi32, #tpu.memory_space<hbm>>) dst(%arg4 : memref<80x128xi32, #tpu.memory_space<vmem>>)
      tpu.yield
    }) : () -> ()
    %broadcast_in_dim3A = arith.constant 0.000000e+00 : f32
    %broadcast_in_dim3A_3 = vector.broadcast %broadcast_in_dim3A : f32 to vector<16xf32>
    %broadcast_in_dim3A_4 = arith.constant 1.000000e+00 : f32
    %broadcast_in_dim3A_5 = vector.broadcast %broadcast_in_dim3A_4 : f32 to vector<16xf32>
    %scan3A = arith.constant 0 : i32
    %scan3A_6 = arith.constant 128 : i32
    %scan3A_7 = arith.addi %scan3A, %scan3A_6 : i32
    %scan3A_8 = arith.constant 1 : i32
    scf.for %scan3A_31 = %scan3A to %scan3A_7 step %scan3A_8  : i32 {
      %mul3A_32 = arith.constant 1 : i32
      %mul3A_33 = arith.muli %scan3A_31, %mul3A_32 : i32
      %add3A_34 = arith.constant 0 : i32
      %add3A_35 = arith.addi %add3A_34, %mul3A_33 : i32
      %swap3A = arith.index_cast %add3A_35 : i32 to index
      %swap3A_36 = arith.constant 0 : index
      %swap3A_37 = tpu.vector_load %arg5[%swap3A, %swap3A_36] {strides = array<i32>} : memref<128x16xf32, #tpu.memory_space<vmem>>, vector<1x16xf32>,
      %swap3A_38 = vector.shape_cast %swap3A_37 : vector<1x16xf32> to vector<16xf32>
      %swap3A_39 = vector.shape_cast %broadcast_in_dim3A_5 : vector<16xf32> to vector<1x16xf32>
      tpu.vector_store %arg5[%swap3A, %swap3A_36], %swap3A_39 {strides = array<i32>} : memref<128x16xf32, #tpu.memory_space<vmem>>, vector<1x16xf32>,
    }
    %scan3A_9 = arith.constant 128 : i32
    %scan3A_10 = arith.constant 0 : i32
    %scan3A_11 = arith.constant 64 : i32
    %scan3A_12 = arith.addi %scan3A_10, %scan3A_11 : i32
    %scan3A_13 = arith.constant 1 : i32
    scf.for %scan3A_31 = %scan3A_10 to %scan3A_12 step %scan3A_13  : i32 {
      %mul3A_32 = arith.constant 1 : i32
      %mul3A_33 = arith.muli %scan3A_31, %mul3A_32 : i32
      %add3A_34 = arith.constant 0 : i32
      %add3A_35 = arith.addi %add3A_34, %mul3A_33 : i32
      %swap3A = arith.index_cast %add3A_35 : i32 to index
      %swap3A_36 = arith.constant 0 : index
      %swap3A_37 = tpu.vector_load %arg6[%swap3A, %swap3A_36] {strides = array<i32>} : memref<64x16xf32, #tpu.memory_space<vmem>>, vector<1x16xf32>,
      %swap3A_38 = vector.shape_cast %swap3A_37 : vector<1x16xf32> to vector<16xf32>
      %swap3A_39 = vector.shape_cast %broadcast_in_dim3A_3 : vector<16xf32> to vector<1x16xf32>
      tpu.vector_store %arg6[%swap3A, %swap3A_36], %swap3A_39 {strides = array<i32>} : memref<64x16xf32, #tpu.memory_space<vmem>>, vector<1x16xf32>,
    }
    %scan3A_14 = arith.constant 64 : i32
    %scan3A_15 = arith.constant 0 : i32
    %scan3A_16 = arith.constant 10 : i32
    %scan3A_17 = arith.addi %scan3A_15, %scan3A_16 : i32
    %scan3A_18 = arith.constant 1 : i32
    scf.for %scan3A_31 = %scan3A_15 to %scan3A_17 step %scan3A_18  : i32 {
      %mul3A_32 = arith.constant 1 : i32
      %mul3A_33 = arith.muli %scan3A_31, %mul3A_32 : i32
      %add3A_34 = arith.constant 0 : i32
      %add3A_35 = arith.addi %add3A_34, %mul3A_33 : i32
      %mul3A_36 = arith.constant 640 : i32
      %mul3A_37 = arith.muli %arg1, %mul3A_36 : i32
      %mul3A_38 = arith.constant 64 : i32
      %mul3A_39 = arith.muli %add3A_35, %mul3A_38 : i32
      %add3A_40 = arith.addi %mul3A_37, %mul3A_39 : i32
      "tpu.region"() ({
        %run_scoped3A_41 = tpu.sem_alloc : memref<!tpu.dma_semaphore, #tpu.memory_space<semaphore_mem>>
        %dma_start3A = arith.constant 0 : i32
        %dma_start3A_42 = tpu.memref_slice %arg7[%add3A_40, %dma_start3A] : memref<10240x16xf32, #tpu.memory_space<vmem_shared>> -> memref<64x16xf32, #tpu.memory_space<vmem_shared>>
        %dma_start3A_43 = arith.constant 0 : i32
        %dma_start3A_44 = tpu.memref_slice %arg7[%add3A_40, %dma_start3A_43] : memref<10240x16xf32, #tpu.memory_space<vmem_shared>> -> memref<64x16xf32, #tpu.memory_space<vmem_shared>>
        tpu.enqueue_dma source(%arg6 : memref<64x16xf32, #tpu.memory_space<vmem>>) target(%dma_start3A_44 : memref<64x16xf32, #tpu.memory_space<vmem_shared>>) target_semaphore(%run_scoped3A_41 : memref<!tpu.dma_semaphore, #tpu.memory_space<semaphore_mem>>)
        %dma_wait3A = arith.constant 0 : i32
        %dma_wait3A_45 = tpu.memref_slice %arg7[%add3A_40, %dma_wait3A] : memref<10240x16xf32, #tpu.memory_space<vmem_shared>> -> memref<64x16xf32, #tpu.memory_space<vmem_shared>>
        %dma_wait3A_46 = arith.constant 0 : i32
        %dma_wait3A_47 = tpu.memref_slice %arg7[%add3A_40, %dma_wait3A_46] : memref<10240x16xf32, #tpu.memory_space<vmem_shared>> -> memref<64x16xf32, #tpu.memory_space<vmem_shared>>
        tpu.wait_dma2 semaphore(%run_scoped3A_41 : memref<!tpu.dma_semaphore, #tpu.memory_space<semaphore_mem>>) src(%arg6 : memref<64x16xf32, #tpu.memory_space<vmem>>) dst(%dma_wait3A_47 : memref<64x16xf32, #tpu.memory_space<vmem_shared>>)
        tpu.yield
      }) : () -> ()
    }
    %scan3A_19 = arith.constant 10 : i32
    %barrier3A = arith.constant 0 : index
    tpu.barrier barrier_id(%barrier3A)
    %scan3A_20 = arith.constant 0 : i32
    %scan3A_21 = arith.constant 5 : i32
    %scan3A_22 = arith.addi %scan3A_20, %scan3A_21 : i32
    %scan3A_23 = arith.constant 1 : i32
    scf.for %scan3A_31 = %scan3A_20 to %scan3A_22 step %scan3A_23  : i32 {
      %mul3A_32 = arith.constant 1 : i32
      %mul3A_33 = arith.muli %scan3A_31, %mul3A_32 : i32
      %add3A_34 = arith.constant 0 : i32
      %add3A_35 = arith.addi %add3A_34, %mul3A_33 : i32
      %mul3A_36 = arith.constant 16 : i32
      %mul3A_37 = arith.muli %mul3A_36, %add3A_35 : i32
      %add3A_38 = arith.constant 0 : i32
      %add3A_39 = arith.addi %mul3A_37, %add3A_38 : i32
      %dma_start3A = arith.constant 0 : i32
      %dma_start3A_40 = tpu.memref_slice %arg4[%add3A_39, %dma_start3A] : memref<80x128xi32, #tpu.memory_space<vmem>> -> memref<1x128xi32, #tpu.memory_space<vmem>>
      %dma_start3A_41 = tpu.memref_squeeze %dma_start3A_40 : memref<1x128xi32, #tpu.memory_space<vmem>> -> memref<128xi32, #tpu.memory_space<vmem>>
      %dma_start3A_42 = arith.constant 0 : i32
      %dma_start3A_43 = arith.constant 0 : i32
      %dma_start3A_44 = tpu.memref_slice %arg7[%dma_start3A_42, %dma_start3A_43] : memref<10240x16xf32, #tpu.memory_space<vmem_shared>> -> memref<10240x16xf32, #tpu.memory_space<vmem_shared>>
      tpu.enqueue_indirect_dma source(%arg5 : memref<128x16xf32, #tpu.memory_space<vmem>>) target(%dma_start3A_44 : memref<10240x16xf32, #tpu.memory_space<vmem_shared>>) offsets(%dma_start3A_41 : memref<128xi32, #tpu.memory_space<vmem>>) semaphore(%arg8 : memref<!tpu.dma_semaphore, #tpu.memory_space<semaphore_mem>>) {add = true}
      %mul3A_45 = arith.constant 16 : i32
      %mul3A_46 = arith.muli %mul3A_45, %add3A_35 : i32
      %add3A_47 = arith.constant 1 : i32
      %add3A_48 = arith.addi %mul3A_46, %add3A_47 : i32
      %dma_start3A_49 = arith.constant 0 : i32
      %dma_start3A_50 = tpu.memref_slice %arg4[%add3A_48, %dma_start3A_49] : memref<80x128xi32, #tpu.memory_space<vmem>> -> memref<1x128xi32, #tpu.memory_space<vmem>>
      %dma_start3A_51 = tpu.memref_squeeze %dma_start3A_50 : memref<1x128xi32, #tpu.memory_space<vmem>> -> memref<128xi32, #tpu.memory_space<vmem>>
      %dma_start3A_52 = arith.constant 0 : i32
      %dma_start3A_53 = arith.constant 0 : i32
      %dma_start3A_54 = tpu.memref_slice %arg7[%dma_start3A_52, %dma_start3A_53] : memref<10240x16xf32, #tpu.memory_space<vmem_shared>> -> memref<10240x16xf32, #tpu.memory_space<vmem_shared>>
      tpu.enqueue_indirect_dma source(%arg5 : memref<128x16xf32, #tpu.memory_space<vmem>>) target(%dma_start3A_54 : memref<10240x16xf32, #tpu.memory_space<vmem_shared>>) offsets(%dma_start3A_51 : memref<128xi32, #tpu.memory_space<vmem>>) semaphore(%arg8 : memref<!tpu.dma_semaphore, #tpu.memory_space<semaphore_mem>>) {add = true}
      %mul3A_55 = arith.constant 16 : i32
      %mul3A_56 = arith.muli %mul3A_55, %add3A_35 : i32
      %add3A_57 = arith.constant 2 : i32
      %add3A_58 = arith.addi %mul3A_56, %add3A_57 : i32
      %dma_start3A_59 = arith.constant 0 : i32
      %dma_start3A_60 = tpu.memref_slice %arg4[%add3A_58, %dma_start3A_59] : memref<80x128xi32, #tpu.memory_space<vmem>> -> memref<1x128xi32, #tpu.memory_space<vmem>>
      %dma_start3A_61 = tpu.memref_squeeze %dma_start3A_60 : memref<1x128xi32, #tpu.memory_space<vmem>> -> memref<128xi32, #tpu.memory_space<vmem>>
      %dma_start3A_62 = arith.constant 0 : i32
      %dma_start3A_63 = arith.constant 0 : i32
      %dma_start3A_64 = tpu.memref_slice %arg7[%dma_start3A_62, %dma_start3A_63] : memref<10240x16xf32, #tpu.memory_space<vmem_shared>> -> memref<10240x16xf32, #tpu.memory_space<vmem_shared>>
      tpu.enqueue_indirect_dma source(%arg5 : memref<128x16xf32, #tpu.memory_space<vmem>>) target(%dma_start3A_64 : memref<10240x16xf32, #tpu.memory_space<vmem_shared>>) offsets(%dma_start3A_61 : memref<128xi32, #tpu.memory_space<vmem>>) semaphore(%arg8 : memref<!tpu.dma_semaphore, #tpu.memory_space<semaphore_mem>>) {add = true}
      %mul3A_65 = arith.constant 16 : i32
      %mul3A_66 = arith.muli %mul3A_65, %add3A_35 : i32
      %add3A_67 = arith.constant 3 : i32
      %add3A_68 = arith.addi %mul3A_66, %add3A_67 : i32
      %dma_start3A_69 = arith.constant 0 : i32
      %dma_start3A_70 = tpu.memref_slice %arg4[%add3A_68, %dma_start3A_69] : memref<80x128xi32, #tpu.memory_space<vmem>> -> memref<1x128xi32, #tpu.memory_space<vmem>>
      %dma_start3A_71 = tpu.memref_squeeze %dma_start3A_70 : memref<1x128xi32, #tpu.memory_space<vmem>> -> memref<128xi32, #tpu.memory_space<vmem>>
      %dma_start3A_72 = arith.constant 0 : i32
      %dma_start3A_73 = arith.constant 0 : i32
      %dma_start3A_74 = tpu.memref_slice %arg7[%dma_start3A_72, %dma_start3A_73] : memref<10240x16xf32, #tpu.memory_space<vmem_shared>> -> memref<10240x16xf32, #tpu.memory_space<vmem_shared>>
      tpu.enqueue_indirect_dma source(%arg5 : memref<128x16xf32, #tpu.memory_space<vmem>>) target(%dma_start3A_74 : memref<10240x16xf32, #tpu.memory_space<vmem_shared>>) offsets(%dma_start3A_71 : memref<128xi32, #tpu.memory_space<vmem>>) semaphore(%arg8 : memref<!tpu.dma_semaphore, #tpu.memory_space<semaphore_mem>>) {add = true}
      %mul3A_75 = arith.constant 16 : i32
      %mul3A_76 = arith.muli %mul3A_75, %add3A_35 : i32
      %add3A_77 = arith.constant 4 : i32
      %add3A_78 = arith.addi %mul3A_76, %add3A_77 : i32
      %dma_start3A_79 = arith.constant 0 : i32
      %dma_start3A_80 = tpu.memref_slice %arg4[%add3A_78, %dma_start3A_79] : memref<80x128xi32, #tpu.memory_space<vmem>> -> memref<1x128xi32, #tpu.memory_space<vmem>>
      %dma_start3A_81 = tpu.memref_squeeze %dma_start3A_80 : memref<1x128xi32, #tpu.memory_space<vmem>> -> memref<128xi32, #tpu.memory_space<vmem>>
      %dma_start3A_82 = arith.constant 0 : i32
      %dma_start3A_83 = arith.constant 0 : i32
      %dma_start3A_84 = tpu.memref_slice %arg7[%dma_start3A_82, %dma_start3A_83] : memref<10240x16xf32, #tpu.memory_space<vmem_shared>> -> memref<10240x16xf32, #tpu.memory_space<vmem_shared>>
      tpu.enqueue_indirect_dma source(%arg5 : memref<128x16xf32, #tpu.memory_space<vmem>>) target(%dma_start3A_84 : memref<10240x16xf32, #tpu.memory_space<vmem_shared>>) offsets(%dma_start3A_81 : memref<128xi32, #tpu.memory_space<vmem>>) semaphore(%arg8 : memref<!tpu.dma_semaphore, #tpu.memory_space<semaphore_mem>>) {add = true}
      %mul3A_85 = arith.constant 16 : i32
      %mul3A_86 = arith.muli %mul3A_85, %add3A_35 : i32
      %add3A_87 = arith.constant 5 : i32
      %add3A_88 = arith.addi %mul3A_86, %add3A_87 : i32
      %dma_start3A_89 = arith.constant 0 : i32
      %dma_start3A_90 = tpu.memref_slice %arg4[%add3A_88, %dma_start3A_89] : memref<80x128xi32, #tpu.memory_space<vmem>> -> memref<1x128xi32, #tpu.memory_space<vmem>>
      %dma_start3A_91 = tpu.memref_squeeze %dma_start3A_90 : memref<1x128xi32, #tpu.memory_space<vmem>> -> memref<128xi32, #tpu.memory_space<vmem>>
      %dma_start3A_92 = arith.constant 0 : i32
      %dma_start3A_93 = arith.constant 0 : i32
      %dma_start3A_94 = tpu.memref_slice %arg7[%dma_start3A_92, %dma_start3A_93] : memref<10240x16xf32, #tpu.memory_space<vmem_shared>> -> memref<10240x16xf32, #tpu.memory_space<vmem_shared>>
      tpu.enqueue_indirect_dma source(%arg5 : memref<128x16xf32, #tpu.memory_space<vmem>>) target(%dma_start3A_94 : memref<10240x16xf32, #tpu.memory_space<vmem_shared>>) offsets(%dma_start3A_91 : memref<128xi32, #tpu.memory_space<vmem>>) semaphore(%arg8 : memref<!tpu.dma_semaphore, #tpu.memory_space<semaphore_mem>>) {add = true}
      %mul3A_95 = arith.constant 16 : i32
      %mul3A_96 = arith.muli %mul3A_95, %add3A_35 : i32
      %add3A_97 = arith.constant 6 : i32
      %add3A_98 = arith.addi %mul3A_96, %add3A_97 : i32
      %dma_start3A_99 = arith.constant 0 : i32
      %dma_start3A_100 = tpu.memref_slice %arg4[%add3A_98, %dma_start3A_99] : memref<80x128xi32, #tpu.memory_space<vmem>> -> memref<1x128xi32, #tpu.memory_space<vmem>>
      %dma_start3A_101 = tpu.memref_squeeze %dma_start3A_100 : memref<1x128xi32, #tpu.memory_space<vmem>> -> memref<128xi32, #tpu.memory_space<vmem>>
      %dma_start3A_102 = arith.constant 0 : i32
      %dma_start3A_103 = arith.constant 0 : i32
      %dma_start3A_104 = tpu.memref_slice %arg7[%dma_start3A_102, %dma_start3A_103] : memref<10240x16xf32, #tpu.memory_space<vmem_shared>> -> memref<10240x16xf32, #tpu.memory_space<vmem_shared>>
      tpu.enqueue_indirect_dma source(%arg5 : memref<128x16xf32, #tpu.memory_space<vmem>>) target(%dma_start3A_104 : memref<10240x16xf32, #tpu.memory_space<vmem_shared>>) offsets(%dma_start3A_101 : memref<128xi32, #tpu.memory_space<vmem>>) semaphore(%arg8 : memref<!tpu.dma_semaphore, #tpu.memory_space<semaphore_mem>>) {add = true}
      %mul3A_105 = arith.constant 16 : i32
      %mul3A_106 = arith.muli %mul3A_105, %add3A_35 : i32
      %add3A_107 = arith.constant 7 : i32
      %add3A_108 = arith.addi %mul3A_106, %add3A_107 : i32
      %dma_start3A_109 = arith.constant 0 : i32
      %dma_start3A_110 = tpu.memref_slice %arg4[%add3A_108, %dma_start3A_109] : memref<80x128xi32, #tpu.memory_space<vmem>> -> memref<1x128xi32, #tpu.memory_space<vmem>>
      %dma_start3A_111 = tpu.memref_squeeze %dma_start3A_110 : memref<1x128xi32, #tpu.memory_space<vmem>> -> memref<128xi32, #tpu.memory_space<vmem>>
      %dma_start3A_112 = arith.constant 0 : i32
      %dma_start3A_113 = arith.constant 0 : i32
      %dma_start3A_114 = tpu.memref_slice %arg7[%dma_start3A_112, %dma_start3A_113] : memref<10240x16xf32, #tpu.memory_space<vmem_shared>> -> memref<10240x16xf32, #tpu.memory_space<vmem_shared>>
      tpu.enqueue_indirect_dma source(%arg5 : memref<128x16xf32, #tpu.memory_space<vmem>>) target(%dma_start3A_114 : memref<10240x16xf32, #tpu.memory_space<vmem_shared>>) offsets(%dma_start3A_111 : memref<128xi32, #tpu.memory_space<vmem>>) semaphore(%arg8 : memref<!tpu.dma_semaphore, #tpu.memory_space<semaphore_mem>>) {add = true}
      %mul3A_115 = arith.constant 16 : i32
      %mul3A_116 = arith.muli %mul3A_115, %add3A_35 : i32
      %add3A_117 = arith.constant 8 : i32
      %add3A_118 = arith.addi %mul3A_116, %add3A_117 : i32
      %dma_start3A_119 = arith.constant 0 : i32
      %dma_start3A_120 = tpu.memref_slice %arg4[%add3A_118, %dma_start3A_119] : memref<80x128xi32, #tpu.memory_space<vmem>> -> memref<1x128xi32, #tpu.memory_space<vmem>>
      %dma_start3A_121 = tpu.memref_squeeze %dma_start3A_120 : memref<1x128xi32, #tpu.memory_space<vmem>> -> memref<128xi32, #tpu.memory_space<vmem>>
      %dma_start3A_122 = arith.constant 0 : i32
      %dma_start3A_123 = arith.constant 0 : i32
      %dma_start3A_124 = tpu.memref_slice %arg7[%dma_start3A_122, %dma_start3A_123] : memref<10240x16xf32, #tpu.memory_space<vmem_shared>> -> memref<10240x16xf32, #tpu.memory_space<vmem_shared>>
      tpu.enqueue_indirect_dma source(%arg5 : memref<128x16xf32, #tpu.memory_space<vmem>>) target(%dma_start3A_124 : memref<10240x16xf32, #tpu.memory_space<vmem_shared>>) offsets(%dma_start3A_121 : memref<128xi32, #tpu.memory_space<vmem>>) semaphore(%arg8 : memref<!tpu.dma_semaphore, #tpu.memory_space<semaphore_mem>>) {add = true}
      %mul3A_125 = arith.constant 16 : i32
      %mul3A_126 = arith.muli %mul3A_125, %add3A_35 : i32
      %add3A_127 = arith.constant 9 : i32
      %add3A_128 = arith.addi %mul3A_126, %add3A_127 : i32
      %dma_start3A_129 = arith.constant 0 : i32
      %dma_start3A_130 = tpu.memref_slice %arg4[%add3A_128, %dma_start3A_129] : memref<80x128xi32, #tpu.memory_space<vmem>> -> memref<1x128xi32, #tpu.memory_space<vmem>>
      %dma_start3A_131 = tpu.memref_squeeze %dma_start3A_130 : memref<1x128xi32, #tpu.memory_space<vmem>> -> memref<128xi32, #tpu.memory_space<vmem>>
      %dma_start3A_132 = arith.constant 0 : i32
      %dma_start3A_133 = arith.constant 0 : i32
      %dma_start3A_134 = tpu.memref_slice %arg7[%dma_start3A_132, %dma_start3A_133] : memref<10240x16xf32, #tpu.memory_space<vmem_shared>> -> memref<10240x16xf32, #tpu.memory_space<vmem_shared>>
      tpu.enqueue_indirect_dma source(%arg5 : memref<128x16xf32, #tpu.memory_space<vmem>>) target(%dma_start3A_134 : memref<10240x16xf32, #tpu.memory_space<vmem_shared>>) offsets(%dma_start3A_131 : memref<128xi32, #tpu.memory_space<vmem>>) semaphore(%arg8 : memref<!tpu.dma_semaphore, #tpu.memory_space<semaphore_mem>>) {add = true}
      %mul3A_135 = arith.constant 16 : i32
      %mul3A_136 = arith.muli %mul3A_135, %add3A_35 : i32
      %add3A_137 = arith.constant 10 : i32
      %add3A_138 = arith.addi %mul3A_136, %add3A_137 : i32
      %dma_start3A_139 = arith.constant 0 : i32
      %dma_start3A_140 = tpu.memref_slice %arg4[%add3A_138, %dma_start3A_139] : memref<80x128xi32, #tpu.memory_space<vmem>> -> memref<1x128xi32, #tpu.memory_space<vmem>>
      %dma_start3A_141 = tpu.memref_squeeze %dma_start3A_140 : memref<1x128xi32, #tpu.memory_space<vmem>> -> memref<128xi32, #tpu.memory_space<vmem>>
      %dma_start3A_142 = arith.constant 0 : i32
      %dma_start3A_143 = arith.constant 0 : i32
      %dma_start3A_144 = tpu.memref_slice %arg7[%dma_start3A_142, %dma_start3A_143] : memref<10240x16xf32, #tpu.memory_space<vmem_shared>> -> memref<10240x16xf32, #tpu.memory_space<vmem_shared>>
      tpu.enqueue_indirect_dma source(%arg5 : memref<128x16xf32, #tpu.memory_space<vmem>>) target(%dma_start3A_144 : memref<10240x16xf32, #tpu.memory_space<vmem_shared>>) offsets(%dma_start3A_141 : memref<128xi32, #tpu.memory_space<vmem>>) semaphore(%arg8 : memref<!tpu.dma_semaphore, #tpu.memory_space<semaphore_mem>>) {add = true}
      %mul3A_145 = arith.constant 16 : i32
      %mul3A_146 = arith.muli %mul3A_145, %add3A_35 : i32
      %add3A_147 = arith.constant 11 : i32
      %add3A_148 = arith.addi %mul3A_146, %add3A_147 : i32
      %dma_start3A_149 = arith.constant 0 : i32
      %dma_start3A_150 = tpu.memref_slice %arg4[%add3A_148, %dma_start3A_149] : memref<80x128xi32, #tpu.memory_space<vmem>> -> memref<1x128xi32, #tpu.memory_space<vmem>>
      %dma_start3A_151 = tpu.memref_squeeze %dma_start3A_150 : memref<1x128xi32, #tpu.memory_space<vmem>> -> memref<128xi32, #tpu.memory_space<vmem>>
      %dma_start3A_152 = arith.constant 0 : i32
      %dma_start3A_153 = arith.constant 0 : i32
      %dma_start3A_154 = tpu.memref_slice %arg7[%dma_start3A_152, %dma_start3A_153] : memref<10240x16xf32, #tpu.memory_space<vmem_shared>> -> memref<10240x16xf32, #tpu.memory_space<vmem_shared>>
      tpu.enqueue_indirect_dma source(%arg5 : memref<128x16xf32, #tpu.memory_space<vmem>>) target(%dma_start3A_154 : memref<10240x16xf32, #tpu.memory_space<vmem_shared>>) offsets(%dma_start3A_151 : memref<128xi32, #tpu.memory_space<vmem>>) semaphore(%arg8 : memref<!tpu.dma_semaphore, #tpu.memory_space<semaphore_mem>>) {add = true}
      %mul3A_155 = arith.constant 16 : i32
      %mul3A_156 = arith.muli %mul3A_155, %add3A_35 : i32
      %add3A_157 = arith.constant 12 : i32
      %add3A_158 = arith.addi %mul3A_156, %add3A_157 : i32
      %dma_start3A_159 = arith.constant 0 : i32
      %dma_start3A_160 = tpu.memref_slice %arg4[%add3A_158, %dma_start3A_159] : memref<80x128xi32, #tpu.memory_space<vmem>> -> memref<1x128xi32, #tpu.memory_space<vmem>>
      %dma_start3A_161 = tpu.memref_squeeze %dma_start3A_160 : memref<1x128xi32, #tpu.memory_space<vmem>> -> memref<128xi32, #tpu.memory_space<vmem>>
      %dma_start3A_162 = arith.constant 0 : i32
      %dma_start3A_163 = arith.constant 0 : i32
      %dma_start3A_164 = tpu.memref_slice %arg7[%dma_start3A_162, %dma_start3A_163] : memref<10240x16xf32, #tpu.memory_space<vmem_shared>> -> memref<10240x16xf32, #tpu.memory_space<vmem_shared>>
      tpu.enqueue_indirect_dma source(%arg5 : memref<128x16xf32, #tpu.memory_space<vmem>>) target(%dma_start3A_164 : memref<10240x16xf32, #tpu.memory_space<vmem_shared>>) offsets(%dma_start3A_161 : memref<128xi32, #tpu.memory_space<vmem>>) semaphore(%arg8 : memref<!tpu.dma_semaphore, #tpu.memory_space<semaphore_mem>>) {add = true}
      %mul3A_165 = arith.constant 16 : i32
      %mul3A_166 = arith.muli %mul3A_165, %add3A_35 : i32
      %add3A_167 = arith.constant 13 : i32
      %add3A_168 = arith.addi %mul3A_166, %add3A_167 : i32
      %dma_start3A_169 = arith.constant 0 : i32
      %dma_start3A_170 = tpu.memref_slice %arg4[%add3A_168, %dma_start3A_169] : memref<80x128xi32, #tpu.memory_space<vmem>> -> memref<1x128xi32, #tpu.memory_space<vmem>>
      %dma_start3A_171 = tpu.memref_squeeze %dma_start3A_170 : memref<1x128xi32, #tpu.memory_space<vmem>> -> memref<128xi32, #tpu.memory_space<vmem>>
      %dma_start3A_172 = arith.constant 0 : i32
      %dma_start3A_173 = arith.constant 0 : i32
      %dma_start3A_174 = tpu.memref_slice %arg7[%dma_start3A_172, %dma_start3A_173] : memref<10240x16xf32, #tpu.memory_space<vmem_shared>> -> memref<10240x16xf32, #tpu.memory_space<vmem_shared>>
      tpu.enqueue_indirect_dma source(%arg5 : memref<128x16xf32, #tpu.memory_space<vmem>>) target(%dma_start3A_174 : memref<10240x16xf32, #tpu.memory_space<vmem_shared>>) offsets(%dma_start3A_171 : memref<128xi32, #tpu.memory_space<vmem>>) semaphore(%arg8 : memref<!tpu.dma_semaphore, #tpu.memory_space<semaphore_mem>>) {add = true}
      %mul3A_175 = arith.constant 16 : i32
      %mul3A_176 = arith.muli %mul3A_175, %add3A_35 : i32
      %add3A_177 = arith.constant 14 : i32
      %add3A_178 = arith.addi %mul3A_176, %add3A_177 : i32
      %dma_start3A_179 = arith.constant 0 : i32
      %dma_start3A_180 = tpu.memref_slice %arg4[%add3A_178, %dma_start3A_179] : memref<80x128xi32, #tpu.memory_space<vmem>> -> memref<1x128xi32, #tpu.memory_space<vmem>>
      %dma_start3A_181 = tpu.memref_squeeze %dma_start3A_180 : memref<1x128xi32, #tpu.memory_space<vmem>> -> memref<128xi32, #tpu.memory_space<vmem>>
      %dma_start3A_182 = arith.constant 0 : i32
      %dma_start3A_183 = arith.constant 0 : i32
      %dma_start3A_184 = tpu.memref_slice %arg7[%dma_start3A_182, %dma_start3A_183] : memref<10240x16xf32, #tpu.memory_space<vmem_shared>> -> memref<10240x16xf32, #tpu.memory_space<vmem_shared>>
      tpu.enqueue_indirect_dma source(%arg5 : memref<128x16xf32, #tpu.memory_space<vmem>>) target(%dma_start3A_184 : memref<10240x16xf32, #tpu.memory_space<vmem_shared>>) offsets(%dma_start3A_181 : memref<128xi32, #tpu.memory_space<vmem>>) semaphore(%arg8 : memref<!tpu.dma_semaphore, #tpu.memory_space<semaphore_mem>>) {add = true}
      %mul3A_185 = arith.constant 16 : i32
      %mul3A_186 = arith.muli %mul3A_185, %add3A_35 : i32
      %add3A_187 = arith.constant 15 : i32
      %add3A_188 = arith.addi %mul3A_186, %add3A_187 : i32
      %dma_start3A_189 = arith.constant 0 : i32
      %dma_start3A_190 = tpu.memref_slice %arg4[%add3A_188, %dma_start3A_189] : memref<80x128xi32, #tpu.memory_space<vmem>> -> memref<1x128xi32, #tpu.memory_space<vmem>>
      %dma_start3A_191 = tpu.memref_squeeze %dma_start3A_190 : memref<1x128xi32, #tpu.memory_space<vmem>> -> memref<128xi32, #tpu.memory_space<vmem>>
      %dma_start3A_192 = arith.constant 0 : i32
      %dma_start3A_193 = arith.constant 0 : i32
      %dma_start3A_194 = tpu.memref_slice %arg7[%dma_start3A_192, %dma_start3A_193] : memref<10240x16xf32, #tpu.memory_space<vmem_shared>> -> memref<10240x16xf32, #tpu.memory_space<vmem_shared>>
      tpu.enqueue_indirect_dma source(%arg5 : memref<128x16xf32, #tpu.memory_space<vmem>>) target(%dma_start3A_194 : memref<10240x16xf32, #tpu.memory_space<vmem_shared>>) offsets(%dma_start3A_191 : memref<128xi32, #tpu.memory_space<vmem>>) semaphore(%arg8 : memref<!tpu.dma_semaphore, #tpu.memory_space<semaphore_mem>>) {add = true}
      %mul3A_195 = arith.constant 16 : i32
      %mul3A_196 = arith.muli %mul3A_195, %add3A_35 : i32
      %add3A_197 = arith.constant 0 : i32
      %add3A_198 = arith.addi %mul3A_196, %add3A_197 : i32
      %dma_wait3A = arith.constant 0 : i32
      %dma_wait3A_199 = tpu.memref_slice %arg4[%add3A_198, %dma_wait3A] : memref<80x128xi32, #tpu.memory_space<vmem>> -> memref<1x128xi32, #tpu.memory_space<vmem>>
      %dma_wait3A_200 = tpu.memref_squeeze %dma_wait3A_199 : memref<1x128xi32, #tpu.memory_space<vmem>> -> memref<128xi32, #tpu.memory_space<vmem>>
      %dma_wait3A_201 = arith.constant 0 : i32
      %dma_wait3A_202 = arith.constant 0 : i32
      %dma_wait3A_203 = tpu.memref_slice %arg7[%dma_wait3A_201, %dma_wait3A_202] : memref<10240x16xf32, #tpu.memory_space<vmem_shared>> -> memref<10240x16xf32, #tpu.memory_space<vmem_shared>>
      tpu.wait_indirect_dma semaphore(%arg8 : memref<!tpu.dma_semaphore, #tpu.memory_space<semaphore_mem>>) src(%arg5 : memref<128x16xf32, #tpu.memory_space<vmem>>) dst(%dma_wait3A_203 : memref<10240x16xf32, #tpu.memory_space<vmem_shared>>)
      %mul3A_204 = arith.constant 16 : i32
      %mul3A_205 = arith.muli %mul3A_204, %add3A_35 : i32
      %add3A_206 = arith.constant 1 : i32
      %add3A_207 = arith.addi %mul3A_205, %add3A_206 : i32
      %dma_wait3A_208 = arith.constant 0 : i32
      %dma_wait3A_209 = tpu.memref_slice %arg4[%add3A_207, %dma_wait3A_208] : memref<80x128xi32, #tpu.memory_space<vmem>> -> memref<1x128xi32, #tpu.memory_space<vmem>>
      %dma_wait3A_210 = tpu.memref_squeeze %dma_wait3A_209 : memref<1x128xi32, #tpu.memory_space<vmem>> -> memref<128xi32, #tpu.memory_space<vmem>>
      %dma_wait3A_211 = arith.constant 0 : i32
      %dma_wait3A_212 = arith.constant 0 : i32
      %dma_wait3A_213 = tpu.memref_slice %arg7[%dma_wait3A_211, %dma_wait3A_212] : memref<10240x16xf32, #tpu.memory_space<vmem_shared>> -> memref<10240x16xf32, #tpu.memory_space<vmem_shared>>
      tpu.wait_indirect_dma semaphore(%arg8 : memref<!tpu.dma_semaphore, #tpu.memory_space<semaphore_mem>>) src(%arg5 : memref<128x16xf32, #tpu.memory_space<vmem>>) dst(%dma_wait3A_213 : memref<10240x16xf32, #tpu.memory_space<vmem_shared>>)
      %mul3A_214 = arith.constant 16 : i32
      %mul3A_215 = arith.muli %mul3A_214, %add3A_35 : i32
      %add3A_216 = arith.constant 2 : i32
      %add3A_217 = arith.addi %mul3A_215, %add3A_216 : i32
      %dma_wait3A_218 = arith.constant 0 : i32
      %dma_wait3A_219 = tpu.memref_slice %arg4[%add3A_217, %dma_wait3A_218] : memref<80x128xi32, #tpu.memory_space<vmem>> -> memref<1x128xi32, #tpu.memory_space<vmem>>
      %dma_wait3A_220 = tpu.memref_squeeze %dma_wait3A_219 : memref<1x128xi32, #tpu.memory_space<vmem>> -> memref<128xi32, #tpu.memory_space<vmem>>
      %dma_wait3A_221 = arith.constant 0 : i32
      %dma_wait3A_222 = arith.constant 0 : i32
      %dma_wait3A_223 = tpu.memref_slice %arg7[%dma_wait3A_221, %dma_wait3A_222] : memref<10240x16xf32, #tpu.memory_space<vmem_shared>> -> memref<10240x16xf32, #tpu.memory_space<vmem_shared>>
      tpu.wait_indirect_dma semaphore(%arg8 : memref<!tpu.dma_semaphore, #tpu.memory_space<semaphore_mem>>) src(%arg5 : memref<128x16xf32, #tpu.memory_space<vmem>>) dst(%dma_wait3A_223 : memref<10240x16xf32, #tpu.memory_space<vmem_shared>>)
      %mul3A_224 = arith.constant 16 : i32
      %mul3A_225 = arith.muli %mul3A_224, %add3A_35 : i32
      %add3A_226 = arith.constant 3 : i32
      %add3A_227 = arith.addi %mul3A_225, %add3A_226 : i32
      %dma_wait3A_228 = arith.constant 0 : i32
      %dma_wait3A_229 = tpu.memref_slice %arg4[%add3A_227, %dma_wait3A_228] : memref<80x128xi32, #tpu.memory_space<vmem>> -> memref<1x128xi32, #tpu.memory_space<vmem>>
      %dma_wait3A_230 = tpu.memref_squeeze %dma_wait3A_229 : memref<1x128xi32, #tpu.memory_space<vmem>> -> memref<128xi32, #tpu.memory_space<vmem>>
      %dma_wait3A_231 = arith.constant 0 : i32
      %dma_wait3A_232 = arith.constant 0 : i32
      %dma_wait3A_233 = tpu.memref_slice %arg7[%dma_wait3A_231, %dma_wait3A_232] : memref<10240x16xf32, #tpu.memory_space<vmem_shared>> -> memref<10240x16xf32, #tpu.memory_space<vmem_shared>>
      tpu.wait_indirect_dma semaphore(%arg8 : memref<!tpu.dma_semaphore, #tpu.memory_space<semaphore_mem>>) src(%arg5 : memref<128x16xf32, #tpu.memory_space<vmem>>) dst(%dma_wait3A_233 : memref<10240x16xf32, #tpu.memory_space<vmem_shared>>)
      %mul3A_234 = arith.constant 16 : i32
      %mul3A_235 = arith.muli %mul3A_234, %add3A_35 : i32
      %add3A_236 = arith.constant 4 : i32
      %add3A_237 = arith.addi %mul3A_235, %add3A_236 : i32
      %dma_wait3A_238 = arith.constant 0 : i32
      %dma_wait3A_239 = tpu.memref_slice %arg4[%add3A_237, %dma_wait3A_238] : memref<80x128xi32, #tpu.memory_space<vmem>> -> memref<1x128xi32, #tpu.memory_space<vmem>>
      %dma_wait3A_240 = tpu.memref_squeeze %dma_wait3A_239 : memref<1x128xi32, #tpu.memory_space<vmem>> -> memref<128xi32, #tpu.memory_space<vmem>>
      %dma_wait3A_241 = arith.constant 0 : i32
      %dma_wait3A_242 = arith.constant 0 : i32
      %dma_wait3A_243 = tpu.memref_slice %arg7[%dma_wait3A_241, %dma_wait3A_242] : memref<10240x16xf32, #tpu.memory_space<vmem_shared>> -> memref<10240x16xf32, #tpu.memory_space<vmem_shared>>
      tpu.wait_indirect_dma semaphore(%arg8 : memref<!tpu.dma_semaphore, #tpu.memory_space<semaphore_mem>>) src(%arg5 : memref<128x16xf32, #tpu.memory_space<vmem>>) dst(%dma_wait3A_243 : memref<10240x16xf32, #tpu.memory_space<vmem_shared>>)
      %mul3A_244 = arith.constant 16 : i32
      %mul3A_245 = arith.muli %mul3A_244, %add3A_35 : i32
      %add3A_246 = arith.constant 5 : i32
      %add3A_247 = arith.addi %mul3A_245, %add3A_246 : i32
      %dma_wait3A_248 = arith.constant 0 : i32
      %dma_wait3A_249 = tpu.memref_slice %arg4[%add3A_247, %dma_wait3A_248] : memref<80x128xi32, #tpu.memory_space<vmem>> -> memref<1x128xi32, #tpu.memory_space<vmem>>
      %dma_wait3A_250 = tpu.memref_squeeze %dma_wait3A_249 : memref<1x128xi32, #tpu.memory_space<vmem>> -> memref<128xi32, #tpu.memory_space<vmem>>
      %dma_wait3A_251 = arith.constant 0 : i32
      %dma_wait3A_252 = arith.constant 0 : i32
      %dma_wait3A_253 = tpu.memref_slice %arg7[%dma_wait3A_251, %dma_wait3A_252] : memref<10240x16xf32, #tpu.memory_space<vmem_shared>> -> memref<10240x16xf32, #tpu.memory_space<vmem_shared>>
      tpu.wait_indirect_dma semaphore(%arg8 : memref<!tpu.dma_semaphore, #tpu.memory_space<semaphore_mem>>) src(%arg5 : memref<128x16xf32, #tpu.memory_space<vmem>>) dst(%dma_wait3A_253 : memref<10240x16xf32, #tpu.memory_space<vmem_shared>>)
      %mul3A_254 = arith.constant 16 : i32
      %mul3A_255 = arith.muli %mul3A_254, %add3A_35 : i32
      %add3A_256 = arith.constant 6 : i32
      %add3A_257 = arith.addi %mul3A_255, %add3A_256 : i32
      %dma_wait3A_258 = arith.constant 0 : i32
      %dma_wait3A_259 = tpu.memref_slice %arg4[%add3A_257, %dma_wait3A_258] : memref<80x128xi32, #tpu.memory_space<vmem>> -> memref<1x128xi32, #tpu.memory_space<vmem>>
      %dma_wait3A_260 = tpu.memref_squeeze %dma_wait3A_259 : memref<1x128xi32, #tpu.memory_space<vmem>> -> memref<128xi32, #tpu.memory_space<vmem>>
      %dma_wait3A_261 = arith.constant 0 : i32
      %dma_wait3A_262 = arith.constant 0 : i32
      %dma_wait3A_263 = tpu.memref_slice %arg7[%dma_wait3A_261, %dma_wait3A_262] : memref<10240x16xf32, #tpu.memory_space<vmem_shared>> -> memref<10240x16xf32, #tpu.memory_space<vmem_shared>>
      tpu.wait_indirect_dma semaphore(%arg8 : memref<!tpu.dma_semaphore, #tpu.memory_space<semaphore_mem>>) src(%arg5 : memref<128x16xf32, #tpu.memory_space<vmem>>) dst(%dma_wait3A_263 : memref<10240x16xf32, #tpu.memory_space<vmem_shared>>)
      %mul3A_264 = arith.constant 16 : i32
      %mul3A_265 = arith.muli %mul3A_264, %add3A_35 : i32
      %add3A_266 = arith.constant 7 : i32
      %add3A_267 = arith.addi %mul3A_265, %add3A_266 : i32
      %dma_wait3A_268 = arith.constant 0 : i32
      %dma_wait3A_269 = tpu.memref_slice %arg4[%add3A_267, %dma_wait3A_268] : memref<80x128xi32, #tpu.memory_space<vmem>> -> memref<1x128xi32, #tpu.memory_space<vmem>>
      %dma_wait3A_270 = tpu.memref_squeeze %dma_wait3A_269 : memref<1x128xi32, #tpu.memory_space<vmem>> -> memref<128xi32, #tpu.memory_space<vmem>>
      %dma_wait3A_271 = arith.constant 0 : i32
      %dma_wait3A_272 = arith.constant 0 : i32
      %dma_wait3A_273 = tpu.memref_slice %arg7[%dma_wait3A_271, %dma_wait3A_272] : memref<10240x16xf32, #tpu.memory_space<vmem_shared>> -> memref<10240x16xf32, #tpu.memory_space<vmem_shared>>
      tpu.wait_indirect_dma semaphore(%arg8 : memref<!tpu.dma_semaphore, #tpu.memory_space<semaphore_mem>>) src(%arg5 : memref<128x16xf32, #tpu.memory_space<vmem>>) dst(%dma_wait3A_273 : memref<10240x16xf32, #tpu.memory_space<vmem_shared>>)
      %mul3A_274 = arith.constant 16 : i32
      %mul3A_275 = arith.muli %mul3A_274, %add3A_35 : i32
      %add3A_276 = arith.constant 8 : i32
      %add3A_277 = arith.addi %mul3A_275, %add3A_276 : i32
      %dma_wait3A_278 = arith.constant 0 : i32
      %dma_wait3A_279 = tpu.memref_slice %arg4[%add3A_277, %dma_wait3A_278] : memref<80x128xi32, #tpu.memory_space<vmem>> -> memref<1x128xi32, #tpu.memory_space<vmem>>
      %dma_wait3A_280 = tpu.memref_squeeze %dma_wait3A_279 : memref<1x128xi32, #tpu.memory_space<vmem>> -> memref<128xi32, #tpu.memory_space<vmem>>
      %dma_wait3A_281 = arith.constant 0 : i32
      %dma_wait3A_282 = arith.constant 0 : i32
      %dma_wait3A_283 = tpu.memref_slice %arg7[%dma_wait3A_281, %dma_wait3A_282] : memref<10240x16xf32, #tpu.memory_space<vmem_shared>> -> memref<10240x16xf32, #tpu.memory_space<vmem_shared>>
      tpu.wait_indirect_dma semaphore(%arg8 : memref<!tpu.dma_semaphore, #tpu.memory_space<semaphore_mem>>) src(%arg5 : memref<128x16xf32, #tpu.memory_space<vmem>>) dst(%dma_wait3A_283 : memref<10240x16xf32, #tpu.memory_space<vmem_shared>>)
      %mul3A_284 = arith.constant 16 : i32
      %mul3A_285 = arith.muli %mul3A_284, %add3A_35 : i32
      %add3A_286 = arith.constant 9 : i32
      %add3A_287 = arith.addi %mul3A_285, %add3A_286 : i32
      %dma_wait3A_288 = arith.constant 0 : i32
      %dma_wait3A_289 = tpu.memref_slice %arg4[%add3A_287, %dma_wait3A_288] : memref<80x128xi32, #tpu.memory_space<vmem>> -> memref<1x128xi32, #tpu.memory_space<vmem>>
      %dma_wait3A_290 = tpu.memref_squeeze %dma_wait3A_289 : memref<1x128xi32, #tpu.memory_space<vmem>> -> memref<128xi32, #tpu.memory_space<vmem>>
      %dma_wait3A_291 = arith.constant 0 : i32
      %dma_wait3A_292 = arith.constant 0 : i32
      %dma_wait3A_293 = tpu.memref_slice %arg7[%dma_wait3A_291, %dma_wait3A_292] : memref<10240x16xf32, #tpu.memory_space<vmem_shared>> -> memref<10240x16xf32, #tpu.memory_space<vmem_shared>>
      tpu.wait_indirect_dma semaphore(%arg8 : memref<!tpu.dma_semaphore, #tpu.memory_space<semaphore_mem>>) src(%arg5 : memref<128x16xf32, #tpu.memory_space<vmem>>) dst(%dma_wait3A_293 : memref<10240x16xf32, #tpu.memory_space<vmem_shared>>)
      %mul3A_294 = arith.constant 16 : i32
      %mul3A_295 = arith.muli %mul3A_294, %add3A_35 : i32
      %add3A_296 = arith.constant 10 : i32
      %add3A_297 = arith.addi %mul3A_295, %add3A_296 : i32
      %dma_wait3A_298 = arith.constant 0 : i32
      %dma_wait3A_299 = tpu.memref_slice %arg4[%add3A_297, %dma_wait3A_298] : memref<80x128xi32, #tpu.memory_space<vmem>> -> memref<1x128xi32, #tpu.memory_space<vmem>>
      %dma_wait3A_300 = tpu.memref_squeeze %dma_wait3A_299 : memref<1x128xi32, #tpu.memory_space<vmem>> -> memref<128xi32, #tpu.memory_space<vmem>>
      %dma_wait3A_301 = arith.constant 0 : i32
      %dma_wait3A_302 = arith.constant 0 : i32
      %dma_wait3A_303 = tpu.memref_slice %arg7[%dma_wait3A_301, %dma_wait3A_302] : memref<10240x16xf32, #tpu.memory_space<vmem_shared>> -> memref<10240x16xf32, #tpu.memory_space<vmem_shared>>
      tpu.wait_indirect_dma semaphore(%arg8 : memref<!tpu.dma_semaphore, #tpu.memory_space<semaphore_mem>>) src(%arg5 : memref<128x16xf32, #tpu.memory_space<vmem>>) dst(%dma_wait3A_303 : memref<10240x16xf32, #tpu.memory_space<vmem_shared>>)
      %mul3A_304 = arith.constant 16 : i32
      %mul3A_305 = arith.muli %mul3A_304, %add3A_35 : i32
      %add3A_306 = arith.constant 11 : i32
      %add3A_307 = arith.addi %mul3A_305, %add3A_306 : i32
      %dma_wait3A_308 = arith.constant 0 : i32
      %dma_wait3A_309 = tpu.memref_slice %arg4[%add3A_307, %dma_wait3A_308] : memref<80x128xi32, #tpu.memory_space<vmem>> -> memref<1x128xi32, #tpu.memory_space<vmem>>
      %dma_wait3A_310 = tpu.memref_squeeze %dma_wait3A_309 : memref<1x128xi32, #tpu.memory_space<vmem>> -> memref<128xi32, #tpu.memory_space<vmem>>
      %dma_wait3A_311 = arith.constant 0 : i32
      %dma_wait3A_312 = arith.constant 0 : i32
      %dma_wait3A_313 = tpu.memref_slice %arg7[%dma_wait3A_311, %dma_wait3A_312] : memref<10240x16xf32, #tpu.memory_space<vmem_shared>> -> memref<10240x16xf32, #tpu.memory_space<vmem_shared>>
      tpu.wait_indirect_dma semaphore(%arg8 : memref<!tpu.dma_semaphore, #tpu.memory_space<semaphore_mem>>) src(%arg5 : memref<128x16xf32, #tpu.memory_space<vmem>>) dst(%dma_wait3A_313 : memref<10240x16xf32, #tpu.memory_space<vmem_shared>>)
      %mul3A_314 = arith.constant 16 : i32
      %mul3A_315 = arith.muli %mul3A_314, %add3A_35 : i32
      %add3A_316 = arith.constant 12 : i32
      %add3A_317 = arith.addi %mul3A_315, %add3A_316 : i32
      %dma_wait3A_318 = arith.constant 0 : i32
      %dma_wait3A_319 = tpu.memref_slice %arg4[%add3A_317, %dma_wait3A_318] : memref<80x128xi32, #tpu.memory_space<vmem>> -> memref<1x128xi32, #tpu.memory_space<vmem>>
      %dma_wait3A_320 = tpu.memref_squeeze %dma_wait3A_319 : memref<1x128xi32, #tpu.memory_space<vmem>> -> memref<128xi32, #tpu.memory_space<vmem>>
      %dma_wait3A_321 = arith.constant 0 : i32
      %dma_wait3A_322 = arith.constant 0 : i32
      %dma_wait3A_323 = tpu.memref_slice %arg7[%dma_wait3A_321, %dma_wait3A_322] : memref<10240x16xf32, #tpu.memory_space<vmem_shared>> -> memref<10240x16xf32, #tpu.memory_space<vmem_shared>>
      tpu.wait_indirect_dma semaphore(%arg8 : memref<!tpu.dma_semaphore, #tpu.memory_space<semaphore_mem>>) src(%arg5 : memref<128x16xf32, #tpu.memory_space<vmem>>) dst(%dma_wait3A_323 : memref<10240x16xf32, #tpu.memory_space<vmem_shared>>)
      %mul3A_324 = arith.constant 16 : i32
      %mul3A_325 = arith.muli %mul3A_324, %add3A_35 : i32
      %add3A_326 = arith.constant 13 : i32
      %add3A_327 = arith.addi %mul3A_325, %add3A_326 : i32
      %dma_wait3A_328 = arith.constant 0 : i32
      %dma_wait3A_329 = tpu.memref_slice %arg4[%add3A_327, %dma_wait3A_328] : memref<80x128xi32, #tpu.memory_space<vmem>> -> memref<1x128xi32, #tpu.memory_space<vmem>>
      %dma_wait3A_330 = tpu.memref_squeeze %dma_wait3A_329 : memref<1x128xi32, #tpu.memory_space<vmem>> -> memref<128xi32, #tpu.memory_space<vmem>>
      %dma_wait3A_331 = arith.constant 0 : i32
      %dma_wait3A_332 = arith.constant 0 : i32
      %dma_wait3A_333 = tpu.memref_slice %arg7[%dma_wait3A_331, %dma_wait3A_332] : memref<10240x16xf32, #tpu.memory_space<vmem_shared>> -> memref<10240x16xf32, #tpu.memory_space<vmem_shared>>
      tpu.wait_indirect_dma semaphore(%arg8 : memref<!tpu.dma_semaphore, #tpu.memory_space<semaphore_mem>>) src(%arg5 : memref<128x16xf32, #tpu.memory_space<vmem>>) dst(%dma_wait3A_333 : memref<10240x16xf32, #tpu.memory_space<vmem_shared>>)
      %mul3A_334 = arith.constant 16 : i32
      %mul3A_335 = arith.muli %mul3A_334, %add3A_35 : i32
      %add3A_336 = arith.constant 14 : i32
      %add3A_337 = arith.addi %mul3A_335, %add3A_336 : i32
      %dma_wait3A_338 = arith.constant 0 : i32
      %dma_wait3A_339 = tpu.memref_slice %arg4[%add3A_337, %dma_wait3A_338] : memref<80x128xi32, #tpu.memory_space<vmem>> -> memref<1x128xi32, #tpu.memory_space<vmem>>
      %dma_wait3A_340 = tpu.memref_squeeze %dma_wait3A_339 : memref<1x128xi32, #tpu.memory_space<vmem>> -> memref<128xi32, #tpu.memory_space<vmem>>
      %dma_wait3A_341 = arith.constant 0 : i32
      %dma_wait3A_342 = arith.constant 0 : i32
      %dma_wait3A_343 = tpu.memref_slice %arg7[%dma_wait3A_341, %dma_wait3A_342] : memref<10240x16xf32, #tpu.memory_space<vmem_shared>> -> memref<10240x16xf32, #tpu.memory_space<vmem_shared>>
      tpu.wait_indirect_dma semaphore(%arg8 : memref<!tpu.dma_semaphore, #tpu.memory_space<semaphore_mem>>) src(%arg5 : memref<128x16xf32, #tpu.memory_space<vmem>>) dst(%dma_wait3A_343 : memref<10240x16xf32, #tpu.memory_space<vmem_shared>>)
      %mul3A_344 = arith.constant 16 : i32
      %mul3A_345 = arith.muli %mul3A_344, %add3A_35 : i32
      %add3A_346 = arith.constant 15 : i32
      %add3A_347 = arith.addi %mul3A_345, %add3A_346 : i32
      %dma_wait3A_348 = arith.constant 0 : i32
      %dma_wait3A_349 = tpu.memref_slice %arg4[%add3A_347, %dma_wait3A_348] : memref<80x128xi32, #tpu.memory_space<vmem>> -> memref<1x128xi32, #tpu.memory_space<vmem>>
      %dma_wait3A_350 = tpu.memref_squeeze %dma_wait3A_349 : memref<1x128xi32, #tpu.memory_space<vmem>> -> memref<128xi32, #tpu.memory_space<vmem>>
      %dma_wait3A_351 = arith.constant 0 : i32
      %dma_wait3A_352 = arith.constant 0 : i32
      %dma_wait3A_353 = tpu.memref_slice %arg7[%dma_wait3A_351, %dma_wait3A_352] : memref<10240x16xf32, #tpu.memory_space<vmem_shared>> -> memref<10240x16xf32, #tpu.memory_space<vmem_shared>>
      tpu.wait_indirect_dma semaphore(%arg8 : memref<!tpu.dma_semaphore, #tpu.memory_space<semaphore_mem>>) src(%arg5 : memref<128x16xf32, #tpu.memory_space<vmem>>) dst(%dma_wait3A_353 : memref<10240x16xf32, #tpu.memory_space<vmem_shared>>)
    }
    %scan3A_24 = arith.constant 5 : i32
    %barrier3A_25 = arith.constant 0 : index
    tpu.barrier barrier_id(%barrier3A_25)
    %scan3A_26 = arith.constant 0 : i32
    %scan3A_27 = arith.constant 10 : i32
    %scan3A_28 = arith.addi %scan3A_26, %scan3A_27 : i32
    %scan3A_29 = arith.constant 1 : i32
    scf.for %scan3A_31 = %scan3A_26 to %scan3A_28 step %scan3A_29  : i32 {
      %mul3A_32 = arith.constant 1 : i32
      %mul3A_33 = arith.muli %scan3A_31, %mul3A_32 : i32
      %add3A_34 = arith.constant 0 : i32
      %add3A_35 = arith.addi %add3A_34, %mul3A_33 : i32
      %mul3A_36 = arith.constant 640 : i32
      %mul3A_37 = arith.muli %arg1, %mul3A_36 : i32
      %mul3A_38 = arith.constant 64 : i32
      %mul3A_39 = arith.muli %add3A_35, %mul3A_38 : i32
      %add3A_40 = arith.addi %mul3A_37, %mul3A_39 : i32
      "tpu.region"() ({
        %run_scoped3A_41 = tpu.sem_alloc : memref<!tpu.dma_semaphore, #tpu.memory_space<semaphore_mem>>
        %dma_start3A = arith.constant 0 : i32
        %dma_start3A_42 = tpu.memref_slice %arg3[%arg0, %add3A_40, %dma_start3A] : memref<2x10240x16xf32, #tpu.memory_space<hbm>> -> memref<1x64x16xf32, #tpu.memory_space<hbm>>
        %dma_start3A_43 = tpu.memref_squeeze %dma_start3A_42 : memref<1x64x16xf32, #tpu.memory_space<hbm>> -> memref<64x16xf32, #tpu.memory_space<hbm>>
        %dma_start3A_44 = arith.constant 0 : i32
        %dma_start3A_45 = tpu.memref_slice %arg7[%add3A_40, %dma_start3A_44] : memref<10240x16xf32, #tpu.memory_space<vmem_shared>> -> memref<64x16xf32, #tpu.memory_space<vmem_shared>>
        tpu.enqueue_dma source(%dma_start3A_45 : memref<64x16xf32, #tpu.memory_space<vmem_shared>>) target(%dma_start3A_43 : memref<64x16xf32, #tpu.memory_space<hbm>>) target_semaphore(%run_scoped3A_41 : memref<!tpu.dma_semaphore, #tpu.memory_space<semaphore_mem>>)
        %dma_wait3A = arith.constant 0 : i32
        %dma_wait3A_46 = tpu.memref_slice %arg3[%arg0, %add3A_40, %dma_wait3A] : memref<2x10240x16xf32, #tpu.memory_space<hbm>> -> memref<1x64x16xf32, #tpu.memory_space<hbm>>
        %dma_wait3A_47 = tpu.memref_squeeze %dma_wait3A_46 : memref<1x64x16xf32, #tpu.memory_space<hbm>> -> memref<64x16xf32, #tpu.memory_space<hbm>>
        %dma_wait3A_48 = arith.constant 0 : i32
        %dma_wait3A_49 = tpu.memref_slice %arg7[%add3A_40, %dma_wait3A_48] : memref<10240x16xf32, #tpu.memory_space<vmem_shared>> -> memref<64x16xf32, #tpu.memory_space<vmem_shared>>
        tpu.wait_dma2 semaphore(%run_scoped3A_41 : memref<!tpu.dma_semaphore, #tpu.memory_space<semaphore_mem>>) src(%dma_wait3A_49 : memref<64x16xf32, #tpu.memory_space<vmem_shared>>) dst(%dma_wait3A_47 : memref<64x16xf32, #tpu.memory_space<hbm>>)
        tpu.yield
      }) : () -> ()
    }
    %scan3A_30 = arith.constant 10 : i32
    return
  }
}

#map = affine_map<(d0, d1) -> (0, 0)>
#map1 = affine_map<(d0, d1) -> (0, 0, 0)>
module attributes {stable_mosaic.version = 14 : i64} {
  func.func @agg(%arg0: i32, %arg1: i32, %arg2: memref<10240x16xf32, #tpu.memory_space<hbm>>, %arg3: memref<2x2560x128xi32, #tpu.memory_space<hbm>>, %arg4: memref<2x10240x16xf32, #tpu.memory_space<hbm>>, %arg5: memref<80x128xi32, #tpu.memory_space<vmem>>, %arg6: memref<80x128xi32, #tpu.memory_space<vmem>>, %arg7: memref<4x128x16xf32, #tpu.memory_space<vmem>>, %arg8: memref<64x16xf32, #tpu.memory_space<vmem>>, %arg9: memref<10240x16xf32, #tpu.memory_space<vmem_shared>>, %arg10: memref<10240x16xf32, #tpu.memory_space<vmem_shared>>, %arg11: memref<!tpu.dma_semaphore, #tpu.memory_space<semaphore_mem>>, %arg12: memref<!tpu.dma_semaphore, #tpu.memory_space<semaphore_mem>>, %arg13: memref<!tpu.dma_semaphore, #tpu.memory_space<semaphore_mem>>, %arg14: memref<!tpu.dma_semaphore, #tpu.memory_space<semaphore_mem>>, %arg15: memref<!tpu.dma_semaphore, #tpu.memory_space<semaphore_mem>>, %arg16: memref<!tpu.dma_semaphore, #tpu.memory_space<semaphore_mem>>, %arg17: memref<!tpu.dma_semaphore, #tpu.memory_space<semaphore_mem>>, %arg18: memref<!tpu.dma_semaphore, #tpu.memory_space<semaphore_mem>>) attributes {dimension_semantics = [#tpu.dimension_semantics<core_parallel>, #tpu.dimension_semantics<subcore_parallel>], iteration_bounds = array<i64: 2, 16>, scalar_prefetch = 0 : i64, scratch_operands = 14 : i64, tpu.core_type = #tpu.core_type<sc_vector_subcore>, window_params = [{transform_indices = #map}, {transform_indices = #map1}, {transform_indices = #map1}]} {
    %mul3A = arith.constant 16 : i32
    %mul3A_0 = arith.muli %arg0, %mul3A : i32
    %add3A = arith.addi %mul3A_0, %arg1 : i32
    %mul3A_1 = arith.constant 640 : i32
    %mul3A_2 = arith.muli %arg1, %mul3A_1 : i32
    %mul3A_3 = arith.constant 640 : i32
    %mul3A_4 = arith.muli %arg1, %mul3A_3 : i32
    "tpu.region"() ({
      %run_scoped3A_125 = tpu.sem_alloc : memref<!tpu.dma_semaphore, #tpu.memory_space<semaphore_mem>>
      %dma_start3A_126 = arith.constant 0 : i32
      %dma_start3A_127 = tpu.memref_slice %arg10[%mul3A_4, %dma_start3A_126] : memref<10240x16xf32, #tpu.memory_space<vmem_shared>> -> memref<640x16xf32, #tpu.memory_space<vmem_shared>>
      %dma_start3A_128 = arith.constant 0 : i32
      %dma_start3A_129 = tpu.memref_slice %arg2[%mul3A_2, %dma_start3A_128] : memref<10240x16xf32, #tpu.memory_space<hbm>> -> memref<640x16xf32, #tpu.memory_space<hbm>>
      tpu.enqueue_dma source(%dma_start3A_129 : memref<640x16xf32, #tpu.memory_space<hbm>>) target(%dma_start3A_127 : memref<640x16xf32, #tpu.memory_space<vmem_shared>>) target_semaphore(%run_scoped3A_125 : memref<!tpu.dma_semaphore, #tpu.memory_space<semaphore_mem>>)
      %dma_wait3A_130 = arith.constant 0 : i32
      %dma_wait3A_131 = tpu.memref_slice %arg10[%mul3A_4, %dma_wait3A_130] : memref<10240x16xf32, #tpu.memory_space<vmem_shared>> -> memref<640x16xf32, #tpu.memory_space<vmem_shared>>
      %dma_wait3A_132 = arith.constant 0 : i32
      %dma_wait3A_133 = tpu.memref_slice %arg2[%mul3A_2, %dma_wait3A_132] : memref<10240x16xf32, #tpu.memory_space<hbm>> -> memref<640x16xf32, #tpu.memory_space<hbm>>
      tpu.wait_dma2 semaphore(%run_scoped3A_125 : memref<!tpu.dma_semaphore, #tpu.memory_space<semaphore_mem>>) src(%dma_wait3A_133 : memref<640x16xf32, #tpu.memory_space<hbm>>) dst(%dma_wait3A_131 : memref<640x16xf32, #tpu.memory_space<vmem_shared>>)
      tpu.yield
    }) : () -> ()
    %mul3A_5 = arith.constant 80 : i32
    %mul3A_6 = arith.muli %add3A, %mul3A_5 : i32
    %run_scoped3A = arith.constant 0 : i32
    "tpu.region"() ({
      %run_scoped3A_125 = tpu.sem_alloc : memref<!tpu.dma_semaphore, #tpu.memory_space<semaphore_mem>>
      %dma_start3A_126 = arith.constant 0 : i32
      %dma_start3A_127 = tpu.memref_slice %arg3[%run_scoped3A, %mul3A_6, %dma_start3A_126] : memref<2x2560x128xi32, #tpu.memory_space<hbm>> -> memref<1x80x128xi32, #tpu.memory_space<hbm>>
      %dma_start3A_128 = tpu.memref_squeeze %dma_start3A_127 : memref<1x80x128xi32, #tpu.memory_space<hbm>> -> memref<80x128xi32, #tpu.memory_space<hbm>>
      %dma_start3A_129 = arith.constant 0 : i32
      %dma_start3A_130 = tpu.memref_slice %arg3[%run_scoped3A, %mul3A_6, %dma_start3A_129] : memref<2x2560x128xi32, #tpu.memory_space<hbm>> -> memref<1x80x128xi32, #tpu.memory_space<hbm>>
      %dma_start3A_131 = tpu.memref_squeeze %dma_start3A_130 : memref<1x80x128xi32, #tpu.memory_space<hbm>> -> memref<80x128xi32, #tpu.memory_space<hbm>>
      tpu.enqueue_dma source(%dma_start3A_131 : memref<80x128xi32, #tpu.memory_space<hbm>>) target(%arg5 : memref<80x128xi32, #tpu.memory_space<vmem>>) target_semaphore(%run_scoped3A_125 : memref<!tpu.dma_semaphore, #tpu.memory_space<semaphore_mem>>)
      %dma_wait3A_132 = arith.constant 0 : i32
      %dma_wait3A_133 = tpu.memref_slice %arg3[%run_scoped3A, %mul3A_6, %dma_wait3A_132] : memref<2x2560x128xi32, #tpu.memory_space<hbm>> -> memref<1x80x128xi32, #tpu.memory_space<hbm>>
      %dma_wait3A_134 = tpu.memref_squeeze %dma_wait3A_133 : memref<1x80x128xi32, #tpu.memory_space<hbm>> -> memref<80x128xi32, #tpu.memory_space<hbm>>
      %dma_wait3A_135 = arith.constant 0 : i32
      %dma_wait3A_136 = tpu.memref_slice %arg3[%run_scoped3A, %mul3A_6, %dma_wait3A_135] : memref<2x2560x128xi32, #tpu.memory_space<hbm>> -> memref<1x80x128xi32, #tpu.memory_space<hbm>>
      %dma_wait3A_137 = tpu.memref_squeeze %dma_wait3A_136 : memref<1x80x128xi32, #tpu.memory_space<hbm>> -> memref<80x128xi32, #tpu.memory_space<hbm>>
      tpu.wait_dma2 semaphore(%run_scoped3A_125 : memref<!tpu.dma_semaphore, #tpu.memory_space<semaphore_mem>>) src(%dma_wait3A_137 : memref<80x128xi32, #tpu.memory_space<hbm>>) dst(%arg5 : memref<80x128xi32, #tpu.memory_space<vmem>>)
      tpu.yield
    }) : () -> ()
    %mul3A_7 = arith.constant 80 : i32
    %mul3A_8 = arith.muli %add3A, %mul3A_7 : i32
    %run_scoped3A_9 = arith.constant 1 : i32
    "tpu.region"() ({
      %run_scoped3A_125 = tpu.sem_alloc : memref<!tpu.dma_semaphore, #tpu.memory_space<semaphore_mem>>
      %dma_start3A_126 = arith.constant 0 : i32
      %dma_start3A_127 = tpu.memref_slice %arg3[%run_scoped3A_9, %mul3A_8, %dma_start3A_126] : memref<2x2560x128xi32, #tpu.memory_space<hbm>> -> memref<1x80x128xi32, #tpu.memory_space<hbm>>
      %dma_start3A_128 = tpu.memref_squeeze %dma_start3A_127 : memref<1x80x128xi32, #tpu.memory_space<hbm>> -> memref<80x128xi32, #tpu.memory_space<hbm>>
      %dma_start3A_129 = arith.constant 0 : i32
      %dma_start3A_130 = tpu.memref_slice %arg3[%run_scoped3A_9, %mul3A_8, %dma_start3A_129] : memref<2x2560x128xi32, #tpu.memory_space<hbm>> -> memref<1x80x128xi32, #tpu.memory_space<hbm>>
      %dma_start3A_131 = tpu.memref_squeeze %dma_start3A_130 : memref<1x80x128xi32, #tpu.memory_space<hbm>> -> memref<80x128xi32, #tpu.memory_space<hbm>>
      tpu.enqueue_dma source(%dma_start3A_131 : memref<80x128xi32, #tpu.memory_space<hbm>>) target(%arg6 : memref<80x128xi32, #tpu.memory_space<vmem>>) target_semaphore(%run_scoped3A_125 : memref<!tpu.dma_semaphore, #tpu.memory_space<semaphore_mem>>)
      %dma_wait3A_132 = arith.constant 0 : i32
      %dma_wait3A_133 = tpu.memref_slice %arg3[%run_scoped3A_9, %mul3A_8, %dma_wait3A_132] : memref<2x2560x128xi32, #tpu.memory_space<hbm>> -> memref<1x80x128xi32, #tpu.memory_space<hbm>>
      %dma_wait3A_134 = tpu.memref_squeeze %dma_wait3A_133 : memref<1x80x128xi32, #tpu.memory_space<hbm>> -> memref<80x128xi32, #tpu.memory_space<hbm>>
      %dma_wait3A_135 = arith.constant 0 : i32
      %dma_wait3A_136 = tpu.memref_slice %arg3[%run_scoped3A_9, %mul3A_8, %dma_wait3A_135] : memref<2x2560x128xi32, #tpu.memory_space<hbm>> -> memref<1x80x128xi32, #tpu.memory_space<hbm>>
      %dma_wait3A_137 = tpu.memref_squeeze %dma_wait3A_136 : memref<1x80x128xi32, #tpu.memory_space<hbm>> -> memref<80x128xi32, #tpu.memory_space<hbm>>
      tpu.wait_dma2 semaphore(%run_scoped3A_125 : memref<!tpu.dma_semaphore, #tpu.memory_space<semaphore_mem>>) src(%dma_wait3A_137 : memref<80x128xi32, #tpu.memory_space<hbm>>) dst(%arg6 : memref<80x128xi32, #tpu.memory_space<vmem>>)
      tpu.yield
    }) : () -> ()
    %broadcast_in_dim3A = arith.constant 0.000000e+00 : f32
    %broadcast_in_dim3A_10 = vector.broadcast %broadcast_in_dim3A : f32 to vector<16xf32>
    %scan3A = arith.constant 0 : i32
    %scan3A_11 = arith.constant 64 : i32
    %scan3A_12 = arith.addi %scan3A, %scan3A_11 : i32
    %scan3A_13 = arith.constant 1 : i32
    scf.for %scan3A_125 = %scan3A to %scan3A_12 step %scan3A_13  : i32 {
      %mul3A_126 = arith.constant 1 : i32
      %mul3A_127 = arith.muli %scan3A_125, %mul3A_126 : i32
      %add3A_128 = arith.constant 0 : i32
      %add3A_129 = arith.addi %add3A_128, %mul3A_127 : i32
      %scan3A_130 = arith.constant 0 : i32
      %mul3A_131 = arith.constant 1 : i32
      %mul3A_132 = arith.muli %scan3A_130, %mul3A_131 : i32
      %add3A_133 = arith.constant 0 : i32
      %add3A_134 = arith.addi %add3A_133, %mul3A_132 : i32
      %mul3A_135 = arith.constant 16 : i32
      %mul3A_136 = arith.muli %add3A_134, %mul3A_135 : i32
      %swap3A = arith.index_cast %add3A_129 : i32 to index
      %swap3A_137 = arith.index_cast %mul3A_136 : i32 to index
      %swap3A_138 = tpu.vector_load %arg8[%swap3A, %swap3A_137] {strides = array<i32>} : memref<64x16xf32, #tpu.memory_space<vmem>>, vector<1x16xf32>,
      %swap3A_139 = vector.shape_cast %swap3A_138 : vector<1x16xf32> to vector<16xf32>
      %swap3A_140 = vector.shape_cast %broadcast_in_dim3A_10 : vector<16xf32> to vector<1x16xf32>
      tpu.vector_store %arg8[%swap3A, %swap3A_137], %swap3A_140 {strides = array<i32>} : memref<64x16xf32, #tpu.memory_space<vmem>>, vector<1x16xf32>,
      %scan3A_141 = arith.constant 1 : i32
    }
    %scan3A_14 = arith.constant 64 : i32
    %scan3A_15 = arith.constant 0 : i32
    %scan3A_16 = arith.constant 10 : i32
    %scan3A_17 = arith.addi %scan3A_15, %scan3A_16 : i32
    %scan3A_18 = arith.constant 1 : i32
    scf.for %scan3A_125 = %scan3A_15 to %scan3A_17 step %scan3A_18  : i32 {
      %mul3A_126 = arith.constant 1 : i32
      %mul3A_127 = arith.muli %scan3A_125, %mul3A_126 : i32
      %add3A_128 = arith.constant 0 : i32
      %add3A_129 = arith.addi %add3A_128, %mul3A_127 : i32
      %mul3A_130 = arith.constant 640 : i32
      %mul3A_131 = arith.muli %arg1, %mul3A_130 : i32
      %mul3A_132 = arith.constant 64 : i32
      %mul3A_133 = arith.muli %add3A_129, %mul3A_132 : i32
      %add3A_134 = arith.addi %mul3A_131, %mul3A_133 : i32
      "tpu.region"() ({
        %run_scoped3A_135 = tpu.sem_alloc : memref<!tpu.dma_semaphore, #tpu.memory_space<semaphore_mem>>
        %dma_start3A_136 = arith.constant 0 : i32
        %dma_start3A_137 = tpu.memref_slice %arg9[%add3A_134, %dma_start3A_136] : memref<10240x16xf32, #tpu.memory_space<vmem_shared>> -> memref<64x16xf32, #tpu.memory_space<vmem_shared>>
        %dma_start3A_138 = arith.constant 0 : i32
        %dma_start3A_139 = tpu.memref_slice %arg9[%add3A_134, %dma_start3A_138] : memref<10240x16xf32, #tpu.memory_space<vmem_shared>> -> memref<64x16xf32, #tpu.memory_space<vmem_shared>>
        tpu.enqueue_dma source(%arg8 : memref<64x16xf32, #tpu.memory_space<vmem>>) target(%dma_start3A_139 : memref<64x16xf32, #tpu.memory_space<vmem_shared>>) target_semaphore(%run_scoped3A_135 : memref<!tpu.dma_semaphore, #tpu.memory_space<semaphore_mem>>)
        %dma_wait3A_140 = arith.constant 0 : i32
        %dma_wait3A_141 = tpu.memref_slice %arg9[%add3A_134, %dma_wait3A_140] : memref<10240x16xf32, #tpu.memory_space<vmem_shared>> -> memref<64x16xf32, #tpu.memory_space<vmem_shared>>
        %dma_wait3A_142 = arith.constant 0 : i32
        %dma_wait3A_143 = tpu.memref_slice %arg9[%add3A_134, %dma_wait3A_142] : memref<10240x16xf32, #tpu.memory_space<vmem_shared>> -> memref<64x16xf32, #tpu.memory_space<vmem_shared>>
        tpu.wait_dma2 semaphore(%run_scoped3A_135 : memref<!tpu.dma_semaphore, #tpu.memory_space<semaphore_mem>>) src(%arg8 : memref<64x16xf32, #tpu.memory_space<vmem>>) dst(%dma_wait3A_143 : memref<64x16xf32, #tpu.memory_space<vmem_shared>>)
        tpu.yield
      }) : () -> ()
    }
    %scan3A_19 = arith.constant 10 : i32
    %barrier3A = arith.constant 0 : index
    tpu.barrier barrier_id(%barrier3A)
    %dma_start3A = arith.constant 0 : i32
    %dma_start3A_20 = arith.constant 0 : i32
    %dma_start3A_21 = arith.constant 0 : i32
    %dma_start3A_22 = arith.constant 0 : i32
    %dma_start3A_23 = tpu.memref_slice %arg7[%dma_start3A_20, %dma_start3A_21, %dma_start3A_22] : memref<4x128x16xf32, #tpu.memory_space<vmem>> -> memref<1x128x16xf32, #tpu.memory_space<vmem>>
    %dma_start3A_24 = tpu.memref_squeeze %dma_start3A_23 : memref<1x128x16xf32, #tpu.memory_space<vmem>> -> memref<128x16xf32, #tpu.memory_space<vmem>>
    %dma_start3A_25 = arith.constant 0 : i32
    %dma_start3A_26 = tpu.memref_slice %arg5[%dma_start3A, %dma_start3A_25] : memref<80x128xi32, #tpu.memory_space<vmem>> -> memref<1x128xi32, #tpu.memory_space<vmem>>
    %dma_start3A_27 = tpu.memref_squeeze %dma_start3A_26 : memref<1x128xi32, #tpu.memory_space<vmem>> -> memref<128xi32, #tpu.memory_space<vmem>>
    %dma_start3A_28 = arith.constant 0 : i32
    %dma_start3A_29 = arith.constant 0 : i32
    %dma_start3A_30 = tpu.memref_slice %arg10[%dma_start3A_28, %dma_start3A_29] : memref<10240x16xf32, #tpu.memory_space<vmem_shared>> -> memref<10240x16xf32, #tpu.memory_space<vmem_shared>>
    tpu.enqueue_indirect_dma source(%dma_start3A_30 : memref<10240x16xf32, #tpu.memory_space<vmem_shared>>) target(%dma_start3A_24 : memref<128x16xf32, #tpu.memory_space<vmem>>) offsets(%dma_start3A_27 : memref<128xi32, #tpu.memory_space<vmem>>) semaphore(%arg11 : memref<!tpu.dma_semaphore, #tpu.memory_space<semaphore_mem>>)
    %dma_start3A_31 = arith.constant 1 : i32
    %dma_start3A_32 = arith.constant 1 : i32
    %dma_start3A_33 = arith.constant 0 : i32
    %dma_start3A_34 = arith.constant 0 : i32
    %dma_start3A_35 = tpu.memref_slice %arg7[%dma_start3A_32, %dma_start3A_33, %dma_start3A_34] : memref<4x128x16xf32, #tpu.memory_space<vmem>> -> memref<1x128x16xf32, #tpu.memory_space<vmem>>
    %dma_start3A_36 = tpu.memref_squeeze %dma_start3A_35 : memref<1x128x16xf32, #tpu.memory_space<vmem>> -> memref<128x16xf32, #tpu.memory_space<vmem>>
    %dma_start3A_37 = arith.constant 0 : i32
    %dma_start3A_38 = tpu.memref_slice %arg5[%dma_start3A_31, %dma_start3A_37] : memref<80x128xi32, #tpu.memory_space<vmem>> -> memref<1x128xi32, #tpu.memory_space<vmem>>
    %dma_start3A_39 = tpu.memref_squeeze %dma_start3A_38 : memref<1x128xi32, #tpu.memory_space<vmem>> -> memref<128xi32, #tpu.memory_space<vmem>>
    %dma_start3A_40 = arith.constant 0 : i32
    %dma_start3A_41 = arith.constant 0 : i32
    %dma_start3A_42 = tpu.memref_slice %arg10[%dma_start3A_40, %dma_start3A_41] : memref<10240x16xf32, #tpu.memory_space<vmem_shared>> -> memref<10240x16xf32, #tpu.memory_space<vmem_shared>>
    tpu.enqueue_indirect_dma source(%dma_start3A_42 : memref<10240x16xf32, #tpu.memory_space<vmem_shared>>) target(%dma_start3A_36 : memref<128x16xf32, #tpu.memory_space<vmem>>) offsets(%dma_start3A_39 : memref<128xi32, #tpu.memory_space<vmem>>) semaphore(%arg12 : memref<!tpu.dma_semaphore, #tpu.memory_space<semaphore_mem>>)
    %dma_start3A_43 = arith.constant 2 : i32
    %dma_start3A_44 = arith.constant 2 : i32
    %dma_start3A_45 = arith.constant 0 : i32
    %dma_start3A_46 = arith.constant 0 : i32
    %dma_start3A_47 = tpu.memref_slice %arg7[%dma_start3A_44, %dma_start3A_45, %dma_start3A_46] : memref<4x128x16xf32, #tpu.memory_space<vmem>> -> memref<1x128x16xf32, #tpu.memory_space<vmem>>
    %dma_start3A_48 = tpu.memref_squeeze %dma_start3A_47 : memref<1x128x16xf32, #tpu.memory_space<vmem>> -> memref<128x16xf32, #tpu.memory_space<vmem>>
    %dma_start3A_49 = arith.constant 0 : i32
    %dma_start3A_50 = tpu.memref_slice %arg5[%dma_start3A_43, %dma_start3A_49] : memref<80x128xi32, #tpu.memory_space<vmem>> -> memref<1x128xi32, #tpu.memory_space<vmem>>
    %dma_start3A_51 = tpu.memref_squeeze %dma_start3A_50 : memref<1x128xi32, #tpu.memory_space<vmem>> -> memref<128xi32, #tpu.memory_space<vmem>>
    %dma_start3A_52 = arith.constant 0 : i32
    %dma_start3A_53 = arith.constant 0 : i32
    %dma_start3A_54 = tpu.memref_slice %arg10[%dma_start3A_52, %dma_start3A_53] : memref<10240x16xf32, #tpu.memory_space<vmem_shared>> -> memref<10240x16xf32, #tpu.memory_space<vmem_shared>>
    tpu.enqueue_indirect_dma source(%dma_start3A_54 : memref<10240x16xf32, #tpu.memory_space<vmem_shared>>) target(%dma_start3A_48 : memref<128x16xf32, #tpu.memory_space<vmem>>) offsets(%dma_start3A_51 : memref<128xi32, #tpu.memory_space<vmem>>) semaphore(%arg13 : memref<!tpu.dma_semaphore, #tpu.memory_space<semaphore_mem>>)
    %dma_start3A_55 = arith.constant 3 : i32
    %dma_start3A_56 = arith.constant 3 : i32
    %dma_start3A_57 = arith.constant 0 : i32
    %dma_start3A_58 = arith.constant 0 : i32
    %dma_start3A_59 = tpu.memref_slice %arg7[%dma_start3A_56, %dma_start3A_57, %dma_start3A_58] : memref<4x128x16xf32, #tpu.memory_space<vmem>> -> memref<1x128x16xf32, #tpu.memory_space<vmem>>
    %dma_start3A_60 = tpu.memref_squeeze %dma_start3A_59 : memref<1x128x16xf32, #tpu.memory_space<vmem>> -> memref<128x16xf32, #tpu.memory_space<vmem>>
    %dma_start3A_61 = arith.constant 0 : i32
    %dma_start3A_62 = tpu.memref_slice %arg5[%dma_start3A_55, %dma_start3A_61] : memref<80x128xi32, #tpu.memory_space<vmem>> -> memref<1x128xi32, #tpu.memory_space<vmem>>
    %dma_start3A_63 = tpu.memref_squeeze %dma_start3A_62 : memref<1x128xi32, #tpu.memory_space<vmem>> -> memref<128xi32, #tpu.memory_space<vmem>>
    %dma_start3A_64 = arith.constant 0 : i32
    %dma_start3A_65 = arith.constant 0 : i32
    %dma_start3A_66 = tpu.memref_slice %arg10[%dma_start3A_64, %dma_start3A_65] : memref<10240x16xf32, #tpu.memory_space<vmem_shared>> -> memref<10240x16xf32, #tpu.memory_space<vmem_shared>>
    tpu.enqueue_indirect_dma source(%dma_start3A_66 : memref<10240x16xf32, #tpu.memory_space<vmem_shared>>) target(%dma_start3A_60 : memref<128x16xf32, #tpu.memory_space<vmem>>) offsets(%dma_start3A_63 : memref<128xi32, #tpu.memory_space<vmem>>) semaphore(%arg14 : memref<!tpu.dma_semaphore, #tpu.memory_space<semaphore_mem>>)
    %scan3A_67 = arith.constant 0 : i32
    %scan3A_68 = arith.constant 20 : i32
    %scan3A_69 = arith.addi %scan3A_67, %scan3A_68 : i32
    %scan3A_70 = arith.constant 1 : i32
    scf.for %scan3A_125 = %scan3A_67 to %scan3A_69 step %scan3A_70  : i32 {
      %mul3A_126 = arith.constant 1 : i32
      %mul3A_127 = arith.muli %scan3A_125, %mul3A_126 : i32
      %add3A_128 = arith.constant 0 : i32
      %add3A_129 = arith.addi %add3A_128, %mul3A_127 : i32
      %mul3A_130 = arith.constant 4 : i32
      %mul3A_131 = arith.muli %mul3A_130, %add3A_129 : i32
      %add3A_132 = arith.constant 0 : i32
      %add3A_133 = arith.addi %mul3A_131, %add3A_132 : i32
      %dma_wait3A_134 = arith.constant 0 : i32
      %dma_wait3A_135 = arith.constant 0 : i32
      %dma_wait3A_136 = arith.constant 0 : i32
      %dma_wait3A_137 = tpu.memref_slice %arg7[%dma_wait3A_134, %dma_wait3A_135, %dma_wait3A_136] : memref<4x128x16xf32, #tpu.memory_space<vmem>> -> memref<1x128x16xf32, #tpu.memory_space<vmem>>
      %dma_wait3A_138 = tpu.memref_squeeze %dma_wait3A_137 : memref<1x128x16xf32, #tpu.memory_space<vmem>> -> memref<128x16xf32, #tpu.memory_space<vmem>>
      %dma_wait3A_139 = arith.constant 0 : i32
      %dma_wait3A_140 = tpu.memref_slice %arg5[%add3A_133, %dma_wait3A_139] : memref<80x128xi32, #tpu.memory_space<vmem>> -> memref<1x128xi32, #tpu.memory_space<vmem>>
      %dma_wait3A_141 = tpu.memref_squeeze %dma_wait3A_140 : memref<1x128xi32, #tpu.memory_space<vmem>> -> memref<128xi32, #tpu.memory_space<vmem>>
      %dma_wait3A_142 = arith.constant 0 : i32
      %dma_wait3A_143 = arith.constant 0 : i32
      %dma_wait3A_144 = tpu.memref_slice %arg10[%dma_wait3A_142, %dma_wait3A_143] : memref<10240x16xf32, #tpu.memory_space<vmem_shared>> -> memref<10240x16xf32, #tpu.memory_space<vmem_shared>>
      tpu.wait_indirect_dma semaphore(%arg11 : memref<!tpu.dma_semaphore, #tpu.memory_space<semaphore_mem>>) src(%dma_wait3A_144 : memref<10240x16xf32, #tpu.memory_space<vmem_shared>>) dst(%dma_wait3A_138 : memref<128x16xf32, #tpu.memory_space<vmem>>)
      %add3A_145 = arith.constant 0 : i32
      %add3A_146 = arith.addi %mul3A_131, %add3A_145 : i32
      %dma_start3A_147 = arith.constant 0 : i32
      %dma_start3A_148 = arith.constant 0 : i32
      %dma_start3A_149 = arith.constant 0 : i32
      %dma_start3A_150 = tpu.memref_slice %arg7[%dma_start3A_147, %dma_start3A_148, %dma_start3A_149] : memref<4x128x16xf32, #tpu.memory_space<vmem>> -> memref<1x128x16xf32, #tpu.memory_space<vmem>>
      %dma_start3A_151 = tpu.memref_squeeze %dma_start3A_150 : memref<1x128x16xf32, #tpu.memory_space<vmem>> -> memref<128x16xf32, #tpu.memory_space<vmem>>
      %dma_start3A_152 = arith.constant 0 : i32
      %dma_start3A_153 = tpu.memref_slice %arg6[%add3A_146, %dma_start3A_152] : memref<80x128xi32, #tpu.memory_space<vmem>> -> memref<1x128xi32, #tpu.memory_space<vmem>>
      %dma_start3A_154 = tpu.memref_squeeze %dma_start3A_153 : memref<1x128xi32, #tpu.memory_space<vmem>> -> memref<128xi32, #tpu.memory_space<vmem>>
      %dma_start3A_155 = arith.constant 0 : i32
      %dma_start3A_156 = arith.constant 0 : i32
      %dma_start3A_157 = tpu.memref_slice %arg9[%dma_start3A_155, %dma_start3A_156] : memref<10240x16xf32, #tpu.memory_space<vmem_shared>> -> memref<10240x16xf32, #tpu.memory_space<vmem_shared>>
      tpu.enqueue_indirect_dma source(%dma_start3A_151 : memref<128x16xf32, #tpu.memory_space<vmem>>) target(%dma_start3A_157 : memref<10240x16xf32, #tpu.memory_space<vmem_shared>>) offsets(%dma_start3A_154 : memref<128xi32, #tpu.memory_space<vmem>>) semaphore(%arg15 : memref<!tpu.dma_semaphore, #tpu.memory_space<semaphore_mem>>) {add = true}
      %add3A_158 = arith.constant 1 : i32
      %add3A_159 = arith.addi %mul3A_131, %add3A_158 : i32
      %dma_wait3A_160 = arith.constant 1 : i32
      %dma_wait3A_161 = arith.constant 0 : i32
      %dma_wait3A_162 = arith.constant 0 : i32
      %dma_wait3A_163 = tpu.memref_slice %arg7[%dma_wait3A_160, %dma_wait3A_161, %dma_wait3A_162] : memref<4x128x16xf32, #tpu.memory_space<vmem>> -> memref<1x128x16xf32, #tpu.memory_space<vmem>>
      %dma_wait3A_164 = tpu.memref_squeeze %dma_wait3A_163 : memref<1x128x16xf32, #tpu.memory_space<vmem>> -> memref<128x16xf32, #tpu.memory_space<vmem>>
      %dma_wait3A_165 = arith.constant 0 : i32
      %dma_wait3A_166 = tpu.memref_slice %arg5[%add3A_159, %dma_wait3A_165] : memref<80x128xi32, #tpu.memory_space<vmem>> -> memref<1x128xi32, #tpu.memory_space<vmem>>
      %dma_wait3A_167 = tpu.memref_squeeze %dma_wait3A_166 : memref<1x128xi32, #tpu.memory_space<vmem>> -> memref<128xi32, #tpu.memory_space<vmem>>
      %dma_wait3A_168 = arith.constant 0 : i32
      %dma_wait3A_169 = arith.constant 0 : i32
      %dma_wait3A_170 = tpu.memref_slice %arg10[%dma_wait3A_168, %dma_wait3A_169] : memref<10240x16xf32, #tpu.memory_space<vmem_shared>> -> memref<10240x16xf32, #tpu.memory_space<vmem_shared>>
      tpu.wait_indirect_dma semaphore(%arg12 : memref<!tpu.dma_semaphore, #tpu.memory_space<semaphore_mem>>) src(%dma_wait3A_170 : memref<10240x16xf32, #tpu.memory_space<vmem_shared>>) dst(%dma_wait3A_164 : memref<128x16xf32, #tpu.memory_space<vmem>>)
      %add3A_171 = arith.constant 1 : i32
      %add3A_172 = arith.addi %mul3A_131, %add3A_171 : i32
      %dma_start3A_173 = arith.constant 1 : i32
      %dma_start3A_174 = arith.constant 0 : i32
      %dma_start3A_175 = arith.constant 0 : i32
      %dma_start3A_176 = tpu.memref_slice %arg7[%dma_start3A_173, %dma_start3A_174, %dma_start3A_175] : memref<4x128x16xf32, #tpu.memory_space<vmem>> -> memref<1x128x16xf32, #tpu.memory_space<vmem>>
      %dma_start3A_177 = tpu.memref_squeeze %dma_start3A_176 : memref<1x128x16xf32, #tpu.memory_space<vmem>> -> memref<128x16xf32, #tpu.memory_space<vmem>>
      %dma_start3A_178 = arith.constant 0 : i32
      %dma_start3A_179 = tpu.memref_slice %arg6[%add3A_172, %dma_start3A_178] : memref<80x128xi32, #tpu.memory_space<vmem>> -> memref<1x128xi32, #tpu.memory_space<vmem>>
      %dma_start3A_180 = tpu.memref_squeeze %dma_start3A_179 : memref<1x128xi32, #tpu.memory_space<vmem>> -> memref<128xi32, #tpu.memory_space<vmem>>
      %dma_start3A_181 = arith.constant 0 : i32
      %dma_start3A_182 = arith.constant 0 : i32
      %dma_start3A_183 = tpu.memref_slice %arg9[%dma_start3A_181, %dma_start3A_182] : memref<10240x16xf32, #tpu.memory_space<vmem_shared>> -> memref<10240x16xf32, #tpu.memory_space<vmem_shared>>
      tpu.enqueue_indirect_dma source(%dma_start3A_177 : memref<128x16xf32, #tpu.memory_space<vmem>>) target(%dma_start3A_183 : memref<10240x16xf32, #tpu.memory_space<vmem_shared>>) offsets(%dma_start3A_180 : memref<128xi32, #tpu.memory_space<vmem>>) semaphore(%arg16 : memref<!tpu.dma_semaphore, #tpu.memory_space<semaphore_mem>>) {add = true}
      %add3A_184 = arith.constant 2 : i32
      %add3A_185 = arith.addi %mul3A_131, %add3A_184 : i32
      %dma_wait3A_186 = arith.constant 2 : i32
      %dma_wait3A_187 = arith.constant 0 : i32
      %dma_wait3A_188 = arith.constant 0 : i32
      %dma_wait3A_189 = tpu.memref_slice %arg7[%dma_wait3A_186, %dma_wait3A_187, %dma_wait3A_188] : memref<4x128x16xf32, #tpu.memory_space<vmem>> -> memref<1x128x16xf32, #tpu.memory_space<vmem>>
      %dma_wait3A_190 = tpu.memref_squeeze %dma_wait3A_189 : memref<1x128x16xf32, #tpu.memory_space<vmem>> -> memref<128x16xf32, #tpu.memory_space<vmem>>
      %dma_wait3A_191 = arith.constant 0 : i32
      %dma_wait3A_192 = tpu.memref_slice %arg5[%add3A_185, %dma_wait3A_191] : memref<80x128xi32, #tpu.memory_space<vmem>> -> memref<1x128xi32, #tpu.memory_space<vmem>>
      %dma_wait3A_193 = tpu.memref_squeeze %dma_wait3A_192 : memref<1x128xi32, #tpu.memory_space<vmem>> -> memref<128xi32, #tpu.memory_space<vmem>>
      %dma_wait3A_194 = arith.constant 0 : i32
      %dma_wait3A_195 = arith.constant 0 : i32
      %dma_wait3A_196 = tpu.memref_slice %arg10[%dma_wait3A_194, %dma_wait3A_195] : memref<10240x16xf32, #tpu.memory_space<vmem_shared>> -> memref<10240x16xf32, #tpu.memory_space<vmem_shared>>
      tpu.wait_indirect_dma semaphore(%arg13 : memref<!tpu.dma_semaphore, #tpu.memory_space<semaphore_mem>>) src(%dma_wait3A_196 : memref<10240x16xf32, #tpu.memory_space<vmem_shared>>) dst(%dma_wait3A_190 : memref<128x16xf32, #tpu.memory_space<vmem>>)
      %add3A_197 = arith.constant 2 : i32
      %add3A_198 = arith.addi %mul3A_131, %add3A_197 : i32
      %dma_start3A_199 = arith.constant 2 : i32
      %dma_start3A_200 = arith.constant 0 : i32
      %dma_start3A_201 = arith.constant 0 : i32
      %dma_start3A_202 = tpu.memref_slice %arg7[%dma_start3A_199, %dma_start3A_200, %dma_start3A_201] : memref<4x128x16xf32, #tpu.memory_space<vmem>> -> memref<1x128x16xf32, #tpu.memory_space<vmem>>
      %dma_start3A_203 = tpu.memref_squeeze %dma_start3A_202 : memref<1x128x16xf32, #tpu.memory_space<vmem>> -> memref<128x16xf32, #tpu.memory_space<vmem>>
      %dma_start3A_204 = arith.constant 0 : i32
      %dma_start3A_205 = tpu.memref_slice %arg6[%add3A_198, %dma_start3A_204] : memref<80x128xi32, #tpu.memory_space<vmem>> -> memref<1x128xi32, #tpu.memory_space<vmem>>
      %dma_start3A_206 = tpu.memref_squeeze %dma_start3A_205 : memref<1x128xi32, #tpu.memory_space<vmem>> -> memref<128xi32, #tpu.memory_space<vmem>>
      %dma_start3A_207 = arith.constant 0 : i32
      %dma_start3A_208 = arith.constant 0 : i32
      %dma_start3A_209 = tpu.memref_slice %arg9[%dma_start3A_207, %dma_start3A_208] : memref<10240x16xf32, #tpu.memory_space<vmem_shared>> -> memref<10240x16xf32, #tpu.memory_space<vmem_shared>>
      tpu.enqueue_indirect_dma source(%dma_start3A_203 : memref<128x16xf32, #tpu.memory_space<vmem>>) target(%dma_start3A_209 : memref<10240x16xf32, #tpu.memory_space<vmem_shared>>) offsets(%dma_start3A_206 : memref<128xi32, #tpu.memory_space<vmem>>) semaphore(%arg17 : memref<!tpu.dma_semaphore, #tpu.memory_space<semaphore_mem>>) {add = true}
      %add3A_210 = arith.constant 3 : i32
      %add3A_211 = arith.addi %mul3A_131, %add3A_210 : i32
      %dma_wait3A_212 = arith.constant 3 : i32
      %dma_wait3A_213 = arith.constant 0 : i32
      %dma_wait3A_214 = arith.constant 0 : i32
      %dma_wait3A_215 = tpu.memref_slice %arg7[%dma_wait3A_212, %dma_wait3A_213, %dma_wait3A_214] : memref<4x128x16xf32, #tpu.memory_space<vmem>> -> memref<1x128x16xf32, #tpu.memory_space<vmem>>
      %dma_wait3A_216 = tpu.memref_squeeze %dma_wait3A_215 : memref<1x128x16xf32, #tpu.memory_space<vmem>> -> memref<128x16xf32, #tpu.memory_space<vmem>>
      %dma_wait3A_217 = arith.constant 0 : i32
      %dma_wait3A_218 = tpu.memref_slice %arg5[%add3A_211, %dma_wait3A_217] : memref<80x128xi32, #tpu.memory_space<vmem>> -> memref<1x128xi32, #tpu.memory_space<vmem>>
      %dma_wait3A_219 = tpu.memref_squeeze %dma_wait3A_218 : memref<1x128xi32, #tpu.memory_space<vmem>> -> memref<128xi32, #tpu.memory_space<vmem>>
      %dma_wait3A_220 = arith.constant 0 : i32
      %dma_wait3A_221 = arith.constant 0 : i32
      %dma_wait3A_222 = tpu.memref_slice %arg10[%dma_wait3A_220, %dma_wait3A_221] : memref<10240x16xf32, #tpu.memory_space<vmem_shared>> -> memref<10240x16xf32, #tpu.memory_space<vmem_shared>>
      tpu.wait_indirect_dma semaphore(%arg14 : memref<!tpu.dma_semaphore, #tpu.memory_space<semaphore_mem>>) src(%dma_wait3A_222 : memref<10240x16xf32, #tpu.memory_space<vmem_shared>>) dst(%dma_wait3A_216 : memref<128x16xf32, #tpu.memory_space<vmem>>)
      %add3A_223 = arith.constant 3 : i32
      %add3A_224 = arith.addi %mul3A_131, %add3A_223 : i32
      %dma_start3A_225 = arith.constant 3 : i32
      %dma_start3A_226 = arith.constant 0 : i32
      %dma_start3A_227 = arith.constant 0 : i32
      %dma_start3A_228 = tpu.memref_slice %arg7[%dma_start3A_225, %dma_start3A_226, %dma_start3A_227] : memref<4x128x16xf32, #tpu.memory_space<vmem>> -> memref<1x128x16xf32, #tpu.memory_space<vmem>>
      %dma_start3A_229 = tpu.memref_squeeze %dma_start3A_228 : memref<1x128x16xf32, #tpu.memory_space<vmem>> -> memref<128x16xf32, #tpu.memory_space<vmem>>
      %dma_start3A_230 = arith.constant 0 : i32
      %dma_start3A_231 = tpu.memref_slice %arg6[%add3A_224, %dma_start3A_230] : memref<80x128xi32, #tpu.memory_space<vmem>> -> memref<1x128xi32, #tpu.memory_space<vmem>>
      %dma_start3A_232 = tpu.memref_squeeze %dma_start3A_231 : memref<1x128xi32, #tpu.memory_space<vmem>> -> memref<128xi32, #tpu.memory_space<vmem>>
      %dma_start3A_233 = arith.constant 0 : i32
      %dma_start3A_234 = arith.constant 0 : i32
      %dma_start3A_235 = tpu.memref_slice %arg9[%dma_start3A_233, %dma_start3A_234] : memref<10240x16xf32, #tpu.memory_space<vmem_shared>> -> memref<10240x16xf32, #tpu.memory_space<vmem_shared>>
      tpu.enqueue_indirect_dma source(%dma_start3A_229 : memref<128x16xf32, #tpu.memory_space<vmem>>) target(%dma_start3A_235 : memref<10240x16xf32, #tpu.memory_space<vmem_shared>>) offsets(%dma_start3A_232 : memref<128xi32, #tpu.memory_space<vmem>>) semaphore(%arg18 : memref<!tpu.dma_semaphore, #tpu.memory_space<semaphore_mem>>) {add = true}
      %add3A_236 = arith.constant 0 : i32
      %add3A_237 = arith.addi %mul3A_131, %add3A_236 : i32
      %add3A_238 = arith.constant 4 : i32
      %add3A_239 = arith.addi %add3A_237, %add3A_238 : i32
      %lt3A = arith.constant 80 : i32
      %lt3A_240 = arith.cmpi slt, %add3A_239, %lt3A : i32
      %convert_element_type3A = arith.extui %lt3A_240 : i1 to i32
      %cond3A = arith.constant 0 : i32
      %cond3A_241 = arith.cmpi ne, %convert_element_type3A, %cond3A : i32
      scf.if %cond3A_241 {
        %add3A_269 = arith.constant 0 : i32
        %add3A_270 = arith.addi %mul3A_131, %add3A_269 : i32
        %dma_wait3A_271 = arith.constant 0 : i32
        %dma_wait3A_272 = arith.constant 0 : i32
        %dma_wait3A_273 = arith.constant 0 : i32
        %dma_wait3A_274 = tpu.memref_slice %arg7[%dma_wait3A_271, %dma_wait3A_272, %dma_wait3A_273] : memref<4x128x16xf32, #tpu.memory_space<vmem>> -> memref<1x128x16xf32, #tpu.memory_space<vmem>>
        %dma_wait3A_275 = tpu.memref_squeeze %dma_wait3A_274 : memref<1x128x16xf32, #tpu.memory_space<vmem>> -> memref<128x16xf32, #tpu.memory_space<vmem>>
        %dma_wait3A_276 = arith.constant 0 : i32
        %dma_wait3A_277 = tpu.memref_slice %arg6[%add3A_270, %dma_wait3A_276] : memref<80x128xi32, #tpu.memory_space<vmem>> -> memref<1x128xi32, #tpu.memory_space<vmem>>
        %dma_wait3A_278 = tpu.memref_squeeze %dma_wait3A_277 : memref<1x128xi32, #tpu.memory_space<vmem>> -> memref<128xi32, #tpu.memory_space<vmem>>
        %dma_wait3A_279 = arith.constant 0 : i32
        %dma_wait3A_280 = arith.constant 0 : i32
        %dma_wait3A_281 = tpu.memref_slice %arg9[%dma_wait3A_279, %dma_wait3A_280] : memref<10240x16xf32, #tpu.memory_space<vmem_shared>> -> memref<10240x16xf32, #tpu.memory_space<vmem_shared>>
        tpu.wait_indirect_dma semaphore(%arg15 : memref<!tpu.dma_semaphore, #tpu.memory_space<semaphore_mem>>) src(%dma_wait3A_275 : memref<128x16xf32, #tpu.memory_space<vmem>>) dst(%dma_wait3A_281 : memref<10240x16xf32, #tpu.memory_space<vmem_shared>>)
        %add3A_282 = arith.constant 0 : i32
        %add3A_283 = arith.addi %mul3A_131, %add3A_282 : i32
        %add3A_284 = arith.constant 4 : i32
        %add3A_285 = arith.addi %add3A_283, %add3A_284 : i32
        %dma_start3A_286 = arith.constant 0 : i32
        %dma_start3A_287 = arith.constant 0 : i32
        %dma_start3A_288 = arith.constant 0 : i32
        %dma_start3A_289 = tpu.memref_slice %arg7[%dma_start3A_286, %dma_start3A_287, %dma_start3A_288] : memref<4x128x16xf32, #tpu.memory_space<vmem>> -> memref<1x128x16xf32, #tpu.memory_space<vmem>>
        %dma_start3A_290 = tpu.memref_squeeze %dma_start3A_289 : memref<1x128x16xf32, #tpu.memory_space<vmem>> -> memref<128x16xf32, #tpu.memory_space<vmem>>
        %dma_start3A_291 = arith.constant 0 : i32
        %dma_start3A_292 = tpu.memref_slice %arg5[%add3A_285, %dma_start3A_291] : memref<80x128xi32, #tpu.memory_space<vmem>> -> memref<1x128xi32, #tpu.memory_space<vmem>>
        %dma_start3A_293 = tpu.memref_squeeze %dma_start3A_292 : memref<1x128xi32, #tpu.memory_space<vmem>> -> memref<128xi32, #tpu.memory_space<vmem>>
        %dma_start3A_294 = arith.constant 0 : i32
        %dma_start3A_295 = arith.constant 0 : i32
        %dma_start3A_296 = tpu.memref_slice %arg10[%dma_start3A_294, %dma_start3A_295] : memref<10240x16xf32, #tpu.memory_space<vmem_shared>> -> memref<10240x16xf32, #tpu.memory_space<vmem_shared>>
        tpu.enqueue_indirect_dma source(%dma_start3A_296 : memref<10240x16xf32, #tpu.memory_space<vmem_shared>>) target(%dma_start3A_290 : memref<128x16xf32, #tpu.memory_space<vmem>>) offsets(%dma_start3A_293 : memref<128xi32, #tpu.memory_space<vmem>>) semaphore(%arg11 : memref<!tpu.dma_semaphore, #tpu.memory_space<semaphore_mem>>)
      } else {
      }
      %add3A_242 = arith.constant 1 : i32
      %add3A_243 = arith.addi %mul3A_131, %add3A_242 : i32
      %add3A_244 = arith.constant 4 : i32
      %add3A_245 = arith.addi %add3A_243, %add3A_244 : i32
      %lt3A_246 = arith.constant 80 : i32
      %lt3A_247 = arith.cmpi slt, %add3A_245, %lt3A_246 : i32
      %convert_element_type3A_248 = arith.extui %lt3A_247 : i1 to i32
      %cond3A_249 = arith.constant 0 : i32
      %cond3A_250 = arith.cmpi ne, %convert_element_type3A_248, %cond3A_249 : i32
      scf.if %cond3A_250 {
        %add3A_269 = arith.constant 1 : i32
        %add3A_270 = arith.addi %mul3A_131, %add3A_269 : i32
        %dma_wait3A_271 = arith.constant 1 : i32
        %dma_wait3A_272 = arith.constant 0 : i32
        %dma_wait3A_273 = arith.constant 0 : i32
        %dma_wait3A_274 = tpu.memref_slice %arg7[%dma_wait3A_271, %dma_wait3A_272, %dma_wait3A_273] : memref<4x128x16xf32, #tpu.memory_space<vmem>> -> memref<1x128x16xf32, #tpu.memory_space<vmem>>
        %dma_wait3A_275 = tpu.memref_squeeze %dma_wait3A_274 : memref<1x128x16xf32, #tpu.memory_space<vmem>> -> memref<128x16xf32, #tpu.memory_space<vmem>>
        %dma_wait3A_276 = arith.constant 0 : i32
        %dma_wait3A_277 = tpu.memref_slice %arg6[%add3A_270, %dma_wait3A_276] : memref<80x128xi32, #tpu.memory_space<vmem>> -> memref<1x128xi32, #tpu.memory_space<vmem>>
        %dma_wait3A_278 = tpu.memref_squeeze %dma_wait3A_277 : memref<1x128xi32, #tpu.memory_space<vmem>> -> memref<128xi32, #tpu.memory_space<vmem>>
        %dma_wait3A_279 = arith.constant 0 : i32
        %dma_wait3A_280 = arith.constant 0 : i32
        %dma_wait3A_281 = tpu.memref_slice %arg9[%dma_wait3A_279, %dma_wait3A_280] : memref<10240x16xf32, #tpu.memory_space<vmem_shared>> -> memref<10240x16xf32, #tpu.memory_space<vmem_shared>>
        tpu.wait_indirect_dma semaphore(%arg16 : memref<!tpu.dma_semaphore, #tpu.memory_space<semaphore_mem>>) src(%dma_wait3A_275 : memref<128x16xf32, #tpu.memory_space<vmem>>) dst(%dma_wait3A_281 : memref<10240x16xf32, #tpu.memory_space<vmem_shared>>)
        %add3A_282 = arith.constant 1 : i32
        %add3A_283 = arith.addi %mul3A_131, %add3A_282 : i32
        %add3A_284 = arith.constant 4 : i32
        %add3A_285 = arith.addi %add3A_283, %add3A_284 : i32
        %dma_start3A_286 = arith.constant 1 : i32
        %dma_start3A_287 = arith.constant 0 : i32
        %dma_start3A_288 = arith.constant 0 : i32
        %dma_start3A_289 = tpu.memref_slice %arg7[%dma_start3A_286, %dma_start3A_287, %dma_start3A_288] : memref<4x128x16xf32, #tpu.memory_space<vmem>> -> memref<1x128x16xf32, #tpu.memory_space<vmem>>
        %dma_start3A_290 = tpu.memref_squeeze %dma_start3A_289 : memref<1x128x16xf32, #tpu.memory_space<vmem>> -> memref<128x16xf32, #tpu.memory_space<vmem>>
        %dma_start3A_291 = arith.constant 0 : i32
        %dma_start3A_292 = tpu.memref_slice %arg5[%add3A_285, %dma_start3A_291] : memref<80x128xi32, #tpu.memory_space<vmem>> -> memref<1x128xi32, #tpu.memory_space<vmem>>
        %dma_start3A_293 = tpu.memref_squeeze %dma_start3A_292 : memref<1x128xi32, #tpu.memory_space<vmem>> -> memref<128xi32, #tpu.memory_space<vmem>>
        %dma_start3A_294 = arith.constant 0 : i32
        %dma_start3A_295 = arith.constant 0 : i32
        %dma_start3A_296 = tpu.memref_slice %arg10[%dma_start3A_294, %dma_start3A_295] : memref<10240x16xf32, #tpu.memory_space<vmem_shared>> -> memref<10240x16xf32, #tpu.memory_space<vmem_shared>>
        tpu.enqueue_indirect_dma source(%dma_start3A_296 : memref<10240x16xf32, #tpu.memory_space<vmem_shared>>) target(%dma_start3A_290 : memref<128x16xf32, #tpu.memory_space<vmem>>) offsets(%dma_start3A_293 : memref<128xi32, #tpu.memory_space<vmem>>) semaphore(%arg12 : memref<!tpu.dma_semaphore, #tpu.memory_space<semaphore_mem>>)
      } else {
      }
      %add3A_251 = arith.constant 2 : i32
      %add3A_252 = arith.addi %mul3A_131, %add3A_251 : i32
      %add3A_253 = arith.constant 4 : i32
      %add3A_254 = arith.addi %add3A_252, %add3A_253 : i32
      %lt3A_255 = arith.constant 80 : i32
      %lt3A_256 = arith.cmpi slt, %add3A_254, %lt3A_255 : i32
      %convert_element_type3A_257 = arith.extui %lt3A_256 : i1 to i32
      %cond3A_258 = arith.constant 0 : i32
      %cond3A_259 = arith.cmpi ne, %convert_element_type3A_257, %cond3A_258 : i32
      scf.if %cond3A_259 {
        %add3A_269 = arith.constant 2 : i32
        %add3A_270 = arith.addi %mul3A_131, %add3A_269 : i32
        %dma_wait3A_271 = arith.constant 2 : i32
        %dma_wait3A_272 = arith.constant 0 : i32
        %dma_wait3A_273 = arith.constant 0 : i32
        %dma_wait3A_274 = tpu.memref_slice %arg7[%dma_wait3A_271, %dma_wait3A_272, %dma_wait3A_273] : memref<4x128x16xf32, #tpu.memory_space<vmem>> -> memref<1x128x16xf32, #tpu.memory_space<vmem>>
        %dma_wait3A_275 = tpu.memref_squeeze %dma_wait3A_274 : memref<1x128x16xf32, #tpu.memory_space<vmem>> -> memref<128x16xf32, #tpu.memory_space<vmem>>
        %dma_wait3A_276 = arith.constant 0 : i32
        %dma_wait3A_277 = tpu.memref_slice %arg6[%add3A_270, %dma_wait3A_276] : memref<80x128xi32, #tpu.memory_space<vmem>> -> memref<1x128xi32, #tpu.memory_space<vmem>>
        %dma_wait3A_278 = tpu.memref_squeeze %dma_wait3A_277 : memref<1x128xi32, #tpu.memory_space<vmem>> -> memref<128xi32, #tpu.memory_space<vmem>>
        %dma_wait3A_279 = arith.constant 0 : i32
        %dma_wait3A_280 = arith.constant 0 : i32
        %dma_wait3A_281 = tpu.memref_slice %arg9[%dma_wait3A_279, %dma_wait3A_280] : memref<10240x16xf32, #tpu.memory_space<vmem_shared>> -> memref<10240x16xf32, #tpu.memory_space<vmem_shared>>
        tpu.wait_indirect_dma semaphore(%arg17 : memref<!tpu.dma_semaphore, #tpu.memory_space<semaphore_mem>>) src(%dma_wait3A_275 : memref<128x16xf32, #tpu.memory_space<vmem>>) dst(%dma_wait3A_281 : memref<10240x16xf32, #tpu.memory_space<vmem_shared>>)
        %add3A_282 = arith.constant 2 : i32
        %add3A_283 = arith.addi %mul3A_131, %add3A_282 : i32
        %add3A_284 = arith.constant 4 : i32
        %add3A_285 = arith.addi %add3A_283, %add3A_284 : i32
        %dma_start3A_286 = arith.constant 2 : i32
        %dma_start3A_287 = arith.constant 0 : i32
        %dma_start3A_288 = arith.constant 0 : i32
        %dma_start3A_289 = tpu.memref_slice %arg7[%dma_start3A_286, %dma_start3A_287, %dma_start3A_288] : memref<4x128x16xf32, #tpu.memory_space<vmem>> -> memref<1x128x16xf32, #tpu.memory_space<vmem>>
        %dma_start3A_290 = tpu.memref_squeeze %dma_start3A_289 : memref<1x128x16xf32, #tpu.memory_space<vmem>> -> memref<128x16xf32, #tpu.memory_space<vmem>>
        %dma_start3A_291 = arith.constant 0 : i32
        %dma_start3A_292 = tpu.memref_slice %arg5[%add3A_285, %dma_start3A_291] : memref<80x128xi32, #tpu.memory_space<vmem>> -> memref<1x128xi32, #tpu.memory_space<vmem>>
        %dma_start3A_293 = tpu.memref_squeeze %dma_start3A_292 : memref<1x128xi32, #tpu.memory_space<vmem>> -> memref<128xi32, #tpu.memory_space<vmem>>
        %dma_start3A_294 = arith.constant 0 : i32
        %dma_start3A_295 = arith.constant 0 : i32
        %dma_start3A_296 = tpu.memref_slice %arg10[%dma_start3A_294, %dma_start3A_295] : memref<10240x16xf32, #tpu.memory_space<vmem_shared>> -> memref<10240x16xf32, #tpu.memory_space<vmem_shared>>
        tpu.enqueue_indirect_dma source(%dma_start3A_296 : memref<10240x16xf32, #tpu.memory_space<vmem_shared>>) target(%dma_start3A_290 : memref<128x16xf32, #tpu.memory_space<vmem>>) offsets(%dma_start3A_293 : memref<128xi32, #tpu.memory_space<vmem>>) semaphore(%arg13 : memref<!tpu.dma_semaphore, #tpu.memory_space<semaphore_mem>>)
      } else {
      }
      %add3A_260 = arith.constant 3 : i32
      %add3A_261 = arith.addi %mul3A_131, %add3A_260 : i32
      %add3A_262 = arith.constant 4 : i32
      %add3A_263 = arith.addi %add3A_261, %add3A_262 : i32
      %lt3A_264 = arith.constant 80 : i32
      %lt3A_265 = arith.cmpi slt, %add3A_263, %lt3A_264 : i32
      %convert_element_type3A_266 = arith.extui %lt3A_265 : i1 to i32
      %cond3A_267 = arith.constant 0 : i32
      %cond3A_268 = arith.cmpi ne, %convert_element_type3A_266, %cond3A_267 : i32
      scf.if %cond3A_268 {
        %add3A_269 = arith.constant 3 : i32
        %add3A_270 = arith.addi %mul3A_131, %add3A_269 : i32
        %dma_wait3A_271 = arith.constant 3 : i32
        %dma_wait3A_272 = arith.constant 0 : i32
        %dma_wait3A_273 = arith.constant 0 : i32
        %dma_wait3A_274 = tpu.memref_slice %arg7[%dma_wait3A_271, %dma_wait3A_272, %dma_wait3A_273] : memref<4x128x16xf32, #tpu.memory_space<vmem>> -> memref<1x128x16xf32, #tpu.memory_space<vmem>>
        %dma_wait3A_275 = tpu.memref_squeeze %dma_wait3A_274 : memref<1x128x16xf32, #tpu.memory_space<vmem>> -> memref<128x16xf32, #tpu.memory_space<vmem>>
        %dma_wait3A_276 = arith.constant 0 : i32
        %dma_wait3A_277 = tpu.memref_slice %arg6[%add3A_270, %dma_wait3A_276] : memref<80x128xi32, #tpu.memory_space<vmem>> -> memref<1x128xi32, #tpu.memory_space<vmem>>
        %dma_wait3A_278 = tpu.memref_squeeze %dma_wait3A_277 : memref<1x128xi32, #tpu.memory_space<vmem>> -> memref<128xi32, #tpu.memory_space<vmem>>
        %dma_wait3A_279 = arith.constant 0 : i32
        %dma_wait3A_280 = arith.constant 0 : i32
        %dma_wait3A_281 = tpu.memref_slice %arg9[%dma_wait3A_279, %dma_wait3A_280] : memref<10240x16xf32, #tpu.memory_space<vmem_shared>> -> memref<10240x16xf32, #tpu.memory_space<vmem_shared>>
        tpu.wait_indirect_dma semaphore(%arg18 : memref<!tpu.dma_semaphore, #tpu.memory_space<semaphore_mem>>) src(%dma_wait3A_275 : memref<128x16xf32, #tpu.memory_space<vmem>>) dst(%dma_wait3A_281 : memref<10240x16xf32, #tpu.memory_space<vmem_shared>>)
        %add3A_282 = arith.constant 3 : i32
        %add3A_283 = arith.addi %mul3A_131, %add3A_282 : i32
        %add3A_284 = arith.constant 4 : i32
        %add3A_285 = arith.addi %add3A_283, %add3A_284 : i32
        %dma_start3A_286 = arith.constant 3 : i32
        %dma_start3A_287 = arith.constant 0 : i32
        %dma_start3A_288 = arith.constant 0 : i32
        %dma_start3A_289 = tpu.memref_slice %arg7[%dma_start3A_286, %dma_start3A_287, %dma_start3A_288] : memref<4x128x16xf32, #tpu.memory_space<vmem>> -> memref<1x128x16xf32, #tpu.memory_space<vmem>>
        %dma_start3A_290 = tpu.memref_squeeze %dma_start3A_289 : memref<1x128x16xf32, #tpu.memory_space<vmem>> -> memref<128x16xf32, #tpu.memory_space<vmem>>
        %dma_start3A_291 = arith.constant 0 : i32
        %dma_start3A_292 = tpu.memref_slice %arg5[%add3A_285, %dma_start3A_291] : memref<80x128xi32, #tpu.memory_space<vmem>> -> memref<1x128xi32, #tpu.memory_space<vmem>>
        %dma_start3A_293 = tpu.memref_squeeze %dma_start3A_292 : memref<1x128xi32, #tpu.memory_space<vmem>> -> memref<128xi32, #tpu.memory_space<vmem>>
        %dma_start3A_294 = arith.constant 0 : i32
        %dma_start3A_295 = arith.constant 0 : i32
        %dma_start3A_296 = tpu.memref_slice %arg10[%dma_start3A_294, %dma_start3A_295] : memref<10240x16xf32, #tpu.memory_space<vmem_shared>> -> memref<10240x16xf32, #tpu.memory_space<vmem_shared>>
        tpu.enqueue_indirect_dma source(%dma_start3A_296 : memref<10240x16xf32, #tpu.memory_space<vmem_shared>>) target(%dma_start3A_290 : memref<128x16xf32, #tpu.memory_space<vmem>>) offsets(%dma_start3A_293 : memref<128xi32, #tpu.memory_space<vmem>>) semaphore(%arg14 : memref<!tpu.dma_semaphore, #tpu.memory_space<semaphore_mem>>)
      } else {
      }
    }
    %scan3A_71 = arith.constant 20 : i32
    %dma_wait3A = arith.constant 0 : i32
    %dma_wait3A_72 = arith.constant 76 : i32
    %dma_wait3A_73 = arith.constant 0 : i32
    %dma_wait3A_74 = arith.constant 0 : i32
    %dma_wait3A_75 = tpu.memref_slice %arg7[%dma_wait3A, %dma_wait3A_73, %dma_wait3A_74] : memref<4x128x16xf32, #tpu.memory_space<vmem>> -> memref<1x128x16xf32, #tpu.memory_space<vmem>>
    %dma_wait3A_76 = tpu.memref_squeeze %dma_wait3A_75 : memref<1x128x16xf32, #tpu.memory_space<vmem>> -> memref<128x16xf32, #tpu.memory_space<vmem>>
    %dma_wait3A_77 = arith.constant 0 : i32
    %dma_wait3A_78 = tpu.memref_slice %arg6[%dma_wait3A_72, %dma_wait3A_77] : memref<80x128xi32, #tpu.memory_space<vmem>> -> memref<1x128xi32, #tpu.memory_space<vmem>>
    %dma_wait3A_79 = tpu.memref_squeeze %dma_wait3A_78 : memref<1x128xi32, #tpu.memory_space<vmem>> -> memref<128xi32, #tpu.memory_space<vmem>>
    %dma_wait3A_80 = arith.constant 0 : i32
    %dma_wait3A_81 = arith.constant 0 : i32
    %dma_wait3A_82 = tpu.memref_slice %arg9[%dma_wait3A_80, %dma_wait3A_81] : memref<10240x16xf32, #tpu.memory_space<vmem_shared>> -> memref<10240x16xf32, #tpu.memory_space<vmem_shared>>
    tpu.wait_indirect_dma semaphore(%arg15 : memref<!tpu.dma_semaphore, #tpu.memory_space<semaphore_mem>>) src(%dma_wait3A_76 : memref<128x16xf32, #tpu.memory_space<vmem>>) dst(%dma_wait3A_82 : memref<10240x16xf32, #tpu.memory_space<vmem_shared>>)
    %dma_wait3A_83 = arith.constant 1 : i32
    %dma_wait3A_84 = arith.constant 77 : i32
    %dma_wait3A_85 = arith.constant 0 : i32
    %dma_wait3A_86 = arith.constant 0 : i32
    %dma_wait3A_87 = tpu.memref_slice %arg7[%dma_wait3A_83, %dma_wait3A_85, %dma_wait3A_86] : memref<4x128x16xf32, #tpu.memory_space<vmem>> -> memref<1x128x16xf32, #tpu.memory_space<vmem>>
    %dma_wait3A_88 = tpu.memref_squeeze %dma_wait3A_87 : memref<1x128x16xf32, #tpu.memory_space<vmem>> -> memref<128x16xf32, #tpu.memory_space<vmem>>
    %dma_wait3A_89 = arith.constant 0 : i32
    %dma_wait3A_90 = tpu.memref_slice %arg6[%dma_wait3A_84, %dma_wait3A_89] : memref<80x128xi32, #tpu.memory_space<vmem>> -> memref<1x128xi32, #tpu.memory_space<vmem>>
    %dma_wait3A_91 = tpu.memref_squeeze %dma_wait3A_90 : memref<1x128xi32, #tpu.memory_space<vmem>> -> memref<128xi32, #tpu.memory_space<vmem>>
    %dma_wait3A_92 = arith.constant 0 : i32
    %dma_wait3A_93 = arith.constant 0 : i32
    %dma_wait3A_94 = tpu.memref_slice %arg9[%dma_wait3A_92, %dma_wait3A_93] : memref<10240x16xf32, #tpu.memory_space<vmem_shared>> -> memref<10240x16xf32, #tpu.memory_space<vmem_shared>>
    tpu.wait_indirect_dma semaphore(%arg16 : memref<!tpu.dma_semaphore, #tpu.memory_space<semaphore_mem>>) src(%dma_wait3A_88 : memref<128x16xf32, #tpu.memory_space<vmem>>) dst(%dma_wait3A_94 : memref<10240x16xf32, #tpu.memory_space<vmem_shared>>)
    %dma_wait3A_95 = arith.constant 2 : i32
    %dma_wait3A_96 = arith.constant 78 : i32
    %dma_wait3A_97 = arith.constant 0 : i32
    %dma_wait3A_98 = arith.constant 0 : i32
    %dma_wait3A_99 = tpu.memref_slice %arg7[%dma_wait3A_95, %dma_wait3A_97, %dma_wait3A_98] : memref<4x128x16xf32, #tpu.memory_space<vmem>> -> memref<1x128x16xf32, #tpu.memory_space<vmem>>
    %dma_wait3A_100 = tpu.memref_squeeze %dma_wait3A_99 : memref<1x128x16xf32, #tpu.memory_space<vmem>> -> memref<128x16xf32, #tpu.memory_space<vmem>>
    %dma_wait3A_101 = arith.constant 0 : i32
    %dma_wait3A_102 = tpu.memref_slice %arg6[%dma_wait3A_96, %dma_wait3A_101] : memref<80x128xi32, #tpu.memory_space<vmem>> -> memref<1x128xi32, #tpu.memory_space<vmem>>
    %dma_wait3A_103 = tpu.memref_squeeze %dma_wait3A_102 : memref<1x128xi32, #tpu.memory_space<vmem>> -> memref<128xi32, #tpu.memory_space<vmem>>
    %dma_wait3A_104 = arith.constant 0 : i32
    %dma_wait3A_105 = arith.constant 0 : i32
    %dma_wait3A_106 = tpu.memref_slice %arg9[%dma_wait3A_104, %dma_wait3A_105] : memref<10240x16xf32, #tpu.memory_space<vmem_shared>> -> memref<10240x16xf32, #tpu.memory_space<vmem_shared>>
    tpu.wait_indirect_dma semaphore(%arg17 : memref<!tpu.dma_semaphore, #tpu.memory_space<semaphore_mem>>) src(%dma_wait3A_100 : memref<128x16xf32, #tpu.memory_space<vmem>>) dst(%dma_wait3A_106 : memref<10240x16xf32, #tpu.memory_space<vmem_shared>>)
    %dma_wait3A_107 = arith.constant 3 : i32
    %dma_wait3A_108 = arith.constant 79 : i32
    %dma_wait3A_109 = arith.constant 0 : i32
    %dma_wait3A_110 = arith.constant 0 : i32
    %dma_wait3A_111 = tpu.memref_slice %arg7[%dma_wait3A_107, %dma_wait3A_109, %dma_wait3A_110] : memref<4x128x16xf32, #tpu.memory_space<vmem>> -> memref<1x128x16xf32, #tpu.memory_space<vmem>>
    %dma_wait3A_112 = tpu.memref_squeeze %dma_wait3A_111 : memref<1x128x16xf32, #tpu.memory_space<vmem>> -> memref<128x16xf32, #tpu.memory_space<vmem>>
    %dma_wait3A_113 = arith.constant 0 : i32
    %dma_wait3A_114 = tpu.memref_slice %arg6[%dma_wait3A_108, %dma_wait3A_113] : memref<80x128xi32, #tpu.memory_space<vmem>> -> memref<1x128xi32, #tpu.memory_space<vmem>>
    %dma_wait3A_115 = tpu.memref_squeeze %dma_wait3A_114 : memref<1x128xi32, #tpu.memory_space<vmem>> -> memref<128xi32, #tpu.memory_space<vmem>>
    %dma_wait3A_116 = arith.constant 0 : i32
    %dma_wait3A_117 = arith.constant 0 : i32
    %dma_wait3A_118 = tpu.memref_slice %arg9[%dma_wait3A_116, %dma_wait3A_117] : memref<10240x16xf32, #tpu.memory_space<vmem_shared>> -> memref<10240x16xf32, #tpu.memory_space<vmem_shared>>
    tpu.wait_indirect_dma semaphore(%arg18 : memref<!tpu.dma_semaphore, #tpu.memory_space<semaphore_mem>>) src(%dma_wait3A_112 : memref<128x16xf32, #tpu.memory_space<vmem>>) dst(%dma_wait3A_118 : memref<10240x16xf32, #tpu.memory_space<vmem_shared>>)
    %barrier3A_119 = arith.constant 0 : index
    tpu.barrier barrier_id(%barrier3A_119)
    %scan3A_120 = arith.constant 0 : i32
    %scan3A_121 = arith.constant 10 : i32
    %scan3A_122 = arith.addi %scan3A_120, %scan3A_121 : i32
    %scan3A_123 = arith.constant 1 : i32
    scf.for %scan3A_125 = %scan3A_120 to %scan3A_122 step %scan3A_123  : i32 {
      %mul3A_126 = arith.constant 1 : i32
      %mul3A_127 = arith.muli %scan3A_125, %mul3A_126 : i32
      %add3A_128 = arith.constant 0 : i32
      %add3A_129 = arith.addi %add3A_128, %mul3A_127 : i32
      %mul3A_130 = arith.constant 640 : i32
      %mul3A_131 = arith.muli %arg1, %mul3A_130 : i32
      %mul3A_132 = arith.constant 64 : i32
      %mul3A_133 = arith.muli %add3A_129, %mul3A_132 : i32
      %add3A_134 = arith.addi %mul3A_131, %mul3A_133 : i32
      "tpu.region"() ({
        %run_scoped3A_135 = tpu.sem_alloc : memref<!tpu.dma_semaphore, #tpu.memory_space<semaphore_mem>>
        %dma_start3A_136 = arith.constant 0 : i32
        %dma_start3A_137 = tpu.memref_slice %arg4[%arg0, %add3A_134, %dma_start3A_136] : memref<2x10240x16xf32, #tpu.memory_space<hbm>> -> memref<1x64x16xf32, #tpu.memory_space<hbm>>
        %dma_start3A_138 = tpu.memref_squeeze %dma_start3A_137 : memref<1x64x16xf32, #tpu.memory_space<hbm>> -> memref<64x16xf32, #tpu.memory_space<hbm>>
        %dma_start3A_139 = arith.constant 0 : i32
        %dma_start3A_140 = tpu.memref_slice %arg9[%add3A_134, %dma_start3A_139] : memref<10240x16xf32, #tpu.memory_space<vmem_shared>> -> memref<64x16xf32, #tpu.memory_space<vmem_shared>>
        tpu.enqueue_dma source(%dma_start3A_140 : memref<64x16xf32, #tpu.memory_space<vmem_shared>>) target(%dma_start3A_138 : memref<64x16xf32, #tpu.memory_space<hbm>>) target_semaphore(%run_scoped3A_135 : memref<!tpu.dma_semaphore, #tpu.memory_space<semaphore_mem>>)
        %dma_wait3A_141 = arith.constant 0 : i32
        %dma_wait3A_142 = tpu.memref_slice %arg4[%arg0, %add3A_134, %dma_wait3A_141] : memref<2x10240x16xf32, #tpu.memory_space<hbm>> -> memref<1x64x16xf32, #tpu.memory_space<hbm>>
        %dma_wait3A_143 = tpu.memref_squeeze %dma_wait3A_142 : memref<1x64x16xf32, #tpu.memory_space<hbm>> -> memref<64x16xf32, #tpu.memory_space<hbm>>
        %dma_wait3A_144 = arith.constant 0 : i32
        %dma_wait3A_145 = tpu.memref_slice %arg9[%add3A_134, %dma_wait3A_144] : memref<10240x16xf32, #tpu.memory_space<vmem_shared>> -> memref<64x16xf32, #tpu.memory_space<vmem_shared>>
        tpu.wait_dma2 semaphore(%run_scoped3A_135 : memref<!tpu.dma_semaphore, #tpu.memory_space<semaphore_mem>>) src(%dma_wait3A_145 : memref<64x16xf32, #tpu.memory_space<vmem_shared>>) dst(%dma_wait3A_143 : memref<64x16xf32, #tpu.memory_space<hbm>>)
        tpu.yield
      }) : () -> ()
    }
    %scan3A_124 = arith.constant 10 : i32
    return
  }
}

module attributes {stable_mosaic.version = 14 : i64} {
  func.func @_tc_pre_body(%arg0: i32, %arg1: memref<2x1024x16xf32, #tpu.memory_space<vmem>>, %arg2: memref<1024x128xf32, #tpu.memory_space<vmem>>, %arg3: memref<128x128xf32, #tpu.memory_space<vmem>>, %arg4: memref<1024xf32, #tpu.memory_space<vmem>>, %arg5: memref<1024x128xbf16, #tpu.memory_space<vmem>>) attributes {dimension_semantics = [#tpu.dimension_semantics<arbitrary>], iteration_bounds = array<i64: 10>, scalar_prefetch = 0 : i64, scratch_operands = 0 : i64, tpu.core_type = #tpu.core_type<tc>, window_params = [{transform_indices = @transform_0, window_bounds = array<i64: 2, 1024, 16>}, {transform_indices = @transform_1, window_bounds = array<i64: 1024, 128>}, {pipeline_mode = #tpu.pipeline_mode<synchronous>, transform_indices = @transform_2, window_bounds = array<i64: 128, 128>}, {transform_indices = @transform_3, window_bounds = array<i64: 1024>}, {transform_indices = @transform_4, window_bounds = array<i64: 1024, 128>}]} {
    %get3A = arith.constant 0 : index
    %get3A_0 = arith.constant 0 : index
    %get3A_1 = arith.constant 0 : index
    %get3A_2 = vector.load %arg1[%get3A, %get3A_0, %get3A_1] : memref<2x1024x16xf32, #tpu.memory_space<vmem>>, vector<1x1024x1xf32>
    %get3A_3 = vector.shape_cast %get3A_2 : vector<1x1024x1xf32> to vector<1024xf32>
    %get3A_4 = arith.constant 1 : index
    %get3A_5 = arith.constant 0 : index
    %get3A_6 = arith.constant 0 : index
    %get3A_7 = vector.load %arg1[%get3A_4, %get3A_5, %get3A_6] : memref<2x1024x16xf32, #tpu.memory_space<vmem>>, vector<1x1024x1xf32>
    %get3A_8 = vector.shape_cast %get3A_7 : vector<1x1024x1xf32> to vector<1024xf32>
    %add3A = arith.addf %get3A_3, %get3A_8 : vector<1024xf32>
    %add3A_9 = arith.constant 1.000000e+00 : f32
    %add3A_10 = vector.broadcast %add3A_9 : f32 to vector<1024xf32>
    %add3A_11 = arith.addf %add3A, %add3A_10 : vector<1024xf32>
    %rsqrt3A = math.rsqrt %add3A_11 : vector<1024xf32>
    %swap3A = arith.constant 0 : index
    %swap3A_12 = vector.load %arg4[%swap3A] : memref<1024xf32, #tpu.memory_space<vmem>>, vector<1024xf32>
    tpu.vector_store %arg4[%swap3A], %rsqrt3A {strides = array<i32>} : memref<1024xf32, #tpu.memory_space<vmem>>, vector<1024xf32>,
    %get3A_13 = arith.constant 0 : index
    %get3A_14 = arith.constant 0 : index
    %get3A_15 = vector.load %arg2[%get3A_13, %get3A_14] : memref<1024x128xf32, #tpu.memory_space<vmem>>, vector<1024x128xf32>
    %broadcast_in_dim3A = vector.shape_cast %rsqrt3A : vector<1024xf32> to vector<1024x1xf32>
    %mul3A = vector.broadcast %broadcast_in_dim3A : vector<1024x1xf32> to vector<1024x128xf32>
    %mul3A_16 = arith.mulf %get3A_15, %mul3A : vector<1024x128xf32>
    %get3A_17 = arith.constant 0 : index
    %get3A_18 = arith.constant 0 : index
    %get3A_19 = vector.load %arg3[%get3A_17, %get3A_18] : memref<128x128xf32, #tpu.memory_space<vmem>>, vector<128x128xf32>
    %dot_general3A = arith.constant dense<0.000000e+00> : vector<1024x128xf32>
    %dot_general3A_20 = tpu.matmul %mul3A_16, %get3A_19, %dot_general3A {dimension_numbers = #tpu.dot_dimension_numbers<[1], [0], [0], [1], [0, 0, 1, 1], [], []>, transpose_lhs_hint = false} : vector<1024x128xf32>, vector<128x128xf32>, vector<1024x128xf32> -> vector<1024x128xf32>
    %convert_element_type3A = arith.truncf %dot_general3A_20 : vector<1024x128xf32> to vector<1024x128xbf16>
    %swap3A_21 = arith.constant 0 : index
    %swap3A_22 = arith.constant 0 : index
    %swap3A_23 = vector.load %arg5[%swap3A_21, %swap3A_22] : memref<1024x128xbf16, #tpu.memory_space<vmem>>, vector<1024x128xbf16>
    tpu.vector_store %arg5[%swap3A_21, %swap3A_22], %convert_element_type3A {strides = array<i32>} : memref<1024x128xbf16, #tpu.memory_space<vmem>>, vector<1024x128xbf16>,
    return
  }
  func.func @transform_0(%arg0: i32) -> (i32, i32, i32) {
    %c0_i32 = arith.constant 0 : i32
    %c0_i32_0 = arith.constant 0 : i32
    %c0_i32_1 = arith.constant 0 : i32
    return %c0_i32, %arg0, %c0_i32_0 : i32, i32, i32
  }
  func.func @transform_1(%arg0: i32) -> (i32, i32) {
    %c0_i32 = arith.constant 0 : i32
    %c0_i32_0 = arith.constant 0 : i32
    return %arg0, %c0_i32 : i32, i32
  }
  func.func @transform_2(%arg0: i32) -> (i32, i32) {
    %c0_i32 = arith.constant 0 : i32
    %c0_i32_0 = arith.constant 0 : i32
    %c0_i32_1 = arith.constant 0 : i32
    return %c0_i32, %c0_i32_0 : i32, i32
  }
  func.func @transform_3(%arg0: i32) -> i32 {
    %c0_i32 = arith.constant 0 : i32
    return %arg0 : i32
  }
  func.func @transform_4(%arg0: i32) -> (i32, i32) {
    %c0_i32 = arith.constant 0 : i32
    %c0_i32_0 = arith.constant 0 : i32
    return %arg0, %c0_i32 : i32, i32
  }
}

module attributes {stable_mosaic.version = 14 : i64} {
  func.func @_tc_mid_body(%arg0: i32, %arg1: memref<1024xf32, #tpu.memory_space<vmem>>, %arg2: memref<1024x128xbf16, #tpu.memory_space<vmem>>, %arg3: memref<128xf32, #tpu.memory_space<vmem>>, %arg4: memref<128x16xf32, #tpu.memory_space<vmem>>, %arg5: memref<1024x16xf32, #tpu.memory_space<vmem>>) attributes {dimension_semantics = [#tpu.dimension_semantics<arbitrary>], iteration_bounds = array<i64: 10>, scalar_prefetch = 0 : i64, scratch_operands = 0 : i64, tpu.core_type = #tpu.core_type<tc>, window_params = [{transform_indices = @transform_0, window_bounds = array<i64: 1024>}, {transform_indices = @transform_1, window_bounds = array<i64: 1024, 128>}, {pipeline_mode = #tpu.pipeline_mode<synchronous>, transform_indices = @transform_2, window_bounds = array<i64: 128>}, {pipeline_mode = #tpu.pipeline_mode<synchronous>, transform_indices = @transform_3, window_bounds = array<i64: 128, 16>}, {transform_indices = @transform_4, window_bounds = array<i64: 1024, 16>}]} {
    %get3A = arith.constant 0 : index
    %get3A_0 = vector.load %arg1[%get3A] : memref<1024xf32, #tpu.memory_space<vmem>>, vector<1024xf32>
    %get3A_1 = arith.constant 0 : index
    %get3A_2 = arith.constant 0 : index
    %get3A_3 = vector.load %arg2[%get3A_1, %get3A_2] : memref<1024x128xbf16, #tpu.memory_space<vmem>>, vector<1024x128xbf16>
    %convert_element_type3A = arith.extf %get3A_3 : vector<1024x128xbf16> to vector<1024x128xf32>
    %broadcast_in_dim3A = vector.shape_cast %get3A_0 : vector<1024xf32> to vector<1024x1xf32>
    %mul3A = vector.broadcast %broadcast_in_dim3A : vector<1024x1xf32> to vector<1024x128xf32>
    %mul3A_4 = arith.mulf %convert_element_type3A, %mul3A : vector<1024x128xf32>
    %get3A_5 = arith.constant 0 : index
    %get3A_6 = vector.load %arg3[%get3A_5] : memref<128xf32, #tpu.memory_space<vmem>>, vector<128xf32>
    %broadcast_in_dim3A_7 = vector.shape_cast %get3A_6 : vector<128xf32> to vector<1x128xf32>
    %add3A = vector.broadcast %broadcast_in_dim3A_7 : vector<1x128xf32> to vector<1024x128xf32>
    %add3A_8 = arith.addf %mul3A_4, %add3A : vector<1024x128xf32>
    %max3A = arith.constant 0.000000e+00 : f32
    %max3A_9 = vector.broadcast %max3A : f32 to vector<1024x128xf32>
    %max3A_10 = arith.maximumf %add3A_8, %max3A_9 : vector<1024x128xf32>
    %broadcast_in_dim3A_11 = vector.shape_cast %get3A_0 : vector<1024xf32> to vector<1024x1xf32>
    %mul3A_12 = vector.broadcast %broadcast_in_dim3A_11 : vector<1024x1xf32> to vector<1024x128xf32>
    %mul3A_13 = arith.mulf %max3A_10, %mul3A_12 : vector<1024x128xf32>
    %get3A_14 = arith.constant 0 : index
    %get3A_15 = arith.constant 0 : index
    %get3A_16 = vector.load %arg4[%get3A_14, %get3A_15] : memref<128x16xf32, #tpu.memory_space<vmem>>, vector<128x16xf32>
    %dot_general3A = arith.constant dense<0.000000e+00> : vector<1024x16xf32>
    %dot_general3A_17 = tpu.matmul %mul3A_13, %get3A_16, %dot_general3A {dimension_numbers = #tpu.dot_dimension_numbers<[1], [0], [0], [1], [0, 0, 1, 1], [], []>, transpose_lhs_hint = false} : vector<1024x128xf32>, vector<128x16xf32>, vector<1024x16xf32> -> vector<1024x16xf32>
    %swap3A = arith.constant 0 : index
    %swap3A_18 = arith.constant 0 : index
    %swap3A_19 = vector.load %arg5[%swap3A, %swap3A_18] : memref<1024x16xf32, #tpu.memory_space<vmem>>, vector<1024x16xf32>
    tpu.vector_store %arg5[%swap3A, %swap3A_18], %dot_general3A_17 {strides = array<i32>} : memref<1024x16xf32, #tpu.memory_space<vmem>>, vector<1024x16xf32>,
    return
  }
  func.func @transform_0(%arg0: i32) -> i32 {
    %c0_i32 = arith.constant 0 : i32
    return %arg0 : i32
  }
  func.func @transform_1(%arg0: i32) -> (i32, i32) {
    %c0_i32 = arith.constant 0 : i32
    %c0_i32_0 = arith.constant 0 : i32
    return %arg0, %c0_i32 : i32, i32
  }
  func.func @transform_2(%arg0: i32) -> i32 {
    %c0_i32 = arith.constant 0 : i32
    %c0_i32_0 = arith.constant 0 : i32
    return %c0_i32 : i32
  }
  func.func @transform_3(%arg0: i32) -> (i32, i32) {
    %c0_i32 = arith.constant 0 : i32
    %c0_i32_0 = arith.constant 0 : i32
    %c0_i32_1 = arith.constant 0 : i32
    return %c0_i32, %c0_i32_0 : i32, i32
  }
  func.func @transform_4(%arg0: i32) -> (i32, i32) {
    %c0_i32 = arith.constant 0 : i32
    %c0_i32_0 = arith.constant 0 : i32
    return %arg0, %c0_i32 : i32, i32
  }
}

module attributes {stable_mosaic.version = 14 : i64} {
  func.func @_tc_post_body(%arg0: i32, %arg1: memref<10240xf32, #tpu.memory_space<vmem>>, %arg2: memref<10240x16xf32, #tpu.memory_space<vmem>>, %arg3: memref<10240x16xf32, #tpu.memory_space<vmem>>, %arg4: memref<16xf32, #tpu.memory_space<vmem>>, %arg5: memref<10000x16xf32, #tpu.memory_space<vmem>>) attributes {dimension_semantics = [#tpu.dimension_semantics<arbitrary>], iteration_bounds = array<i64: 1>, scalar_prefetch = 0 : i64, scratch_operands = 0 : i64, tpu.core_type = #tpu.core_type<tc>, window_params = [{pipeline_mode = #tpu.pipeline_mode<synchronous>, transform_indices = @transform_0, window_bounds = array<i64: 10240>}, {pipeline_mode = #tpu.pipeline_mode<synchronous>, transform_indices = @transform_1, window_bounds = array<i64: 10240, 16>}, {pipeline_mode = #tpu.pipeline_mode<synchronous>, transform_indices = @transform_2, window_bounds = array<i64: 10240, 16>}, {pipeline_mode = #tpu.pipeline_mode<synchronous>, transform_indices = @transform_3, window_bounds = array<i64: 16>}, {pipeline_mode = #tpu.pipeline_mode<synchronous>, transform_indices = @transform_4, window_bounds = array<i64: 10000, 16>}]} {
    %get3A = arith.constant 0 : index
    %get3A_0 = arith.constant 0 : index
    %get3A_1 = vector.load %arg2[%get3A, %get3A_0] : memref<10240x16xf32, #tpu.memory_space<vmem>>, vector<10000x16xf32>
    %get3A_2 = arith.constant 0 : index
    %get3A_3 = arith.constant 0 : index
    %get3A_4 = vector.load %arg3[%get3A_2, %get3A_3] : memref<10240x16xf32, #tpu.memory_space<vmem>>, vector<10000x16xf32>
    %add3A = arith.addf %get3A_1, %get3A_4 : vector<10000x16xf32>
    %get3A_5 = arith.constant 0 : index
    %get3A_6 = vector.load %arg1[%get3A_5] : memref<10240xf32, #tpu.memory_space<vmem>>, vector<10000xf32>
    %broadcast_in_dim3A = vector.shape_cast %get3A_6 : vector<10000xf32> to vector<10000x1xf32>
    %mul3A = vector.broadcast %broadcast_in_dim3A : vector<10000x1xf32> to vector<10000x16xf32>
    %mul3A_7 = arith.mulf %add3A, %mul3A : vector<10000x16xf32>
    %get3A_8 = arith.constant 0 : index
    %get3A_9 = vector.load %arg4[%get3A_8] : memref<16xf32, #tpu.memory_space<vmem>>, vector<16xf32>
    %broadcast_in_dim3A_10 = vector.shape_cast %get3A_9 : vector<16xf32> to vector<1x16xf32>
    %add3A_11 = vector.broadcast %broadcast_in_dim3A_10 : vector<1x16xf32> to vector<10000x16xf32>
    %add3A_12 = arith.addf %mul3A_7, %add3A_11 : vector<10000x16xf32>
    %reduce_max3A = arith.constant dense<0xFF800000> : vector<10000xf32>
    %reduce_max3A_13 = vector.multi_reduction <maximumf>, %add3A_12, %reduce_max3A [1] : vector<10000x16xf32> to vector<10000xf32>
    %broadcast_in_dim3A_14 = vector.shape_cast %reduce_max3A_13 : vector<10000xf32> to vector<10000x1xf32>
    %sub3A = vector.broadcast %broadcast_in_dim3A_14 : vector<10000x1xf32> to vector<10000x16xf32>
    %sub3A_15 = arith.subf %add3A_12, %sub3A : vector<10000x16xf32>
    %exp3A = math.exp %sub3A_15 : vector<10000x16xf32>
    %reduce_sum3A = arith.constant dense<0.000000e+00> : vector<10000xf32>
    %reduce_sum3A_16 = vector.multi_reduction <add>, %exp3A, %reduce_sum3A [1] : vector<10000x16xf32> to vector<10000xf32>
    %broadcast_in_dim3A_17 = vector.shape_cast %reduce_sum3A_16 : vector<10000xf32> to vector<10000x1xf32>
    %div3A = vector.broadcast %broadcast_in_dim3A_17 : vector<10000x1xf32> to vector<10000x16xf32>
    %div3A_18 = arith.divf %exp3A, %div3A : vector<10000x16xf32>
    %swap3A = arith.constant 0 : index
    %swap3A_19 = arith.constant 0 : index
    %swap3A_20 = vector.load %arg5[%swap3A, %swap3A_19] : memref<10000x16xf32, #tpu.memory_space<vmem>>, vector<10000x16xf32>
    tpu.vector_store %arg5[%swap3A, %swap3A_19], %div3A_18 {strides = array<i32>} : memref<10000x16xf32, #tpu.memory_space<vmem>>, vector<10000x16xf32>,
    return
  }
  func.func @transform_0(%arg0: i32) -> i32 {
    %c0_i32 = arith.constant 0 : i32
    %c0_i32_0 = arith.constant 0 : i32
    return %c0_i32 : i32
  }
  func.func @transform_1(%arg0: i32) -> (i32, i32) {
    %c0_i32 = arith.constant 0 : i32
    %c0_i32_0 = arith.constant 0 : i32
    %c0_i32_1 = arith.constant 0 : i32
    return %c0_i32, %c0_i32_0 : i32, i32
  }
  func.func @transform_2(%arg0: i32) -> (i32, i32) {
    %c0_i32 = arith.constant 0 : i32
    %c0_i32_0 = arith.constant 0 : i32
    %c0_i32_1 = arith.constant 0 : i32
    return %c0_i32, %c0_i32_0 : i32, i32
  }
  func.func @transform_3(%arg0: i32) -> i32 {
    %c0_i32 = arith.constant 0 : i32
    %c0_i32_0 = arith.constant 0 : i32
    return %c0_i32 : i32
  }
  func.func @transform_4(%arg0: i32) -> (i32, i32) {
    %c0_i32 = arith.constant 0 : i32
    %c0_i32_0 = arith.constant 0 : i32
    %c0_i32_1 = arith.constant 0 : i32
    return %c0_i32, %c0_i32_0 : i32, i32
  }
}

</mosaic_0001>

<sc_bundles>
// kernel: kernel.11.cloned.1.call-start
scs
__scs_entry_jumppad:
0x0: {  	(pc) =	sbr.rel $0x88, $3  }
0x1: {  	(tag) =	ssettag $0x0;
	lr =	simm.s32 $0x1  }
0x2: {  	[smem:$0x3F9B] =	sst lr;
	_ =	strace $0xD0000000  }
0x3: {  	_ = 	snop  }
0x4: {  	_ = 	snop  }
0x5: {  	_ = 	snop  }
0x6: {  	_ = 	snop  }
0x7: {  	_ = 	snop  }
__scs_overlays_trampoline_lowered:
0x8: {  	[smem:$0x3FAA] =	sst s0  }
0x9: {  	[smem:$0x3FAB] =	sst s1  }
0xa: {  	[smem:$0x3FAC] =	sst s2  }
0xb: {  	[smem:$0x3FAD] =	sst s3  }
0xc: {  	[smem:$0x3FAE] =	sst s4  }
0xd: {  	[smem:$0x3FAF] =	sst s5  }
0xe: {  	[smem:$0x3FB0] =	sst s6  }
0xf: {  	[smem:$0x3FB1] =	sst s7  }
0x10: {  	[smem:$0x3FB2] =	sst s8  }
0x11: {  	[smem:$0x3FB3] =	sst s9;
	s0 =	simm.s32 @!p0 $0x0  }
0x12: {  	s1 =	sld [smem:$0x3F99];
	s0 =	simm.s32 @p0 $0x1  }
0x13: {  	[smem:$0x3FB4] =	sst s0;
	s0 =	simm.s32 @!p1 $0x0  }
0x14: {  	s2 =	sld [smem:$0x3F98];
	s0 =	simm.s32 @p1 $0x1  }
0x15: {  	[smem:$0x3FB5] =	sst s0;
	s0 =	simm.s32 @!p2 $0x0  }
0x16: {  	s3 =	sld [smem:$0x3FDB];
	s0 =	simm.s32 @p2 $0x1  }
0x17: {  	s4 =	simm.s32 $0x1BF5;
	[smem:$0x3FB7] =	sst s0  }
0x18: {  	s0 =	sld [smem:$0x3F9A];
	_ =	swait.ge [sflag:s4], $0x0  }
0x19: {  	s7 =	sld [smem:$0x3F9B]  }
0x1a: {  	s8 =	sadd.s32 $0xFFFFE003, lr  }
0x1b: {  	s9 =	sadd.s32 $0xFFFFFEF7, lr;
	s5 =	simm.s32 $0xFFFFFFFF;
	p2 =	slt.u32 s8, $0xFFFFF086  }
0x1c: {  	p1 =	slt.u32 s9, $0xF7A;
	s5 =	simm.s32 @!p2 $0x0  }
0x1d: {  	s5 =	simm.s32 @p1 $0x1;
	p0 =	seq.s32 s7, s2  }
0x1e: {  	s7 =	smul.u32 @!p0 $0xF7A, s2;
	p2 =	seq.s32 @!p0 s5, $0x0  }
0x1f: {  	s9 =	smul.u32 $0xF7A, s1;
	s8 =	simm.s32 @!p0 $0x1BF5;
	p2 =	por !p2, p0  }
0x20: {  	[sflag:s8] =	ssyncset.s32 @!p0 $0xFFFFF086;
	s6 =	sadd.s32 @!p0 s3, s7;
	s7 =	simm.s32 @!p0 $0x108  }
0x21: {  	s3 =	sadd.s32 s3, s9;
	s6 =	sadd.s32 @!p0 $0x88, s6;
	s7 =	simm.s32 @p2 $0x1082  }
0x22: {  	[simem:s7], [sflag:s8] =	dma.local @!p0 [hbm:s6], $0xF7A  }
0x23: {  	s9 =	sor.u32 $0xD0000000, s2;
	s6 =	simm.s32 $0x108;
	_ =	swait.ge @!p0 [sflag:s8], $0x0  }
0x24: {  	s3 =	sadd.s32 $0x88, s3;
	s6 =	simm.s32 @!p1 $0x1082;
	[sflag:s4] =	ssyncset.s32 $0xFFFFF086  }
0x25: {  	[simem:s6], [sflag:s4] =	dma.local [hbm:s3], $0xF7A  }
0x26: {  	[smem:$0x3F9B] =	sst s1;
	(tag) =	ssettag s2;
	_ =	strace s9  }
0x27: {  	s1 =	sld [smem:$0x3FAB]  }
0x28: {  	s2 =	sld [smem:$0x3FAC]  }
0x29: {  	s4 =	sld [smem:$0x3FAE]  }
0x2a: {  	p0 =	seq.s32 s5, $0x0;
	s5 =	sld [smem:$0x3FAF]  }
0x2b: {  	s6 =	sld [smem:$0x3FB0]  }
0x2c: {  	s7 =	sld [smem:$0x3FB1]  }
0x2d: {  	s3 =	simm.s32 $0x108;
	s8 =	sld [smem:$0x3FB2]  }
0x2e: {  	s3 =	simm.s32 @!p0 $0x1082;
	s9 =	sld [smem:$0x3FB3]  }
0x2f: {  	lr =	sadd.s32 s0, s3;
	s0 =	sld [smem:$0x3FAA]  }
0x30: {  	s3 =	sld [smem:$0x3FAD]  }
0x31: {  	[smem:$0x3FB6] =	sst s10  }
0x32: {  	s10 =	sld [smem:$0x3FB4];
	_ =	sdelay $0x3  }
0x33: {  	p0 =	seq.s32 s10, $0x1;
	s10 =	sld [smem:$0x3FB6];
	_ =	sdelay $0x3  }
0x34: {  	[smem:$0x3FB6] =	sst s10  }
0x35: {  	s10 =	sld [smem:$0x3FB5];
	_ =	sdelay $0x3  }
0x36: {  	p1 =	seq.s32 s10, $0x1;
	s10 =	sld [smem:$0x3FB6];
	_ =	sdelay $0x3  }
0x37: {  	[smem:$0x3FB6] =	sst s10  }
0x38: {  	s10 =	sld [smem:$0x3FB7]  }
0x39: {  	_ = 	snop;
	(pc) =	sbr.ind lr, $3  }
0x3a: {  	_ = 	snop  }
0x3b: {  	_ = 	snop  }
0x3c: {  	p2 =	seq.s32 s10, $0x1;
	s10 =	sld [smem:$0x3FB6]  }
0x3d: {  	_ =	shalt  }
0x3e: {  	_ =	shalt  }
0x3f: {  	_ =	shalt  }
0x40: {  	_ =	shalt  }
0x41: {  	_ =	shalt  }
0x42: {  	_ =	shalt  }
0x43: {  	_ =	shalt  }
0x44: {  	_ =	shalt  }
0x45: {  	_ =	shalt  }
0x46: {  	_ =	shalt  }
0x47: {  	_ =	shalt  }
0x48: {  	_ =	shalt  }
0x49: {  	_ =	shalt  }
0x4a: {  	_ =	shalt  }
0x4b: {  	_ =	shalt  }
0x4c: {  	_ =	shalt  }
0x4d: {  	_ =	shalt  }
0x4e: {  	_ =	shalt  }
0x4f: {  	_ =	shalt  }
0x50: {  	_ =	shalt  }
0x51: {  	_ =	shalt  }
0x52: {  	_ =	shalt  }
0x53: {  	_ =	shalt  }
0x54: {  	_ =	shalt  }
0x55: {  	_ =	shalt  }
0x56: {  	_ =	shalt  }
0x57: {  	_ =	shalt  }
0x58: {  	_ =	shalt  }
0x59: {  	_ =	shalt  }
0x5a: {  	_ =	shalt  }
0x5b: {  	_ =	shalt  }
0x5c: {  	_ =	shalt  }
0x5d: {  	_ =	shalt  }
0x5e: {  	_ =	shalt  }
0x5f: {  	_ =	shalt  }
0x60: {  	_ =	shalt  }
0x61: {  	_ =	shalt  }
0x62: {  	_ =	shalt  }
0x63: {  	_ =	shalt  }
0x64: {  	_ =	shalt  }
0x65: {  	_ =	shalt  }
0x66: {  	_ =	shalt  }
0x67: {  	_ =	shalt  }
0x68: {  	_ =	shalt  }
0x69: {  	_ =	shalt  }
0x6a: {  	_ =	shalt  }
0x6b: {  	_ =	shalt  }
0x6c: {  	_ =	shalt  }
0x6d: {  	_ =	shalt  }
0x6e: {  	_ =	shalt  }
0x6f: {  	_ =	shalt  }
0x70: {  	_ =	shalt  }
0x71: {  	_ =	shalt  }
0x72: {  	_ =	shalt  }
0x73: {  	_ =	shalt  }
0x74: {  	_ =	shalt  }
0x75: {  	_ =	shalt  }
0x76: {  	_ =	shalt  }
0x77: {  	_ =	shalt  }
0x78: {  	_ =	shalt  }
0x79: {  	_ =	shalt  }
0x7a: {  	_ =	shalt  }
0x7b: {  	_ =	shalt  }
0x7c: {  	_ =	shalt  }
0x7d: {  	_ =	shalt  }
0x7e: {  	_ =	shalt  }
0x7f: {  	_ =	shalt  }
0x80: {  	_ =	shalt  }
0x81: {  	_ =	shalt  }
0x82: {  	_ =	shalt  }
0x83: {  	_ =	shalt  }
0x84: {  	_ =	shalt  }
0x85: {  	_ =	shalt  }
0x86: {  	_ =	shalt  }
0x87: {  	_ =	shalt  }
.Lfunc_end0:
.L_simem_size_0:
called_computation.1_lowered:
.L_overlay_start_0:
0x88: {  	s2 =	sld [smem:$0x3FD9]  }
0x89: {  	s3 =	sld [smem:$0x3FFE];
	_ =	sdelay $0x1  }
0x8a: {  	s1 =	srdreg.scid  }
0x8b: {  	s0 =	sand.u32 $0x1, s1  }
0x8c: {  	s16 =	sshll.u32 s0, $0xA;
	s2 =	sadd.s32 s3, s2  }
0x8d: {  	s2 =	sadd.s32 s2, s16  }
0x8e: {  	[smem:$0x3FC2] =	sst s2  }
0x8f: {  	_ = 	snop  }
0x90: {  	(tm) =	ssettm $0x1  }
0x91: {  	s17 =	sld [smem:$0x3FFB];
	_ =	sdelay $0x3  }
0x92: {  	_ =	strace s17  }
0x93: {  	s2 =	sld [smem:$0x3FFC];
	_ =	sdelay $0x3  }
0x94: {  	_ =	strace s2  }
0x95: {  	s2 =	sld [smem:$0x3FFD];
	_ =	sdelay $0x3  }
0x96: {  	_ =	strace s2  }
0x97: {  	_ =	strace $0x8FFFFFFF  }
0x98: {  	s18 =	sld [smem:$0x3FDB];
	_ =	sdelay $0x1  }
0x99: {  	s19 =	simm.s32 $_scs_section_size  }
0x9a: {  	s4 =	simm.s32 $_size__tile_overlayer_lowered;
	s5 =	simm.s32 $_tile_overlayer_lowered  }
0x9b: {  	s22 =	simm.s32 $0x1BFF;
	s21 =	sshll.u32 s5, $0x1;
	s2 =	sadd.s32 s19, s18  }
0x9c: {  	s6 =	simm.s32 $0x0;
	s20 =	sshll.u32 s4, $0x1;
	s4 =	sadd.s32 s21, s2  }
0x9d: {  	[timem:s6], [sflag:s22] =	dma.local [hbm:s4], s20  }
0x9e: {  	_ =	swait.ge [sflag:s22], s20  }
0x9f: {  	s3 =	ssub.s32 $0x0, s20;
	[sflag:s22] =	ssyncset.done $0x0  }
0xa0: {  	[sflag:s22] =	ssyncadd.s32 s3;
	_ =	sdelay $0x1  }
0xa1: {  	s23 =	simm.s32 $0x1B8B  }
0xa2: {  	_ =	swait.ge [sflag:s23], $0x1  }
0xa3: {  	[sflag:s23] =	ssyncset.done $0x0  }
0xa4: {  	s25 =	simm.s32 $0x1B8E;
	s24 =	sld [smem:$0x3FFE];
	[sflag:s23] =	ssyncadd.s32 $0xFFFFFFFF  }
0xa5: {  	s26 =	simm.s32 $execute0_lowered;
	[smem:$0x3FD2] =	sst s25  }
0xa6: {  	s4 =	sshll.u32 s26, $0x1;
	_ =	strace $0x80000049;
	[dreg:$0x1] =	wrdreg $0xFFFFFFFF  }
0xa7: {  	s28 =	simm.s32 $_size_execute0_lowered;
	s2 =	sadd.s32 s2, s4;
	[dreg:$0x0] =	wrdreg $0x0  }
0xa8: {  	s4 =	sshll.u32 s28, $0x1;
	[dreg:$0x2] =	wrdreg s2  }
0xa9: {  	[dreg:$0x3] =	wrdreg s4  }
0xaa: {  	[dreg:$0x4] =	wrdreg $0xC0  }
0xab: {  	_ =	task [dreg:s6], $0x5FFFF  }
0xac: {  	[dreg:$0x1] =	wrdreg $0xFFFFFFFF  }
0xad: {  	[dreg:$0x0] =	wrdreg $0x60  }
0xae: {  	[dreg:$0x2] =	wrdreg s24  }
0xaf: {  	[dreg:$0x3] =	wrdreg $0x138000  }
0xb0: {  	[dreg:$0x4] =	wrdreg $0xE8000  }
0xb1: {  	[dreg:$0x5] =	wrdreg $0x9  }
0xb2: {  	_ =	task.clear_ibuf [dreg:s6], $0x6FFFF;
	_ =	strace $0x90000049  }
0xb3: {  	s29 =	simm.s32 $0x9;
	_ =	strace $0x8000004B  }
0xb4: {  	_ =	swait.ge [sflag:s29], $0x1  }
0xb5: {  	[sflag:s29] =	ssyncadd.s32 $0xFFFFFFFF  }
0xb6: {  	_ =	strace $0x9000004B  }
0xb7: {  	_ =	sfence  }
0xb8: {  	s30 =	sld [smem:$0x0];
	_ =	sdelay $0x2  }
0xb9: {  	s31 =	sshll.u32 s1, $0xD;
	s1 =	sshrl.u32 s1, $0x2  }
0xba: {  	s3 =	sand.u32 $0x4000, s31;
	s1 =	sadd.s32 s1, s30  }
0xbb: {  	s0 =	sor.u32 s3, s0;
	s1 =	sshll.u32 s1, $0x11  }
0xbc: {  	s0 =	sor.u32 s1, s0  }
0xbd: {  	s0 =	sadd.s32 $0x8F2B, s0  }
0xbe: {  	[sflag:s0] =	ssyncadd.remote.s32 $0x1  }
0xbf: {  	_ =	sfence.sel $0xFFFF  }
0xc0: {  	[dreg:$0x0] =	wrdreg $0xFFFFFFFF;
	(pc) =	sbr.abs _section_cstart, $3  }
0xc1: {  	[dreg:$0x1] =	wrdreg $0xFFFFFFFF  }
0xc2: {  	_ =	task.clear_ibuf [dreg:s6], $0x2FFFF;
	_ =	strace $0x9FFFFFFF  }
0xc3: {  	(tm) =	ssettm $0x7FFFFFFF  }
tec
execute0_lowered:
.L_overlay_start_1:
0x0: {  	(tag) =	ssettag $0x1  }
0x1: {  	s0 =	srdreg.scid;
	s4 =	rddreg [dreg:$0x0]  }
0x2: {  	s18 =	stileid.u32;
	s1 =	rddreg [dreg:$0x1]  }
0x3: {  	s7 =	simm.s32 $0x0;
	s28 =	simm.s32 $0x7;
	s2 =	smul.u32 $0x14000, s18  }
0x4: {  	s29 =	simm.s32 $0x0;
	s0 =	sand.u32 $0x1, s0;
	s6 =	smul.u32 $0x5000, s18  }
0x5: {  	[smem:$0x7FF] =	sst s7;
	s25 =	sshll.u32 s18, $0x6;
	s3 =	sshll.u32 s0, $0x6  }
0x6: {  	s0 =	ssub.s32 $0x2, s0;
	s5 =	sor.u32 s3, s2;
	s6 =	sshrl.u32 s6, $0x3  }
0x7: {  	s8 =	sor.u32 $0x2000, s2;
	s9 =	sshrl.u32 s0, $0x1;
	s13 =	sadd.s32 $0x8000, s2  }
0x8: {  	s22 =	sadd.s32 $0x10000, s2;
	s5 =	sshrl.u32 s5, $0x4;
	s6 =	sadd.s32 s6, s4  }
0x9: {  	s10 =	sor.u32 s3, s8;
	s0 =	ssub.s32 s0, s9;
	s9 =	sadd.s32 $0x6000, s2  }
0xa: {  	s12 =	sor.u32 s3, s13;
	s23 =	sor.u32 s3, s22;
	s31 =	sadd.s32 s5, s4  }
0xb: {  	s4 =	sadd.s32 $0x2A000, s4;
	s14 =	sshrl.u32 s10, $0x4;
	s11 =	sor.u32 s3, s9  }
0xc: {  	s17 =	sshrl.u32 s12, $0x4;
	s26 =	sadd.s32 $0x2000, s6;
	s30 =	sadd.s32 $0xC000, s6  }
0xd: {  	s0 =	smax.u32 s0, $0x1;
	s6 =	sshrl.u32 s8, $0x2;
	s8 =	sshrl.u32 s9, $0x2  }
0xe: {  	s9 =	sshrl.u32 s13, $0x2;
	s5 =	sadd.s32 s4, s5;
	s11 =	sshrl.u32 s11, $0x4  }
0xf: {  	s24 =	sadd.s32 $0x16000, s31;
	[dreg:$0x4] =	wrdreg s5;
	s5 =	sadd.s32 s4, s14  }
0x10: {  	s16 =	sadd.s32 s4, s11;
	s11 =	sadd.s32 $0xC000, s2;
	[dreg:$0x5] =	wrdreg s5  }
0x11: {  	s5 =	sadd.s32 $0x4000, s2;
	[dreg:$0x7] =	wrdreg s16;
	s14 =	sor.u32 s3, s11  }
0x12: {  	s11 =	sshrl.u32 s11, $0x2;
	s15 =	sor.u32 s3, s5;
	s14 =	sshrl.u32 s14, $0x4  }
0x13: {  	s7 =	sshrl.u32 s5, $0x2;
	s10 =	sshrl.u32 s15, $0x4;
	s20 =	sadd.s32 s4, s14  }
0x14: {  	s15 =	sadd.s32 $0xE000, s2;
	s10 =	sadd.s32 s4, s10;
	[dreg:$0xa] =	wrdreg s20  }
0x15: {  	s16 =	sor.u32 s3, s15;
	[dreg:$0x6] =	wrdreg s10;
	s10 =	sadd.s32 s4, s17  }
0x16: {  	s21 =	sshrl.u32 s16, $0x4;
	[dreg:$0x8] =	wrdreg s10;
	s10 =	sadd.s32 $0xA000, s2  }
0x17: {  	s17 =	sadd.s32 $0x12000, s2;
	s16 =	sshrl.u32 s23, $0x4;
	s19 =	sor.u32 s3, s10  }
0x18: {  	s16 =	sadd.s32 s4, s16;
	s3 =	sor.u32 s3, s17;
	s12 =	sshrl.u32 s19, $0x4  }
0x19: {  	[dreg:$0xc] =	wrdreg s16;
	s3 =	sshrl.u32 s3, $0x4;
	s12 =	sadd.s32 s4, s12  }
0x1a: {  	s14 =	simm.s32 $0x9;
	s3 =	sadd.s32 s4, s3;
	[dreg:$0x9] =	wrdreg s12  }
0x1b: {  	s13 =	sshrl.u32 s15, $0x2;
	s12 =	sadd.s32 s4, s21;
	[dreg:$0xd] =	wrdreg s3  }
0x1c: {  	s15 =	sshrl.u32 s22, $0x2;
	s2 =	sshrl.u32 s2, $0x2;
	[dreg:$0xb] =	wrdreg s12  }
0x1d: {  	s18 =	sshrl.u32 s17, $0x2;
	s16 =	sor.u32 $0x1C09, s25;
	s12 =	rddreg [dreg:$0x2]  }
0x1e: {  	s31 =	sadd.s32 s2, s1;
	_ =	strace $0x8000004A;
	[dreg:$0xe] =	wrdreg s24  }
0x1f: {  	s10 =	sshrl.u32 s10, $0x2;
	s17 =	simm.s32 $0x80;
	[dreg:$0xf] =	wrdreg s26  }
0x20: {  	s3 =	sshrl.u32 s31, $0x3;
	[dreg:$0x10] =	wrdreg s30;
	s19 =	sadd.s32 s2, s12  }
0x21: {  	[dreg:$0x11] =	wrdreg s0;
	s0 =	sadd.s32 s6, s12;
	s2 =	sadd.s32 s7, s12  }
0x22: {  	s4 =	sadd.s32 s8, s12;
	s5 =	sadd.s32 s9, s12;
	s6 =	sadd.s32 s10, s12  }
0x23: {  	s7 =	sadd.s32 s11, s12;
	s8 =	sadd.s32 s13, s12;
	s9 =	sadd.s32 s15, s12  }
0x24: {  	s10 =	sadd.s32 s18, s12;
	[dreg:$0x12] =	wrdreg s3;
	s13 =	simm.s32 $0x8  }
0x25: {  	s15 =	simm.s32 $0xE000;
	s18 =	simm.s32 $0xA000;
	s0 =	sshrl.u32 s0, $0x3  }
0x26: {  	s20 =	sshrl.u32 s2, $0x3;
	s21 =	sshrl.u32 s4, $0x3;
	[dreg:$0x13] =	wrdreg s0  }
0x27: {  	s22 =	sshrl.u32 s5, $0x3;
	s23 =	sshrl.u32 s6, $0x3;
	[dreg:$0x14] =	wrdreg s20  }
0x28: {  	s24 =	sshrl.u32 s7, $0x3;
	s25 =	sshrl.u32 s8, $0x3;
	[dreg:$0x15] =	wrdreg s21  }
0x29: {  	s26 =	sshrl.u32 s9, $0x3;
	s30 =	sshrl.u32 s10, $0x3;
	[dreg:$0x16] =	wrdreg s22  }
0x2a: {  	s31 =	sadd.s32 $0x800, s19;
	s2 =	sadd.s32 $0x1800, s19;
	[dreg:$0x17] =	wrdreg s23  }
0x2b: {  	s3 =	sadd.s32 $0x2000, s19;
	s4 =	sadd.s32 $0x2800, s19;
	[dreg:$0x18] =	wrdreg s24  }
0x2c: {  	s5 =	sadd.s32 $0x3000, s19;
	s6 =	sadd.s32 $0x3800, s19;
	[dreg:$0x19] =	wrdreg s25  }
0x2d: {  	s7 =	sadd.s32 $0x4000, s19;
	s8 =	sadd.s32 $0x4800, s19;
	[dreg:$0x1a] =	wrdreg s26  }
0x2e: {  	s9 =	simm.s32 $0x1;
	s10 =	simm.s32 $0x4;
	[dreg:$0x1b] =	wrdreg s30  }
0x2f: {  	[dreg:$0x1c] =	wrdreg s31;
	s0 =	sadd.s32 $0x1000, s19;
	s20 =	simm.s32 $0xB000  }
0x30: {  	s21 =	simm.s32 $0xC000;
	s22 =	simm.s32 $0xD000;
	s23 =	simm.s32 $0x2  }
0x31: {  	v0 =	vimm.bf16 $0.0e+00;
	s24 =	simm.s32 $0x3;
	s25 =	simm.s32 $0x5;
	s26 =	simm.s32 $0x6  }
.LBB2_1:
0x32: {  	s11 =	rddreg [dreg:$0xe]  }
0x33: {  	s30 =	rddreg [dreg:$0x12]  }
0x34: {  	[spmem:s30@s10], [sflag:s16] =	dma.strided [hbm:s11@s13], $0xA00, s9, $0x4   }
0x35: {  	_ =	swait.ge [sflag:s14], $0xA00  }
0x36: {  	[sflag:s14] =	ssyncset.done $0x0  }
0x37: {  	s11 =	simm.s32 $0x0;
	s30 =	rddreg [dreg:$0xf];
	[sflag:s14] =	ssyncadd.s32 $0xFFFFF600  }
0x38: {  	[tilespmem:s11], [sflag:$0x9] =	stream.linear.gather [hbm4b:s30+s11], $0x5000, $0x38;
	[tilespmem:$0x18800] =	vst v63  }
0x39: {  	_ =	swait.ge [sflag:s14], $0x5000  }
0x3a: {  	[sflag:s14] =	ssyncset.done $0x0  }
0x3b: {  	s31 =	simm.s32 $0x5000;
	s30 =	rddreg [dreg:$0x10];
	[sflag:s14] =	ssyncadd.s32 $0xFFFFB000  }
0x3c: {  	[tilespmem:s31], [sflag:$0x9] =	stream.linear.gather [hbm4b:s30+s11], $0x5000, $0x38;
	[tilespmem:$0x18800] =	vst v63  }
0x3d: {  	_ =	swait.ge [sflag:s14], $0x5000  }
0x3e: {  	[sflag:s14] =	ssyncset.done $0x0  }
0x3f: {  	s30 =	simm.s32 $0x80;
	s31 =	simm.s32 $0x0;
	[sflag:s14] =	ssyncadd.s32 $0xFFFFB000  }
.LBB2_2:
0x40: {  	p0 =	sne.s32 s30, $0x1F80;
	[tilespmem:s31+$0xE000] =	vst v0;
	s11 =	smov.u32 s30;
	s30 =	sadd.s32 $0x80, s30  }
.Ltmp0:
0x41: {  	[tilespmem:s31+$0xE010] =	vst v0;
	(pc) =	sbr.rel @p0 .LBB2_2-.Ltmp0, $2  }
0x42: {  	_ =	sdelay $0x2  }
0x43: {  	s31 =	sshra.s32 s11, $0x2  }
0x44: {  	[tilespmem:s31+$0xE000] =	vst v0  }
0x45: {  	[tilespmem:s31+$0xE010] =	vst v0  }
0x46: {  	[spmem:s19] =	stream.linear.scatter [tilespmem:s15], [sflag:$0x9], $0x800, $0x38;
	[tilespmem:$0x18800] =	vst v63  }
0x47: {  	_ =	swait.ge [sflag:s14], $0x800  }
0x48: {  	[sflag:s14] =	ssyncset.done $0x0  }
0x49: {  	s11 =	rddreg [dreg:$0x1c];
	[sflag:s14] =	ssyncadd.s32 $0xFFFFF800  }
0x4a: {  	[spmem:s11] =	stream.linear.scatter [tilespmem:s15], [sflag:$0x9], $0x800, $0x38;
	[tilespmem:$0x18800] =	vst v63  }
0x4b: {  	_ =	swait.ge [sflag:s14], $0x800  }
0x4c: {  	[sflag:s14] =	ssyncset.done $0x0  }
0x4d: {  	[sflag:s14] =	ssyncadd.s32 $0xFFFFF800  }
0x4e: {  	[spmem:s0] =	stream.linear.scatter [tilespmem:s15], [sflag:$0x9], $0x800, $0x38;
	[tilespmem:$0x18800] =	vst v63  }
0x4f: {  	_ =	swait.ge [sflag:s14], $0x800  }
0x50: {  	[sflag:s14] =	ssyncset.done $0x0  }
0x51: {  	[sflag:s14] =	ssyncadd.s32 $0xFFFFF800  }
0x52: {  	[spmem:s2] =	stream.linear.scatter [tilespmem:s15], [sflag:$0x9], $0x800, $0x38;
	[tilespmem:$0x18800] =	vst v63  }
0x53: {  	_ =	swait.ge [sflag:s14], $0x800  }
0x54: {  	[sflag:s14] =	ssyncset.done $0x0  }
0x55: {  	[sflag:s14] =	ssyncadd.s32 $0xFFFFF800  }
0x56: {  	[spmem:s3] =	stream.linear.scatter [tilespmem:s15], [sflag:$0x9], $0x800, $0x38;
	[tilespmem:$0x18800] =	vst v63  }
0x57: {  	_ =	swait.ge [sflag:s14], $0x800  }
0x58: {  	[sflag:s14] =	ssyncset.done $0x0  }
0x59: {  	[sflag:s14] =	ssyncadd.s32 $0xFFFFF800  }
0x5a: {  	[spmem:s4] =	stream.linear.scatter [tilespmem:s15], [sflag:$0x9], $0x800, $0x38;
	[tilespmem:$0x18800] =	vst v63  }
0x5b: {  	_ =	swait.ge [sflag:s14], $0x800  }
0x5c: {  	[sflag:s14] =	ssyncset.done $0x0  }
0x5d: {  	[sflag:s14] =	ssyncadd.s32 $0xFFFFF800  }
0x5e: {  	[spmem:s5] =	stream.linear.scatter [tilespmem:s15], [sflag:$0x9], $0x800, $0x38;
	[tilespmem:$0x18800] =	vst v63  }
0x5f: {  	_ =	swait.ge [sflag:s14], $0x800  }
0x60: {  	[sflag:s14] =	ssyncset.done $0x0  }
0x61: {  	[sflag:s14] =	ssyncadd.s32 $0xFFFFF800  }
0x62: {  	[spmem:s6] =	stream.linear.scatter [tilespmem:s15], [sflag:$0x9], $0x800, $0x38;
	[tilespmem:$0x18800] =	vst v63  }
0x63: {  	_ =	swait.ge [sflag:s14], $0x800  }
0x64: {  	[sflag:s14] =	ssyncset.done $0x0  }
0x65: {  	[sflag:s14] =	ssyncadd.s32 $0xFFFFF800  }
0x66: {  	[spmem:s7] =	stream.linear.scatter [tilespmem:s15], [sflag:$0x9], $0x800, $0x38;
	[tilespmem:$0x18800] =	vst v63  }
0x67: {  	_ =	swait.ge [sflag:s14], $0x800  }
0x68: {  	[sflag:s14] =	ssyncset.done $0x0  }
0x69: {  	[sflag:s14] =	ssyncadd.s32 $0xFFFFF800  }
0x6a: {  	[spmem:s8] =	stream.linear.scatter [tilespmem:s15], [sflag:$0x9], $0x800, $0x38;
	[tilespmem:$0x18800] =	vst v63  }
0x6b: {  	_ =	swait.ge [sflag:s14], $0x800  }
0x6c: {  	[sflag:s14] =	ssyncset.done $0x0  }
0x6d: {  	[sflag:s14] =	ssyncadd.s32 $0xFFFFF800  }
0x6e: {  	s11 =	simm.s32 $0x0;
	[bflag:$0x0] =	sbarrier.arrive $0xFFFF  }
0x6f: {  	[tilespmem:s18], [sflag:$0x1] =	stream.indirect.gather [spmem:s1], $0x20, s11, s17, $0xb8;
	[tilespmem:$0x18800] =	vst v63  }
0x70: {  	_ = 	snop  }
0x71: {  	[tilespmem:s20], [sflag:$0x2] =	stream.indirect.gather [spmem:s1], $0x20, s17, s17, $0xb8;
	[tilespmem:$0x18800] =	vst v63  }
0x72: {  	s11 =	simm.s32 $0x100  }
0x73: {  	[tilespmem:s21], [sflag:$0x3] =	stream.indirect.gather [spmem:s1], $0x20, s11, s17, $0xb8;
	[tilespmem:$0x18800] =	vst v63  }
0x74: {  	s11 =	simm.s32 $0x180  }
0x75: {  	[tilespmem:s22], [sflag:$0x4] =	stream.indirect.gather [spmem:s1], $0x20, s11, s17, $0xb8;
	[tilespmem:$0x18800] =	vst v63  }
0x76: {  	_ =	swait.ge [sflag:s9], $0x1000  }
0x77: {  	[sflag:s9] =	ssyncset.done $0x0  }
0x78: {  	s11 =	simm.s32 $0x5000;
	[sflag:s9] =	ssyncadd.s32 $0xFFFFF000  }
0x79: {  	[spmem:s12] =	stream.indirect.scatter.add.bf16 [tilespmem:s18], [sflag:$0x5], $0x20, s11, s17, $0xb8;
	[tilespmem:$0x18800] =	vst v63  }
0x7a: {  	_ =	swait.ge [sflag:s23], $0x1000  }
0x7b: {  	[sflag:s23] =	ssyncset.done $0x0  }
0x7c: {  	s11 =	simm.s32 $0x5080;
	[sflag:s23] =	ssyncadd.s32 $0xFFFFF000  }
0x7d: {  	[spmem:s12] =	stream.indirect.scatter.add.bf16 [tilespmem:s20], [sflag:$0x6], $0x20, s11, s17, $0xb8;
	[tilespmem:$0x18800] =	vst v63  }
0x7e: {  	_ =	swait.ge [sflag:s24], $0x1000  }
0x7f: {  	[sflag:s24] =	ssyncset.done $0x0  }
0x80: {  	s11 =	simm.s32 $0x5100;
	[sflag:s24] =	ssyncadd.s32 $0xFFFFF000  }
0x81: {  	[spmem:s12] =	stream.indirect.scatter.add.bf16 [tilespmem:s21], [sflag:$0x7], $0x20, s11, s17, $0xb8;
	[tilespmem:$0x18800] =	vst v63  }
0x82: {  	_ =	swait.ge [sflag:s10], $0x1000  }
0x83: {  	[sflag:s10] =	ssyncset.done $0x0  }
0x84: {  	s11 =	simm.s32 $0x5180;
	[sflag:s10] =	ssyncadd.s32 $0xFFFFF000  }
0x85: {  	[spmem:s12] =	stream.indirect.scatter.add.bf16 [tilespmem:s22], [sflag:$0x8], $0x20, s11, s17, $0xb8;
	[tilespmem:$0x18800] =	vst v63  }
0x86: {  	_ =	swait.ge [sflag:s25], $0x1000  }
0x87: {  	[sflag:s25] =	ssyncset.done $0x0  }
0x88: {  	s11 =	simm.s32 $0x200;
	[sflag:s25] =	ssyncadd.s32 $0xFFFFF000  }
0x89: {  	[tilespmem:s18], [sflag:$0x1] =	stream.indirect.gather [spmem:s1], $0x20, s11, s17, $0xb8;
	[tilespmem:$0x18800] =	vst v63  }
0x8a: {  	_ =	swait.ge [sflag:s26], $0x1000  }
0x8b: {  	[sflag:s26] =	ssyncset.done $0x0  }
0x8c: {  	s11 =	simm.s32 $0x280;
	[sflag:s26] =	ssyncadd.s32 $0xFFFFF000  }
0x8d: {  	[tilespmem:s20], [sflag:$0x2] =	stream.indirect.gather [spmem:s1], $0x20, s11, s17, $0xb8;
	[tilespmem:$0x18800] =	vst v63  }
0x8e: {  	_ =	swait.ge [sflag:s28], $0x1000  }
0x8f: {  	[sflag:s28] =	ssyncset.done $0x0  }
0x90: {  	s11 =	simm.s32 $0x300;
	[sflag:s28] =	ssyncadd.s32 $0xFFFFF000  }
0x91: {  	[tilespmem:s21], [sflag:$0x3] =	stream.indirect.gather [spmem:s1], $0x20, s11, s17, $0xb8;
	[tilespmem:$0x18800] =	vst v63  }
0x92: {  	_ =	swait.ge [sflag:s13], $0x1000  }
0x93: {  	[sflag:s13] =	ssyncset.done $0x0  }
0x94: {  	s30 =	simm.s32 $0x800;
	s31 =	simm.s32 $0x380;
	[sflag:s13] =	ssyncadd.s32 $0xFFFFF000  }
.LBB2_4:
0x95: {  	[tilespmem:s22], [sflag:$0x4] =	stream.indirect.gather [spmem:s1], $0x20, s31, s17, $0xb8;
	[tilespmem:$0x18800] =	vst v63  }
0x96: {  	s11 =	smov.u32 s30  }
0x97: {  	p0 =	sne.s32 s30, $0x13000;
	s30 =	sadd.s32 $0x800, s30;
	_ =	swait.ge [sflag:s9], $0x1000  }
0x98: {  	s31 =	sshra.s32 s11, $0x2;
	[sflag:s9] =	ssyncset.done $0x0  }
0x99: {  	s11 =	sadd.s32 $0x5000, s31;
	[sflag:s9] =	ssyncadd.s32 $0xFFFFF000  }
0x9a: {  	[spmem:s12] =	stream.indirect.scatter.add.bf16 [tilespmem:s18], [sflag:$0x5], $0x20, s11, s17, $0xb8;
	[tilespmem:$0x18800] =	vst v63  }
0x9b: {  	_ =	swait.ge [sflag:s23], $0x1000  }
0x9c: {  	[sflag:s23] =	ssyncset.done $0x0  }
0x9d: {  	s11 =	sadd.s32 $0x5080, s31;
	[sflag:s23] =	ssyncadd.s32 $0xFFFFF000  }
0x9e: {  	[spmem:s12] =	stream.indirect.scatter.add.bf16 [tilespmem:s20], [sflag:$0x6], $0x20, s11, s17, $0xb8;
	[tilespmem:$0x18800] =	vst v63  }
0x9f: {  	_ =	swait.ge [sflag:s24], $0x1000  }
0xa0: {  	[sflag:s24] =	ssyncset.done $0x0  }
0xa1: {  	s11 =	sadd.s32 $0x5100, s31;
	[sflag:s24] =	ssyncadd.s32 $0xFFFFF000  }
0xa2: {  	[spmem:s12] =	stream.indirect.scatter.add.bf16 [tilespmem:s21], [sflag:$0x7], $0x20, s11, s17, $0xb8;
	[tilespmem:$0x18800] =	vst v63  }
0xa3: {  	_ =	swait.ge [sflag:s10], $0x1000  }
0xa4: {  	[sflag:s10] =	ssyncset.done $0x0  }
0xa5: {  	s11 =	sadd.s32 $0x5180, s31;
	[sflag:s10] =	ssyncadd.s32 $0xFFFFF000  }
0xa6: {  	[spmem:s12] =	stream.indirect.scatter.add.bf16 [tilespmem:s22], [sflag:$0x8], $0x20, s11, s17, $0xb8;
	[tilespmem:$0x18800] =	vst v63  }
0xa7: {  	_ =	swait.ge [sflag:s25], $0x1000  }
0xa8: {  	[sflag:s25] =	ssyncset.done $0x0  }
0xa9: {  	s11 =	sadd.s32 $0x200, s31;
	[sflag:s25] =	ssyncadd.s32 $0xFFFFF000  }
0xaa: {  	[tilespmem:s18], [sflag:$0x1] =	stream.indirect.gather [spmem:s1], $0x20, s11, s17, $0xb8;
	[tilespmem:$0x18800] =	vst v63  }
0xab: {  	_ =	swait.ge [sflag:s26], $0x1000  }
0xac: {  	[sflag:s26] =	ssyncset.done $0x0  }
0xad: {  	s11 =	sadd.s32 $0x280, s31;
	[sflag:s26] =	ssyncadd.s32 $0xFFFFF000  }
0xae: {  	[tilespmem:s20], [sflag:$0x2] =	stream.indirect.gather [spmem:s1], $0x20, s11, s17, $0xb8;
	[tilespmem:$0x18800] =	vst v63  }
0xaf: {  	_ =	swait.ge [sflag:s28], $0x1000  }
0xb0: {  	[sflag:s28] =	ssyncset.done $0x0  }
.Ltmp1:
0xb1: {  	s11 =	sadd.s32 $0x300, s31;
	[sflag:s28] =	ssyncadd.s32 $0xFFFFF000;
	(pc) =	sbr.rel @p0 .LBB2_4-.Ltmp1, $4  }
0xb2: {  	[tilespmem:s21], [sflag:$0x3] =	stream.indirect.gather [spmem:s1], $0x20, s11, s17, $0xb8;
	[tilespmem:$0x18800] =	vst v63  }
0xb3: {  	_ =	swait.ge [sflag:s13], $0x1000  }
0xb4: {  	[sflag:s13] =	ssyncset.done $0x0  }
0xb5: {  	s31 =	sadd.s32 $0x380, s31;
	[sflag:s13] =	ssyncadd.s32 $0xFFFFF000  }
0xb6: {  	[tilespmem:s22], [sflag:$0x4] =	stream.indirect.gather [spmem:s1], $0x20, s31, s17, $0xb8;
	[tilespmem:$0x18800] =	vst v63  }
0xb7: {  	_ =	swait.ge [sflag:s9], $0x1000  }
0xb8: {  	[sflag:s9] =	ssyncset.done $0x0  }
0xb9: {  	s11 =	simm.s32 $0x9E00;
	[sflag:s9] =	ssyncadd.s32 $0xFFFFF000  }
0xba: {  	[spmem:s12] =	stream.indirect.scatter.add.bf16 [tilespmem:s18], [sflag:$0x5], $0x20, s11, s17, $0xb8;
	[tilespmem:$0x18800] =	vst v63  }
0xbb: {  	_ =	swait.ge [sflag:s23], $0x1000  }
0xbc: {  	[sflag:s23] =	ssyncset.done $0x0  }
0xbd: {  	s30 =	simm.s32 $0x9E80;
	[sflag:s23] =	ssyncadd.s32 $0xFFFFF000  }
0xbe: {  	[spmem:s12] =	stream.indirect.scatter.add.bf16 [tilespmem:s20], [sflag:$0x6], $0x20, s30, s17, $0xb8;
	[tilespmem:$0x18800] =	vst v63  }
0xbf: {  	_ =	swait.ge [sflag:s24], $0x1000  }
0xc0: {  	[sflag:s24] =	ssyncset.done $0x0  }
0xc1: {  	s31 =	simm.s32 $0x9F00;
	[sflag:s24] =	ssyncadd.s32 $0xFFFFF000  }
0xc2: {  	[spmem:s12] =	stream.indirect.scatter.add.bf16 [tilespmem:s21], [sflag:$0x7], $0x20, s31, s17, $0xb8;
	[tilespmem:$0x18800] =	vst v63  }
0xc3: {  	_ =	swait.ge [sflag:s10], $0x1000  }
0xc4: {  	[sflag:s10] =	ssyncset.done $0x0  }
0xc5: {  	s30 =	simm.s32 $0x9F80;
	[sflag:s10] =	ssyncadd.s32 $0xFFFFF000  }
0xc6: {  	[spmem:s12] =	stream.indirect.scatter.add.bf16 [tilespmem:s22], [sflag:$0x8], $0x20, s30, s17, $0xb8;
	[tilespmem:$0x18800] =	vst v63  }
0xc7: {  	_ =	swait.ge [sflag:s25], $0x1000  }
0xc8: {  	[sflag:s25] =	ssyncset.done $0x0  }
0xc9: {  	[sflag:s25] =	ssyncadd.s32 $0xFFFFF000  }
0xca: {  	_ =	swait.ge [sflag:s26], $0x1000  }
0xcb: {  	[sflag:s26] =	ssyncset.done $0x0  }
0xcc: {  	[sflag:s26] =	ssyncadd.s32 $0xFFFFF000  }
0xcd: {  	_ =	swait.ge [sflag:s28], $0x1000  }
0xce: {  	[sflag:s28] =	ssyncset.done $0x0  }
0xcf: {  	[sflag:s28] =	ssyncadd.s32 $0xFFFFF000  }
0xd0: {  	_ =	swait.ge [sflag:s13], $0x1000  }
0xd1: {  	[sflag:s13] =	ssyncset.done $0x0  }
0xd2: {  	[sflag:s13] =	ssyncadd.s32 $0xFFFFF000  }
0xd3: {  	[bflag:$0x0] =	sbarrier.arrive $0xFFFF  }
0xd4: {  	s31 =	sshrl.u32 s19, $0x3;
	s30 =	rddreg [dreg:$0x4]  }
0xd5: {  	[hbm:s30@s13], [sflag:s16] =	dma.strided [spmem:s31@s10], $0x100, s9, $0x4   }
0xd6: {  	_ =	swait.ge [sflag:s14], $0x100  }
0xd7: {  	[sflag:s14] =	ssyncset.done $0x0;
	s11 =	rddreg [dreg:$0x5]  }
0xd8: {  	s31 =	rddreg [dreg:$0x13];
	[sflag:s14] =	ssyncadd.s32 $0xFFFFFF00  }
0xd9: {  	[hbm:s11@s13], [sflag:s16] =	dma.strided [spmem:s31@s10], $0x100, s9, $0x4   }
0xda: {  	_ =	swait.ge [sflag:s14], $0x100  }
0xdb: {  	[sflag:s14] =	ssyncset.done $0x0;
	s11 =	rddreg [dreg:$0x6]  }
0xdc: {  	s31 =	rddreg [dreg:$0x14];
	[sflag:s14] =	ssyncadd.s32 $0xFFFFFF00  }
0xdd: {  	[hbm:s11@s13], [sflag:s16] =	dma.strided [spmem:s31@s10], $0x100, s9, $0x4   }
0xde: {  	_ =	swait.ge [sflag:s14], $0x100  }
0xdf: {  	[sflag:s14] =	ssyncset.done $0x0;
	s11 =	rddreg [dreg:$0x7]  }
0xe0: {  	s31 =	rddreg [dreg:$0x15];
	[sflag:s14] =	ssyncadd.s32 $0xFFFFFF00  }
0xe1: {  	[hbm:s11@s13], [sflag:s16] =	dma.strided [spmem:s31@s10], $0x100, s9, $0x4   }
0xe2: {  	_ =	swait.ge [sflag:s14], $0x100  }
0xe3: {  	[sflag:s14] =	ssyncset.done $0x0;
	s11 =	rddreg [dreg:$0x8]  }
0xe4: {  	s31 =	rddreg [dreg:$0x16];
	[sflag:s14] =	ssyncadd.s32 $0xFFFFFF00  }
0xe5: {  	[hbm:s11@s13], [sflag:s16] =	dma.strided [spmem:s31@s10], $0x100, s9, $0x4   }
0xe6: {  	_ =	swait.ge [sflag:s14], $0x100  }
0xe7: {  	[sflag:s14] =	ssyncset.done $0x0;
	s11 =	rddreg [dreg:$0x9]  }
0xe8: {  	s31 =	rddreg [dreg:$0x17];
	[sflag:s14] =	ssyncadd.s32 $0xFFFFFF00  }
0xe9: {  	[hbm:s11@s13], [sflag:s16] =	dma.strided [spmem:s31@s10], $0x100, s9, $0x4   }
0xea: {  	_ =	swait.ge [sflag:s14], $0x100  }
0xeb: {  	[sflag:s14] =	ssyncset.done $0x0;
	s11 =	rddreg [dreg:$0xa]  }
0xec: {  	s31 =	rddreg [dreg:$0x18];
	[sflag:s14] =	ssyncadd.s32 $0xFFFFFF00  }
0xed: {  	[hbm:s11@s13], [sflag:s16] =	dma.strided [spmem:s31@s10], $0x100, s9, $0x4   }
0xee: {  	_ =	swait.ge [sflag:s14], $0x100  }
0xef: {  	[sflag:s14] =	ssyncset.done $0x0;
	s11 =	rddreg [dreg:$0xb]  }
0xf0: {  	s31 =	rddreg [dreg:$0x19];
	[sflag:s14] =	ssyncadd.s32 $0xFFFFFF00  }
0xf1: {  	[hbm:s11@s13], [sflag:s16] =	dma.strided [spmem:s31@s10], $0x100, s9, $0x4   }
0xf2: {  	_ =	swait.ge [sflag:s14], $0x100  }
0xf3: {  	[sflag:s14] =	ssyncset.done $0x0;
	s11 =	rddreg [dreg:$0xc]  }
0xf4: {  	s31 =	rddreg [dreg:$0x1a];
	[sflag:s14] =	ssyncadd.s32 $0xFFFFFF00  }
0xf5: {  	[hbm:s11@s13], [sflag:s16] =	dma.strided [spmem:s31@s10], $0x100, s9, $0x4   }
0xf6: {  	_ =	swait.ge [sflag:s14], $0x100  }
0xf7: {  	[sflag:s14] =	ssyncset.done $0x0;
	s11 =	rddreg [dreg:$0xd]  }
0xf8: {  	s31 =	rddreg [dreg:$0x1b];
	[sflag:s14] =	ssyncadd.s32 $0xFFFFFF00  }
0xf9: {  	[hbm:s11@s13], [sflag:s16] =	dma.strided [spmem:s31@s10], $0x100, s9, $0x4   }
0xfa: {  	_ =	swait.ge [sflag:s14], $0x100  }
0xfb: {  	s29 =	sadd.s32 $0x1, s29;
	s31 =	rddreg [dreg:$0x11]  }
0xfc: {  	p0 =	sne.s32 s29, s31  }
.Ltmp2:
0xfd: {  	_ = 	snop;
	(pc) =	sbr.rel @p0 .LBB2_1-.Ltmp2, $3  }
0xfe: {  	_ =	sdelay $0x1  }
0xff: {  	[sflag:s14] =	ssyncset.done $0x0  }
0x100: {  	[sflag:s14] =	ssyncadd.s32 $0xFFFFFF00  }
0x101: {  	_ =	sfence.sel $0x180000  }
0x102: {  	[bflag:$0x0] =	sbarrier.arrive $0xFFFF  }
0x103: {  	_ =	strace $0x9000004A  }
0x104: {  	s0 =	stileid.u32;
	[bflag:$0x2] =	sbarrier.arrive $0xFFFF  }
0x105: {  	p0 =	sne.s32 s0, $0x0;
	s0 =	rddreg [dreg:$0x3]  }
0x106: {  	s0 =	sadd.s32 @!p0 $0x100000, s0  }
0x107: {  	[sflag:s0] =	ssyncadd.tile.s32 @!p0 $0x1;
	_ =	shalt  }
.Lfunc_end2:
_tile_overlayer_lowered:
.L_overlay_start_2:
0x108: {  	(tag) =	ssettag $0x2  }
0x109: {  	s0 =	rddreg [dreg:$0x0];
	s2 =	stileid.u32  }
0x10a: {  	s1 =	rddreg [dreg:$0x1];
	p0 =	sne.s32 s2, $0x0  }
0x10b: {  	s3 =	rddreg [dreg:$0x2];
	[bflag:$0x3] =	sbarrier.arrive $0xFFFF;
	s2 =	simm.s32 @!p0 $0x1C09  }
0x10c: {  	[timem:s3], [sflag:s2] =	dma.local @!p0 [hbm:s0], s1  }
0x10d: {  	s0 =	simm.s32 @!p0 $0x9  }
0x10e: {  	_ =	swait.ge @!p0 [sflag:s0], s1  }
0x10f: {  	s1 =	ssub.s32 @!p0 $0x0, s1;
	[sflag:s0] =	ssyncset.done @!p0 $0x0  }
0x110: {  	[sflag:s0] =	ssyncadd.s32 @!p0 s1  }
0x111: {  	[bflag:$0x3] =	sbarrier.arrive $0xFFFF  }
0x112: {  	_ =	shalt  }

// kernel: kernel.14.cloned.1.call-start
scs
__scs_entry_jumppad:
0x0: {  	(pc) =	sbr.rel $0x88, $3  }
0x1: {  	(tag) =	ssettag $0x0;
	lr =	simm.s32 $0x1  }
0x2: {  	[smem:$0x3F9B] =	sst lr;
	_ =	strace $0xD0000000  }
0x3: {  	_ = 	snop  }
0x4: {  	_ = 	snop  }
0x5: {  	_ = 	snop  }
0x6: {  	_ = 	snop  }
0x7: {  	_ = 	snop  }
__scs_overlays_trampoline_lowered:
0x8: {  	[smem:$0x3FAA] =	sst s0  }
0x9: {  	[smem:$0x3FAB] =	sst s1  }
0xa: {  	[smem:$0x3FAC] =	sst s2  }
0xb: {  	[smem:$0x3FAD] =	sst s3  }
0xc: {  	[smem:$0x3FAE] =	sst s4  }
0xd: {  	[smem:$0x3FAF] =	sst s5  }
0xe: {  	[smem:$0x3FB0] =	sst s6  }
0xf: {  	[smem:$0x3FB1] =	sst s7  }
0x10: {  	[smem:$0x3FB2] =	sst s8  }
0x11: {  	[smem:$0x3FB3] =	sst s9;
	s0 =	simm.s32 @!p0 $0x0  }
0x12: {  	s1 =	sld [smem:$0x3F99];
	s0 =	simm.s32 @p0 $0x1  }
0x13: {  	[smem:$0x3FB4] =	sst s0;
	s0 =	simm.s32 @!p1 $0x0  }
0x14: {  	s2 =	sld [smem:$0x3F98];
	s0 =	simm.s32 @p1 $0x1  }
0x15: {  	[smem:$0x3FB5] =	sst s0;
	s0 =	simm.s32 @!p2 $0x0  }
0x16: {  	s3 =	sld [smem:$0x3FDB];
	s0 =	simm.s32 @p2 $0x1  }
0x17: {  	s4 =	simm.s32 $0x1BF5;
	[smem:$0x3FB7] =	sst s0  }
0x18: {  	s0 =	sld [smem:$0x3F9A];
	_ =	swait.ge [sflag:s4], $0x0  }
0x19: {  	s7 =	sld [smem:$0x3F9B]  }
0x1a: {  	s8 =	sadd.s32 $0xFFFFE003, lr  }
0x1b: {  	s9 =	sadd.s32 $0xFFFFFEF7, lr;
	s5 =	simm.s32 $0xFFFFFFFF;
	p2 =	slt.u32 s8, $0xFFFFF086  }
0x1c: {  	p1 =	slt.u32 s9, $0xF7A;
	s5 =	simm.s32 @!p2 $0x0  }
0x1d: {  	s5 =	simm.s32 @p1 $0x1;
	p0 =	seq.s32 s7, s2  }
0x1e: {  	s7 =	smul.u32 @!p0 $0xF7A, s2;
	p2 =	seq.s32 @!p0 s5, $0x0  }
0x1f: {  	s9 =	smul.u32 $0xF7A, s1;
	s8 =	simm.s32 @!p0 $0x1BF5;
	p2 =	por !p2, p0  }
0x20: {  	[sflag:s8] =	ssyncset.s32 @!p0 $0xFFFFF086;
	s6 =	sadd.s32 @!p0 s3, s7;
	s7 =	simm.s32 @!p0 $0x108  }
0x21: {  	s3 =	sadd.s32 s3, s9;
	s6 =	sadd.s32 @!p0 $0x88, s6;
	s7 =	simm.s32 @p2 $0x1082  }
0x22: {  	[simem:s7], [sflag:s8] =	dma.local @!p0 [hbm:s6], $0xF7A  }
0x23: {  	s9 =	sor.u32 $0xD0000000, s2;
	s6 =	simm.s32 $0x108;
	_ =	swait.ge @!p0 [sflag:s8], $0x0  }
0x24: {  	s3 =	sadd.s32 $0x88, s3;
	s6 =	simm.s32 @!p1 $0x1082;
	[sflag:s4] =	ssyncset.s32 $0xFFFFF086  }
0x25: {  	[simem:s6], [sflag:s4] =	dma.local [hbm:s3], $0xF7A  }
0x26: {  	[smem:$0x3F9B] =	sst s1;
	(tag) =	ssettag s2;
	_ =	strace s9  }
0x27: {  	s1 =	sld [smem:$0x3FAB]  }
0x28: {  	s2 =	sld [smem:$0x3FAC]  }
0x29: {  	s4 =	sld [smem:$0x3FAE]  }
0x2a: {  	p0 =	seq.s32 s5, $0x0;
	s5 =	sld [smem:$0x3FAF]  }
0x2b: {  	s6 =	sld [smem:$0x3FB0]  }
0x2c: {  	s7 =	sld [smem:$0x3FB1]  }
0x2d: {  	s3 =	simm.s32 $0x108;
	s8 =	sld [smem:$0x3FB2]  }
0x2e: {  	s3 =	simm.s32 @!p0 $0x1082;
	s9 =	sld [smem:$0x3FB3]  }
0x2f: {  	lr =	sadd.s32 s0, s3;
	s0 =	sld [smem:$0x3FAA]  }
0x30: {  	s3 =	sld [smem:$0x3FAD]  }
0x31: {  	[smem:$0x3FB6] =	sst s10  }
0x32: {  	s10 =	sld [smem:$0x3FB4];
	_ =	sdelay $0x3  }
0x33: {  	p0 =	seq.s32 s10, $0x1;
	s10 =	sld [smem:$0x3FB6];
	_ =	sdelay $0x3  }
0x34: {  	[smem:$0x3FB6] =	sst s10  }
0x35: {  	s10 =	sld [smem:$0x3FB5];
	_ =	sdelay $0x3  }
0x36: {  	p1 =	seq.s32 s10, $0x1;
	s10 =	sld [smem:$0x3FB6];
	_ =	sdelay $0x3  }
0x37: {  	[smem:$0x3FB6] =	sst s10  }
0x38: {  	s10 =	sld [smem:$0x3FB7]  }
0x39: {  	_ = 	snop;
	(pc) =	sbr.ind lr, $3  }
0x3a: {  	_ = 	snop  }
0x3b: {  	_ = 	snop  }
0x3c: {  	p2 =	seq.s32 s10, $0x1;
	s10 =	sld [smem:$0x3FB6]  }
0x3d: {  	_ =	shalt  }
0x3e: {  	_ =	shalt  }
0x3f: {  	_ =	shalt  }
0x40: {  	_ =	shalt  }
0x41: {  	_ =	shalt  }
0x42: {  	_ =	shalt  }
0x43: {  	_ =	shalt  }
0x44: {  	_ =	shalt  }
0x45: {  	_ =	shalt  }
0x46: {  	_ =	shalt  }
0x47: {  	_ =	shalt  }
0x48: {  	_ =	shalt  }
0x49: {  	_ =	shalt  }
0x4a: {  	_ =	shalt  }
0x4b: {  	_ =	shalt  }
0x4c: {  	_ =	shalt  }
0x4d: {  	_ =	shalt  }
0x4e: {  	_ =	shalt  }
0x4f: {  	_ =	shalt  }
0x50: {  	_ =	shalt  }
0x51: {  	_ =	shalt  }
0x52: {  	_ =	shalt  }
0x53: {  	_ =	shalt  }
0x54: {  	_ =	shalt  }
0x55: {  	_ =	shalt  }
0x56: {  	_ =	shalt  }
0x57: {  	_ =	shalt  }
0x58: {  	_ =	shalt  }
0x59: {  	_ =	shalt  }
0x5a: {  	_ =	shalt  }
0x5b: {  	_ =	shalt  }
0x5c: {  	_ =	shalt  }
0x5d: {  	_ =	shalt  }
0x5e: {  	_ =	shalt  }
0x5f: {  	_ =	shalt  }
0x60: {  	_ =	shalt  }
0x61: {  	_ =	shalt  }
0x62: {  	_ =	shalt  }
0x63: {  	_ =	shalt  }
0x64: {  	_ =	shalt  }
0x65: {  	_ =	shalt  }
0x66: {  	_ =	shalt  }
0x67: {  	_ =	shalt  }
0x68: {  	_ =	shalt  }
0x69: {  	_ =	shalt  }
0x6a: {  	_ =	shalt  }
0x6b: {  	_ =	shalt  }
0x6c: {  	_ =	shalt  }
0x6d: {  	_ =	shalt  }
0x6e: {  	_ =	shalt  }
0x6f: {  	_ =	shalt  }
0x70: {  	_ =	shalt  }
0x71: {  	_ =	shalt  }
0x72: {  	_ =	shalt  }
0x73: {  	_ =	shalt  }
0x74: {  	_ =	shalt  }
0x75: {  	_ =	shalt  }
0x76: {  	_ =	shalt  }
0x77: {  	_ =	shalt  }
0x78: {  	_ =	shalt  }
0x79: {  	_ =	shalt  }
0x7a: {  	_ =	shalt  }
0x7b: {  	_ =	shalt  }
0x7c: {  	_ =	shalt  }
0x7d: {  	_ =	shalt  }
0x7e: {  	_ =	shalt  }
0x7f: {  	_ =	shalt  }
0x80: {  	_ =	shalt  }
0x81: {  	_ =	shalt  }
0x82: {  	_ =	shalt  }
0x83: {  	_ =	shalt  }
0x84: {  	_ =	shalt  }
0x85: {  	_ =	shalt  }
0x86: {  	_ =	shalt  }
0x87: {  	_ =	shalt  }
.Lfunc_end0:
.L_simem_size_0:
called_computation.2_lowered:
.L_overlay_start_0:
0x88: {  	s2 =	sld [smem:$0x3FD9]  }
0x89: {  	s3 =	sld [smem:$0x3FFE];
	_ =	sdelay $0x1  }
0x8a: {  	s1 =	srdreg.scid  }
0x8b: {  	s0 =	sand.u32 $0x1, s1  }
0x8c: {  	s16 =	sshll.u32 s0, $0xA;
	s2 =	sadd.s32 s3, s2  }
0x8d: {  	s2 =	sadd.s32 s2, s16  }
0x8e: {  	[smem:$0x3FC2] =	sst s2  }
0x8f: {  	_ = 	snop  }
0x90: {  	(tm) =	ssettm $0x1  }
0x91: {  	s17 =	sld [smem:$0x3FFB];
	_ =	sdelay $0x3  }
0x92: {  	_ =	strace s17  }
0x93: {  	s2 =	sld [smem:$0x3FFC];
	_ =	sdelay $0x3  }
0x94: {  	_ =	strace s2  }
0x95: {  	s2 =	sld [smem:$0x3FFD];
	_ =	sdelay $0x3  }
0x96: {  	_ =	strace s2  }
0x97: {  	_ =	strace $0x8FFFFFFF  }
0x98: {  	s18 =	sld [smem:$0x3FDB];
	_ =	sdelay $0x1  }
0x99: {  	s19 =	simm.s32 $_scs_section_size  }
0x9a: {  	s4 =	simm.s32 $_size__tile_overlayer_lowered;
	s5 =	simm.s32 $_tile_overlayer_lowered  }
0x9b: {  	s22 =	simm.s32 $0x1BFF;
	s21 =	sshll.u32 s5, $0x1;
	s2 =	sadd.s32 s19, s18  }
0x9c: {  	s6 =	simm.s32 $0x0;
	s20 =	sshll.u32 s4, $0x1;
	s4 =	sadd.s32 s21, s2  }
0x9d: {  	[timem:s6], [sflag:s22] =	dma.local [hbm:s4], s20  }
0x9e: {  	_ =	swait.ge [sflag:s22], s20  }
0x9f: {  	s3 =	ssub.s32 $0x0, s20;
	[sflag:s22] =	ssyncset.done $0x0  }
0xa0: {  	[sflag:s22] =	ssyncadd.s32 s3;
	_ =	sdelay $0x1  }
0xa1: {  	s23 =	simm.s32 $0x1B8B  }
0xa2: {  	_ =	swait.ge [sflag:s23], $0x1  }
0xa3: {  	[sflag:s23] =	ssyncset.done $0x0  }
0xa4: {  	s25 =	simm.s32 $0x1B8E;
	s24 =	sld [smem:$0x3FFE];
	[sflag:s23] =	ssyncadd.s32 $0xFFFFFFFF  }
0xa5: {  	s26 =	simm.s32 $execute0_lowered;
	[smem:$0x3FD2] =	sst s25  }
0xa6: {  	s4 =	sshll.u32 s26, $0x1;
	_ =	strace $0x8000004C;
	[dreg:$0x1] =	wrdreg $0xFFFFFFFF  }
0xa7: {  	s28 =	simm.s32 $_size_execute0_lowered;
	s2 =	sadd.s32 s2, s4;
	[dreg:$0x0] =	wrdreg $0x0  }
0xa8: {  	s4 =	sshll.u32 s28, $0x1;
	[dreg:$0x2] =	wrdreg s2  }
0xa9: {  	[dreg:$0x3] =	wrdreg s4  }
0xaa: {  	[dreg:$0x4] =	wrdreg $0xC0  }
0xab: {  	_ =	task [dreg:s6], $0x5FFFF  }
0xac: {  	[dreg:$0x1] =	wrdreg $0xFFFFFFFF  }
0xad: {  	[dreg:$0x0] =	wrdreg $0x60  }
0xae: {  	[dreg:$0x2] =	wrdreg s24  }
0xaf: {  	[dreg:$0x3] =	wrdreg $0x9C000  }
0xb0: {  	[dreg:$0x4] =	wrdreg $0x74000  }
0xb1: {  	[dreg:$0x5] =	wrdreg $0x9  }
0xb2: {  	_ =	task.clear_ibuf [dreg:s6], $0x6FFFF;
	_ =	strace $0x9000004C  }
0xb3: {  	s29 =	simm.s32 $0x9;
	_ =	strace $0x8000004E  }
0xb4: {  	_ =	swait.ge [sflag:s29], $0x1  }
0xb5: {  	[sflag:s29] =	ssyncadd.s32 $0xFFFFFFFF  }
0xb6: {  	_ =	strace $0x9000004E  }
0xb7: {  	_ =	sfence  }
0xb8: {  	s30 =	sld [smem:$0x0];
	_ =	sdelay $0x2  }
0xb9: {  	s31 =	sshll.u32 s1, $0xD;
	s1 =	sshrl.u32 s1, $0x2  }
0xba: {  	s3 =	sand.u32 $0x4000, s31;
	s1 =	sadd.s32 s1, s30  }
0xbb: {  	s0 =	sor.u32 s3, s0;
	s1 =	sshll.u32 s1, $0x11  }
0xbc: {  	s0 =	sor.u32 s1, s0  }
0xbd: {  	s0 =	sadd.s32 $0x8F2B, s0  }
0xbe: {  	[sflag:s0] =	ssyncadd.remote.s32 $0x1  }
0xbf: {  	_ =	sfence.sel $0xFFFF  }
0xc0: {  	[dreg:$0x0] =	wrdreg $0xFFFFFFFF;
	(pc) =	sbr.abs _section_cstart, $3  }
0xc1: {  	[dreg:$0x1] =	wrdreg $0xFFFFFFFF  }
0xc2: {  	_ =	task.clear_ibuf [dreg:s6], $0x2FFFF;
	_ =	strace $0x9FFFFFFF  }
0xc3: {  	(tm) =	ssettm $0x7FFFFFFF  }
tec
execute0_lowered:
.L_overlay_start_1:
0x0: {  	(tag) =	ssettag $0x1  }
0x1: {  	s0 =	srdreg.scid;
	s16 =	stileid.u32  }
0x2: {  	s3 =	rddreg [dreg:$0x0];
	s4 =	simm.s32 $0x0;
	s28 =	simm.s32 $0x7  }
0x3: {  	s29 =	simm.s32 $0x8;
	s1 =	sand.u32 $0x1, s0;
	s0 =	smul.u32 $0x2800, s16  }
0x4: {  	s30 =	simm.s32 $0x0;
	[smem:$0x7FF] =	sst s4;
	s25 =	smul.u32 $0xA000, s16  }
0x5: {  	s26 =	sshll.u32 s16, $0x6;
	s2 =	sshll.u32 s1, $0x4;
	s5 =	smul.u32 $0x28000, s1  }
0x6: {  	s1 =	ssub.s32 $0x2, s1;
	s2 =	sor.u32 s16, s2;
	s11 =	sshrl.u32 s0, $0x3  }
0x7: {  	s6 =	sshrl.u32 s1, $0x1;
	s8 =	sor.u32 $0x400, s0;
	s9 =	sadd.s32 $0xC00, s0  }
0x8: {  	s16 =	sor.u32 $0x1C09, s26;
	s2 =	smul.u32 $0x2800, s2;
	s4 =	sadd.s32 s11, s3  }
0x9: {  	s7 =	sadd.s32 s5, s0;
	s1 =	ssub.s32 s1, s6;
	s13 =	sadd.s32 s5, s8  }
0xa: {  	s10 =	sadd.s32 s5, s9;
	s12 =	sshrl.u32 s7, $0x3;
	s14 =	sshrl.u32 s13, $0x3  }
0xb: {  	s7 =	sadd.s32 $0x800, s0;
	s17 =	sshrl.u32 s10, $0x3;
	s10 =	sadd.s32 $0x1400, s0  }
0xc: {  	s13 =	rddreg [dreg:$0x2];
	s4 =	sadd.s32 $0x16000, s4;
	s2 =	sshrl.u32 s2, $0x3  }
0xd: {  	s1 =	smax.u32 s1, $0x1;
	s2 =	sadd.s32 s2, s3;
	s3 =	sadd.s32 $0x1B000, s3  }
0xe: {  	s15 =	sadd.s32 s5, s7;
	s20 =	sadd.s32 s5, s10;
	s6 =	sadd.s32 s3, s12  }
0xf: {  	s12 =	sadd.s32 $0x1000, s0;
	s31 =	sadd.s32 $0x2000, s2;
	s2 =	sadd.s32 $0xC000, s2  }
0x10: {  	[dreg:$0x4] =	wrdreg s6;
	s6 =	sadd.s32 s3, s14;
	s18 =	sadd.s32 s5, s12  }
0x11: {  	s14 =	sadd.s32 $0x1800, s0;
	[dreg:$0x5] =	wrdreg s6;
	s6 =	sshrl.u32 s15, $0x3  }
0x12: {  	s19 =	sshrl.u32 s18, $0x3;
	s11 =	sadd.s32 s5, s14;
	s6 =	sadd.s32 s3, s6  }
0x13: {  	s15 =	sadd.s32 $0x1C00, s0;
	[dreg:$0x6] =	wrdreg s6;
	s6 =	sadd.s32 s3, s17  }
0x14: {  	s18 =	sadd.s32 $0x2400, s0;
	[dreg:$0x7] =	wrdreg s6;
	s6 =	sadd.s32 s3, s19  }
0x15: {  	s22 =	sadd.s32 s5, s15;
	[dreg:$0x8] =	wrdreg s6;
	s6 =	sshrl.u32 s20, $0x3  }
0x16: {  	s21 =	sshrl.u32 s11, $0x3;
	s23 =	sshrl.u32 s22, $0x3;
	s6 =	sadd.s32 s3, s6  }
0x17: {  	s17 =	sadd.s32 $0x2000, s0;
	[dreg:$0x9] =	wrdreg s6;
	s6 =	sadd.s32 s3, s21  }
0x18: {  	s24 =	sadd.s32 s5, s17;
	[dreg:$0xa] =	wrdreg s6;
	s6 =	sadd.s32 s3, s23  }
0x19: {  	s5 =	sadd.s32 s5, s18;
	[dreg:$0xb] =	wrdreg s6;
	s6 =	sshrl.u32 s24, $0x3  }
0x1a: {  	s11 =	rddreg [dreg:$0x1];
	s5 =	sshrl.u32 s5, $0x3;
	s6 =	sadd.s32 s3, s6  }
0x1b: {  	s3 =	sadd.s32 s3, s5;
	s5 =	sadd.s32 s8, s13;
	s8 =	sadd.s32 s12, s13  }
0x1c: {  	s12 =	sadd.s32 s15, s13;
	s15 =	sadd.s32 s18, s13;
	[dreg:$0xc] =	wrdreg s6  }
0x1d: {  	[dreg:$0xd] =	wrdreg s3;
	s3 =	sshrl.u32 s25, $0x2;
	s6 =	sadd.s32 s7, s13  }
0x1e: {  	s7 =	sadd.s32 s9, s13;
	s9 =	sadd.s32 s10, s13;
	s10 =	sadd.s32 s14, s13  }
0x1f: {  	s14 =	sadd.s32 s17, s13;
	_ =	strace $0x8000004D;
	[dreg:$0xe] =	wrdreg s4  }
0x20: {  	s17 =	sshrl.u32 s5, $0x3;
	s21 =	sshrl.u32 s8, $0x3;
	[dreg:$0xf] =	wrdreg s31  }
0x21: {  	s24 =	sshrl.u32 s12, $0x3;
	s26 =	sshrl.u32 s15, $0x3;
	[dreg:$0x10] =	wrdreg s2  }
0x22: {  	s12 =	simm.s32 $0x7000;
	s15 =	simm.s32 $0x5000;
	[dreg:$0x11] =	wrdreg s1  }
0x23: {  	s19 =	sadd.s32 s3, s13;
	s4 =	sadd.s32 s0, s11;
	[dreg:$0x14] =	wrdreg s17  }
0x24: {  	s0 =	sadd.s32 s0, s13;
	s18 =	sshrl.u32 s6, $0x3;
	[dreg:$0x17] =	wrdreg s21  }
0x25: {  	s20 =	sshrl.u32 s7, $0x3;
	s22 =	sshrl.u32 s9, $0x3;
	[dreg:$0x1a] =	wrdreg s24  }
0x26: {  	s23 =	sshrl.u32 s10, $0x3;
	s25 =	sshrl.u32 s14, $0x3;
	[dreg:$0x1c] =	wrdreg s26  }
0x27: {  	s9 =	simm.s32 $0x9;
	s14 =	simm.s32 $0x80;
	[dreg:$0x15] =	wrdreg s18  }
0x28: {  	s17 =	simm.s32 $0x5800;
	s21 =	simm.s32 $0x1;
	[dreg:$0x16] =	wrdreg s20  }
0x29: {  	s24 =	simm.s32 $0x4;
	s26 =	simm.s32 $0x6;
	[dreg:$0x18] =	wrdreg s22  }
0x2a: {  	s1 =	sshrl.u32 s4, $0x3;
	s0 =	sshrl.u32 s0, $0x3;
	[dreg:$0x19] =	wrdreg s23  }
0x2b: {  	[dreg:$0x1b] =	wrdreg s25;
	s31 =	sadd.s32 $0x400, s19;
	s2 =	sadd.s32 $0xC00, s19  }
0x2c: {  	s3 =	sadd.s32 $0x1000, s19;
	s4 =	sadd.s32 $0x1400, s19;
	s5 =	sadd.s32 $0x1800, s19  }
0x2d: {  	s6 =	sadd.s32 $0x1C00, s19;
	s7 =	sadd.s32 $0x2000, s19;
	s8 =	sadd.s32 $0x2400, s19  }
0x2e: {  	s18 =	simm.s32 $0x6000;
	s20 =	simm.s32 $0x6800;
	[dreg:$0x12] =	wrdreg s1  }
0x2f: {  	s22 =	simm.s32 $0x2;
	s23 =	simm.s32 $0x3;
	[dreg:$0x13] =	wrdreg s0  }
0x30: {  	v0 =	vimm.f32 $0.0e+00;
	s25 =	simm.s32 $0x5;
	[dreg:$0x1d] =	wrdreg s31;
	s1 =	sadd.s32 $0x800, s19  }
.LBB2_1:
0x31: {  	s0 =	rddreg [dreg:$0xe]  }
0x32: {  	s10 =	rddreg [dreg:$0x12]  }
0x33: {  	[spmem:s10], [sflag:s16] =	dma.local [hbm:s0], $0x500  }
0x34: {  	_ =	swait.ge [sflag:s9], $0x500  }
0x35: {  	[sflag:s9] =	ssyncset.done $0x0  }
0x36: {  	s0 =	simm.s32 $0x0;
	s10 =	rddreg [dreg:$0xf];
	[sflag:s9] =	ssyncadd.s32 $0xFFFFFB00  }
0x37: {  	[tilespmem:s0], [sflag:$0x9] =	stream.linear.gather [hbm4b:s10+s0], $0x2800, $0x38;
	[tilespmem:$0xC400] =	vst v63  }
0x38: {  	_ =	swait.ge [sflag:s9], $0x2800  }
0x39: {  	[sflag:s9] =	ssyncset.done $0x0  }
0x3a: {  	s31 =	simm.s32 $0x2800;
	s10 =	rddreg [dreg:$0x10];
	[sflag:s9] =	ssyncadd.s32 $0xFFFFD800  }
0x3b: {  	[tilespmem:s31], [sflag:$0x9] =	stream.linear.gather [hbm4b:s10+s0], $0x2800, $0x38;
	[tilespmem:$0xC400] =	vst v63  }
0x3c: {  	_ =	swait.ge [sflag:s9], $0x2800  }
0x3d: {  	[sflag:s9] =	ssyncset.done $0x0  }
0x3e: {  	s10 =	simm.s32 $0x40;
	s31 =	simm.s32 $0x0;
	[sflag:s9] =	ssyncadd.s32 $0xFFFFD800  }
.LBB2_2:
0x3f: {  	p0 =	sne.s32 s10, $0xFC0;
	[tilespmem:s31+$0x7000] =	vst v0;
	s31 =	smov.u32 s10;
	s10 =	sadd.s32 $0x40, s10  }
.Ltmp0:
0x40: {  	(pc) =	sbr.rel @p0 .LBB2_2-.Ltmp0, $2  }
0x41: {  	_ =	sdelay $0x2  }
0x42: {  	s31 =	sshra.s32 s31, $0x2  }
0x43: {  	[tilespmem:s31+$0x7000] =	vst v0  }
0x44: {  	[spmem:s19] =	stream.linear.scatter [tilespmem:s12], [sflag:$0x9], $0x400, $0x38;
	[tilespmem:$0xC400] =	vst v63  }
0x45: {  	_ =	swait.ge [sflag:s9], $0x400  }
0x46: {  	[sflag:s9] =	ssyncset.done $0x0  }
0x47: {  	s0 =	rddreg [dreg:$0x1d];
	[sflag:s9] =	ssyncadd.s32 $0xFFFFFC00  }
0x48: {  	[spmem:s0] =	stream.linear.scatter [tilespmem:s12], [sflag:$0x9], $0x400, $0x38;
	[tilespmem:$0xC400] =	vst v63  }
0x49: {  	_ =	swait.ge [sflag:s9], $0x400  }
0x4a: {  	[sflag:s9] =	ssyncset.done $0x0  }
0x4b: {  	[sflag:s9] =	ssyncadd.s32 $0xFFFFFC00  }
0x4c: {  	[spmem:s1] =	stream.linear.scatter [tilespmem:s12], [sflag:$0x9], $0x400, $0x38;
	[tilespmem:$0xC400] =	vst v63  }
0x4d: {  	_ =	swait.ge [sflag:s9], $0x400  }
0x4e: {  	[sflag:s9] =	ssyncset.done $0x0  }
0x4f: {  	[sflag:s9] =	ssyncadd.s32 $0xFFFFFC00  }
0x50: {  	[spmem:s2] =	stream.linear.scatter [tilespmem:s12], [sflag:$0x9], $0x400, $0x38;
	[tilespmem:$0xC400] =	vst v63  }
0x51: {  	_ =	swait.ge [sflag:s9], $0x400  }
0x52: {  	[sflag:s9] =	ssyncset.done $0x0  }
0x53: {  	[sflag:s9] =	ssyncadd.s32 $0xFFFFFC00  }
0x54: {  	[spmem:s3] =	stream.linear.scatter [tilespmem:s12], [sflag:$0x9], $0x400, $0x38;
	[tilespmem:$0xC400] =	vst v63  }
0x55: {  	_ =	swait.ge [sflag:s9], $0x400  }
0x56: {  	[sflag:s9] =	ssyncset.done $0x0  }
0x57: {  	[sflag:s9] =	ssyncadd.s32 $0xFFFFFC00  }
0x58: {  	[spmem:s4] =	stream.linear.scatter [tilespmem:s12], [sflag:$0x9], $0x400, $0x38;
	[tilespmem:$0xC400] =	vst v63  }
0x59: {  	_ =	swait.ge [sflag:s9], $0x400  }
0x5a: {  	[sflag:s9] =	ssyncset.done $0x0  }
0x5b: {  	[sflag:s9] =	ssyncadd.s32 $0xFFFFFC00  }
0x5c: {  	[spmem:s5] =	stream.linear.scatter [tilespmem:s12], [sflag:$0x9], $0x400, $0x38;
	[tilespmem:$0xC400] =	vst v63  }
0x5d: {  	_ =	swait.ge [sflag:s9], $0x400  }
0x5e: {  	[sflag:s9] =	ssyncset.done $0x0  }
0x5f: {  	[sflag:s9] =	ssyncadd.s32 $0xFFFFFC00  }
0x60: {  	[spmem:s6] =	stream.linear.scatter [tilespmem:s12], [sflag:$0x9], $0x400, $0x38;
	[tilespmem:$0xC400] =	vst v63  }
0x61: {  	_ =	swait.ge [sflag:s9], $0x400  }
0x62: {  	[sflag:s9] =	ssyncset.done $0x0  }
0x63: {  	[sflag:s9] =	ssyncadd.s32 $0xFFFFFC00  }
0x64: {  	[spmem:s7] =	stream.linear.scatter [tilespmem:s12], [sflag:$0x9], $0x400, $0x38;
	[tilespmem:$0xC400] =	vst v63  }
0x65: {  	_ =	swait.ge [sflag:s9], $0x400  }
0x66: {  	[sflag:s9] =	ssyncset.done $0x0  }
0x67: {  	[sflag:s9] =	ssyncadd.s32 $0xFFFFFC00  }
0x68: {  	[spmem:s8] =	stream.linear.scatter [tilespmem:s12], [sflag:$0x9], $0x400, $0x38;
	[tilespmem:$0xC400] =	vst v63  }
0x69: {  	_ =	swait.ge [sflag:s9], $0x400  }
0x6a: {  	[sflag:s9] =	ssyncset.done $0x0  }
0x6b: {  	[sflag:s9] =	ssyncadd.s32 $0xFFFFFC00  }
0x6c: {  	s10 =	simm.s32 $0x0;
	[bflag:$0x0] =	sbarrier.arrive $0xFFFF  }
0x6d: {  	[tilespmem:s15], [sflag:$0x1] =	stream.indirect.gather [spmem:s11], $0x10, s10, s14, $0xb8;
	[tilespmem:$0xC400] =	vst v63  }
0x6e: {  	_ = 	snop  }
0x6f: {  	[tilespmem:s17], [sflag:$0x2] =	stream.indirect.gather [spmem:s11], $0x10, s14, s14, $0xb8;
	[tilespmem:$0xC400] =	vst v63  }
0x70: {  	s10 =	simm.s32 $0x100  }
0x71: {  	[tilespmem:s18], [sflag:$0x3] =	stream.indirect.gather [spmem:s11], $0x10, s10, s14, $0xb8;
	[tilespmem:$0xC400] =	vst v63  }
0x72: {  	s10 =	simm.s32 $0x180  }
0x73: {  	[tilespmem:s20], [sflag:$0x4] =	stream.indirect.gather [spmem:s11], $0x10, s10, s14, $0xb8;
	[tilespmem:$0xC400] =	vst v63  }
0x74: {  	_ =	swait.ge [sflag:s21], $0x800  }
0x75: {  	[sflag:s21] =	ssyncset.done $0x0  }
0x76: {  	s0 =	simm.s32 $0x2800;
	[sflag:s21] =	ssyncadd.s32 $0xFFFFF800  }
0x77: {  	[spmem:s13] =	stream.indirect.scatter.add.f32 [tilespmem:s15], [sflag:$0x5], $0x10, s0, s14, $0xb8;
	[tilespmem:$0xC400] =	vst v63  }
0x78: {  	_ =	swait.ge [sflag:s22], $0x800  }
0x79: {  	[sflag:s22] =	ssyncset.done $0x0  }
0x7a: {  	s0 =	simm.s32 $0x2880;
	[sflag:s22] =	ssyncadd.s32 $0xFFFFF800  }
0x7b: {  	[spmem:s13] =	stream.indirect.scatter.add.f32 [tilespmem:s17], [sflag:$0x6], $0x10, s0, s14, $0xb8;
	[tilespmem:$0xC400] =	vst v63  }
0x7c: {  	_ =	swait.ge [sflag:s23], $0x800  }
0x7d: {  	[sflag:s23] =	ssyncset.done $0x0  }
0x7e: {  	s0 =	simm.s32 $0x2900;
	[sflag:s23] =	ssyncadd.s32 $0xFFFFF800  }
0x7f: {  	[spmem:s13] =	stream.indirect.scatter.add.f32 [tilespmem:s18], [sflag:$0x7], $0x10, s0, s14, $0xb8;
	[tilespmem:$0xC400] =	vst v63  }
0x80: {  	_ =	swait.ge [sflag:s24], $0x800  }
0x81: {  	[sflag:s24] =	ssyncset.done $0x0  }
0x82: {  	s0 =	simm.s32 $0x2980;
	[sflag:s24] =	ssyncadd.s32 $0xFFFFF800  }
0x83: {  	[spmem:s13] =	stream.indirect.scatter.add.f32 [tilespmem:s20], [sflag:$0x8], $0x10, s0, s14, $0xb8;
	[tilespmem:$0xC400] =	vst v63  }
0x84: {  	_ =	swait.ge [sflag:s25], $0x800  }
0x85: {  	[sflag:s25] =	ssyncset.done $0x0  }
0x86: {  	s0 =	simm.s32 $0x200;
	[sflag:s25] =	ssyncadd.s32 $0xFFFFF800  }
0x87: {  	[tilespmem:s15], [sflag:$0x1] =	stream.indirect.gather [spmem:s11], $0x10, s0, s14, $0xb8;
	[tilespmem:$0xC400] =	vst v63  }
0x88: {  	_ =	swait.ge [sflag:s26], $0x800  }
0x89: {  	[sflag:s26] =	ssyncset.done $0x0  }
0x8a: {  	s0 =	simm.s32 $0x280;
	[sflag:s26] =	ssyncadd.s32 $0xFFFFF800  }
0x8b: {  	[tilespmem:s17], [sflag:$0x2] =	stream.indirect.gather [spmem:s11], $0x10, s0, s14, $0xb8;
	[tilespmem:$0xC400] =	vst v63  }
0x8c: {  	_ =	swait.ge [sflag:s28], $0x800  }
0x8d: {  	[sflag:s28] =	ssyncset.done $0x0  }
0x8e: {  	s0 =	simm.s32 $0x300;
	[sflag:s28] =	ssyncadd.s32 $0xFFFFF800  }
0x8f: {  	[tilespmem:s18], [sflag:$0x3] =	stream.indirect.gather [spmem:s11], $0x10, s0, s14, $0xb8;
	[tilespmem:$0xC400] =	vst v63  }
0x90: {  	_ =	swait.ge [sflag:s29], $0x800  }
0x91: {  	[sflag:s29] =	ssyncset.done $0x0  }
0x92: {  	s31 =	simm.s32 $0x800;
	s10 =	simm.s32 $0x380;
	[sflag:s29] =	ssyncadd.s32 $0xFFFFF800  }
.LBB2_4:
0x93: {  	[tilespmem:s20], [sflag:$0x4] =	stream.indirect.gather [spmem:s11], $0x10, s10, s14, $0xb8;
	[tilespmem:$0xC400] =	vst v63  }
0x94: {  	s10 =	smov.u32 s31  }
0x95: {  	p0 =	sne.s32 s31, $0x9000;
	s31 =	sadd.s32 $0x800, s31;
	_ =	swait.ge [sflag:s21], $0x800  }
0x96: {  	s10 =	sshra.s32 s10, $0x2;
	[sflag:s21] =	ssyncset.done $0x0  }
0x97: {  	s0 =	sadd.s32 $0x2800, s10;
	[sflag:s21] =	ssyncadd.s32 $0xFFFFF800  }
0x98: {  	[spmem:s13] =	stream.indirect.scatter.add.f32 [tilespmem:s15], [sflag:$0x5], $0x10, s0, s14, $0xb8;
	[tilespmem:$0xC400] =	vst v63  }
0x99: {  	_ =	swait.ge [sflag:s22], $0x800  }
0x9a: {  	[sflag:s22] =	ssyncset.done $0x0  }
0x9b: {  	s0 =	sadd.s32 $0x2880, s10;
	[sflag:s22] =	ssyncadd.s32 $0xFFFFF800  }
0x9c: {  	[spmem:s13] =	stream.indirect.scatter.add.f32 [tilespmem:s17], [sflag:$0x6], $0x10, s0, s14, $0xb8;
	[tilespmem:$0xC400] =	vst v63  }
0x9d: {  	_ =	swait.ge [sflag:s23], $0x800  }
0x9e: {  	[sflag:s23] =	ssyncset.done $0x0  }
0x9f: {  	s0 =	sadd.s32 $0x2900, s10;
	[sflag:s23] =	ssyncadd.s32 $0xFFFFF800  }
0xa0: {  	[spmem:s13] =	stream.indirect.scatter.add.f32 [tilespmem:s18], [sflag:$0x7], $0x10, s0, s14, $0xb8;
	[tilespmem:$0xC400] =	vst v63  }
0xa1: {  	_ =	swait.ge [sflag:s24], $0x800  }
0xa2: {  	[sflag:s24] =	ssyncset.done $0x0  }
0xa3: {  	s0 =	sadd.s32 $0x2980, s10;
	[sflag:s24] =	ssyncadd.s32 $0xFFFFF800  }
0xa4: {  	[spmem:s13] =	stream.indirect.scatter.add.f32 [tilespmem:s20], [sflag:$0x8], $0x10, s0, s14, $0xb8;
	[tilespmem:$0xC400] =	vst v63  }
0xa5: {  	_ =	swait.ge [sflag:s25], $0x800  }
0xa6: {  	[sflag:s25] =	ssyncset.done $0x0  }
0xa7: {  	s0 =	sadd.s32 $0x200, s10;
	[sflag:s25] =	ssyncadd.s32 $0xFFFFF800  }
0xa8: {  	[tilespmem:s15], [sflag:$0x1] =	stream.indirect.gather [spmem:s11], $0x10, s0, s14, $0xb8;
	[tilespmem:$0xC400] =	vst v63  }
0xa9: {  	_ =	swait.ge [sflag:s26], $0x800  }
0xaa: {  	[sflag:s26] =	ssyncset.done $0x0  }
0xab: {  	s0 =	sadd.s32 $0x280, s10;
	[sflag:s26] =	ssyncadd.s32 $0xFFFFF800  }
0xac: {  	[tilespmem:s17], [sflag:$0x2] =	stream.indirect.gather [spmem:s11], $0x10, s0, s14, $0xb8;
	[tilespmem:$0xC400] =	vst v63  }
0xad: {  	_ =	swait.ge [sflag:s28], $0x800  }
0xae: {  	[sflag:s28] =	ssyncset.done $0x0  }
.Ltmp1:
0xaf: {  	s0 =	sadd.s32 $0x300, s10;
	[sflag:s28] =	ssyncadd.s32 $0xFFFFF800;
	(pc) =	sbr.rel @p0 .LBB2_4-.Ltmp1, $4  }
0xb0: {  	[tilespmem:s18], [sflag:$0x3] =	stream.indirect.gather [spmem:s11], $0x10, s0, s14, $0xb8;
	[tilespmem:$0xC400] =	vst v63  }
0xb1: {  	_ =	swait.ge [sflag:s29], $0x800  }
0xb2: {  	[sflag:s29] =	ssyncset.done $0x0  }
0xb3: {  	s10 =	sadd.s32 $0x380, s10;
	[sflag:s29] =	ssyncadd.s32 $0xFFFFF800  }
0xb4: {  	[tilespmem:s20], [sflag:$0x4] =	stream.indirect.gather [spmem:s11], $0x10, s10, s14, $0xb8;
	[tilespmem:$0xC400] =	vst v63  }
0xb5: {  	_ =	swait.ge [sflag:s21], $0x800  }
0xb6: {  	[sflag:s21] =	ssyncset.done $0x0  }
0xb7: {  	s0 =	simm.s32 $0x4E00;
	[sflag:s21] =	ssyncadd.s32 $0xFFFFF800  }
0xb8: {  	[spmem:s13] =	stream.indirect.scatter.add.f32 [tilespmem:s15], [sflag:$0x5], $0x10, s0, s14, $0xb8;
	[tilespmem:$0xC400] =	vst v63  }
0xb9: {  	_ =	swait.ge [sflag:s22], $0x800  }
0xba: {  	[sflag:s22] =	ssyncset.done $0x0  }
0xbb: {  	s31 =	simm.s32 $0x4E80;
	[sflag:s22] =	ssyncadd.s32 $0xFFFFF800  }
0xbc: {  	[spmem:s13] =	stream.indirect.scatter.add.f32 [tilespmem:s17], [sflag:$0x6], $0x10, s31, s14, $0xb8;
	[tilespmem:$0xC400] =	vst v63  }
0xbd: {  	_ =	swait.ge [sflag:s23], $0x800  }
0xbe: {  	[sflag:s23] =	ssyncset.done $0x0  }
0xbf: {  	s10 =	simm.s32 $0x4F00;
	[sflag:s23] =	ssyncadd.s32 $0xFFFFF800  }
0xc0: {  	[spmem:s13] =	stream.indirect.scatter.add.f32 [tilespmem:s18], [sflag:$0x7], $0x10, s10, s14, $0xb8;
	[tilespmem:$0xC400] =	vst v63  }
0xc1: {  	_ =	swait.ge [sflag:s24], $0x800  }
0xc2: {  	[sflag:s24] =	ssyncset.done $0x0  }
0xc3: {  	s31 =	simm.s32 $0x4F80;
	[sflag:s24] =	ssyncadd.s32 $0xFFFFF800  }
0xc4: {  	[spmem:s13] =	stream.indirect.scatter.add.f32 [tilespmem:s20], [sflag:$0x8], $0x10, s31, s14, $0xb8;
	[tilespmem:$0xC400] =	vst v63  }
0xc5: {  	_ =	swait.ge [sflag:s25], $0x800  }
0xc6: {  	[sflag:s25] =	ssyncset.done $0x0  }
0xc7: {  	[sflag:s25] =	ssyncadd.s32 $0xFFFFF800  }
0xc8: {  	_ =	swait.ge [sflag:s26], $0x800  }
0xc9: {  	[sflag:s26] =	ssyncset.done $0x0  }
0xca: {  	[sflag:s26] =	ssyncadd.s32 $0xFFFFF800  }
0xcb: {  	_ =	swait.ge [sflag:s28], $0x800  }
0xcc: {  	[sflag:s28] =	ssyncset.done $0x0  }
0xcd: {  	[sflag:s28] =	ssyncadd.s32 $0xFFFFF800  }
0xce: {  	_ =	swait.ge [sflag:s29], $0x800  }
0xcf: {  	[sflag:s29] =	ssyncset.done $0x0  }
0xd0: {  	[sflag:s29] =	ssyncadd.s32 $0xFFFFF800  }
0xd1: {  	[bflag:$0x0] =	sbarrier.arrive $0xFFFF  }
0xd2: {  	s10 =	rddreg [dreg:$0x4]  }
0xd3: {  	s31 =	rddreg [dreg:$0x13]  }
0xd4: {  	[hbm:s10], [sflag:s16] =	dma.local [spmem:s31], $0x80  }
0xd5: {  	_ =	swait.ge [sflag:s9], $0x80  }
0xd6: {  	[sflag:s9] =	ssyncset.done $0x0;
	s10 =	rddreg [dreg:$0x5]  }
0xd7: {  	s31 =	rddreg [dreg:$0x14];
	[sflag:s9] =	ssyncadd.s32 $0xFFFFFF80  }
0xd8: {  	[hbm:s10], [sflag:s16] =	dma.local [spmem:s31], $0x80  }
0xd9: {  	_ =	swait.ge [sflag:s9], $0x80  }
0xda: {  	[sflag:s9] =	ssyncset.done $0x0;
	s10 =	rddreg [dreg:$0x6]  }
0xdb: {  	s31 =	rddreg [dreg:$0x15];
	[sflag:s9] =	ssyncadd.s32 $0xFFFFFF80  }
0xdc: {  	[hbm:s10], [sflag:s16] =	dma.local [spmem:s31], $0x80  }
0xdd: {  	_ =	swait.ge [sflag:s9], $0x80  }
0xde: {  	[sflag:s9] =	ssyncset.done $0x0;
	s10 =	rddreg [dreg:$0x7]  }
0xdf: {  	s31 =	rddreg [dreg:$0x16];
	[sflag:s9] =	ssyncadd.s32 $0xFFFFFF80  }
0xe0: {  	[hbm:s10], [sflag:s16] =	dma.local [spmem:s31], $0x80  }
0xe1: {  	_ =	swait.ge [sflag:s9], $0x80  }
0xe2: {  	[sflag:s9] =	ssyncset.done $0x0;
	s10 =	rddreg [dreg:$0x8]  }
0xe3: {  	s31 =	rddreg [dreg:$0x17];
	[sflag:s9] =	ssyncadd.s32 $0xFFFFFF80  }
0xe4: {  	[hbm:s10], [sflag:s16] =	dma.local [spmem:s31], $0x80  }
0xe5: {  	_ =	swait.ge [sflag:s9], $0x80  }
0xe6: {  	[sflag:s9] =	ssyncset.done $0x0;
	s10 =	rddreg [dreg:$0x9]  }
0xe7: {  	s31 =	rddreg [dreg:$0x18];
	[sflag:s9] =	ssyncadd.s32 $0xFFFFFF80  }
0xe8: {  	[hbm:s10], [sflag:s16] =	dma.local [spmem:s31], $0x80  }
0xe9: {  	_ =	swait.ge [sflag:s9], $0x80  }
0xea: {  	[sflag:s9] =	ssyncset.done $0x0;
	s10 =	rddreg [dreg:$0xa]  }
0xeb: {  	s31 =	rddreg [dreg:$0x19];
	[sflag:s9] =	ssyncadd.s32 $0xFFFFFF80  }
0xec: {  	[hbm:s10], [sflag:s16] =	dma.local [spmem:s31], $0x80  }
0xed: {  	_ =	swait.ge [sflag:s9], $0x80  }
0xee: {  	[sflag:s9] =	ssyncset.done $0x0;
	s10 =	rddreg [dreg:$0xb]  }
0xef: {  	s31 =	rddreg [dreg:$0x1a];
	[sflag:s9] =	ssyncadd.s32 $0xFFFFFF80  }
0xf0: {  	[hbm:s10], [sflag:s16] =	dma.local [spmem:s31], $0x80  }
0xf1: {  	_ =	swait.ge [sflag:s9], $0x80  }
0xf2: {  	[sflag:s9] =	ssyncset.done $0x0;
	s10 =	rddreg [dreg:$0xc]  }
0xf3: {  	s31 =	rddreg [dreg:$0x1b];
	[sflag:s9] =	ssyncadd.s32 $0xFFFFFF80  }
0xf4: {  	[hbm:s10], [sflag:s16] =	dma.local [spmem:s31], $0x80  }
0xf5: {  	_ =	swait.ge [sflag:s9], $0x80  }
0xf6: {  	[sflag:s9] =	ssyncset.done $0x0;
	s10 =	rddreg [dreg:$0xd]  }
0xf7: {  	s31 =	rddreg [dreg:$0x1c];
	[sflag:s9] =	ssyncadd.s32 $0xFFFFFF80  }
0xf8: {  	[hbm:s10], [sflag:s16] =	dma.local [spmem:s31], $0x80  }
0xf9: {  	_ =	swait.ge [sflag:s9], $0x80  }
0xfa: {  	s30 =	sadd.s32 $0x1, s30;
	s31 =	rddreg [dreg:$0x11]  }
0xfb: {  	p0 =	sne.s32 s30, s31  }
.Ltmp2:
0xfc: {  	_ = 	snop;
	(pc) =	sbr.rel @p0 .LBB2_1-.Ltmp2, $3  }
0xfd: {  	_ =	sdelay $0x1  }
0xfe: {  	[sflag:s9] =	ssyncset.done $0x0  }
0xff: {  	[sflag:s9] =	ssyncadd.s32 $0xFFFFFF80  }
0x100: {  	_ =	sfence.sel $0x180000  }
0x101: {  	[bflag:$0x0] =	sbarrier.arrive $0xFFFF  }
0x102: {  	_ =	strace $0x9000004D  }
0x103: {  	s0 =	stileid.u32;
	[bflag:$0x2] =	sbarrier.arrive $0xFFFF  }
0x104: {  	p0 =	sne.s32 s0, $0x0;
	s0 =	rddreg [dreg:$0x3]  }
0x105: {  	s0 =	sadd.s32 @!p0 $0x100000, s0  }
0x106: {  	[sflag:s0] =	ssyncadd.tile.s32 @!p0 $0x1;
	_ =	shalt  }
.Lfunc_end2:
_tile_overlayer_lowered:
.L_overlay_start_2:
0x107: {  	(tag) =	ssettag $0x2  }
0x108: {  	s0 =	rddreg [dreg:$0x0];
	s2 =	stileid.u32  }
0x109: {  	s1 =	rddreg [dreg:$0x1];
	p0 =	sne.s32 s2, $0x0  }
0x10a: {  	s3 =	rddreg [dreg:$0x2];
	[bflag:$0x3] =	sbarrier.arrive $0xFFFF;
	s2 =	simm.s32 @!p0 $0x1C09  }
0x10b: {  	[timem:s3], [sflag:s2] =	dma.local @!p0 [hbm:s0], s1  }
0x10c: {  	s0 =	simm.s32 @!p0 $0x9  }
0x10d: {  	_ =	swait.ge @!p0 [sflag:s0], s1  }
0x10e: {  	s1 =	ssub.s32 @!p0 $0x0, s1;
	[sflag:s0] =	ssyncset.done @!p0 $0x0  }
0x10f: {  	[sflag:s0] =	ssyncadd.s32 @!p0 s1  }
0x110: {  	[bflag:$0x3] =	sbarrier.arrive $0xFFFF  }
0x111: {  	_ =	shalt  }

// kernel: kernel.8.cloned.1.call-start
scs
__scs_entry_jumppad:
0x0: {  	(pc) =	sbr.rel $0x88, $3  }
0x1: {  	(tag) =	ssettag $0x0;
	lr =	simm.s32 $0x1  }
0x2: {  	[smem:$0x3F9B] =	sst lr;
	_ =	strace $0xD0000000  }
0x3: {  	_ = 	snop  }
0x4: {  	_ = 	snop  }
0x5: {  	_ = 	snop  }
0x6: {  	_ = 	snop  }
0x7: {  	_ = 	snop  }
__scs_overlays_trampoline_lowered:
0x8: {  	[smem:$0x3FAA] =	sst s0  }
0x9: {  	[smem:$0x3FAB] =	sst s1  }
0xa: {  	[smem:$0x3FAC] =	sst s2  }
0xb: {  	[smem:$0x3FAD] =	sst s3  }
0xc: {  	[smem:$0x3FAE] =	sst s4  }
0xd: {  	[smem:$0x3FAF] =	sst s5  }
0xe: {  	[smem:$0x3FB0] =	sst s6  }
0xf: {  	[smem:$0x3FB1] =	sst s7  }
0x10: {  	[smem:$0x3FB2] =	sst s8  }
0x11: {  	[smem:$0x3FB3] =	sst s9;
	s0 =	simm.s32 @!p0 $0x0  }
0x12: {  	s1 =	sld [smem:$0x3F99];
	s0 =	simm.s32 @p0 $0x1  }
0x13: {  	[smem:$0x3FB4] =	sst s0;
	s0 =	simm.s32 @!p1 $0x0  }
0x14: {  	s2 =	sld [smem:$0x3F98];
	s0 =	simm.s32 @p1 $0x1  }
0x15: {  	[smem:$0x3FB5] =	sst s0;
	s0 =	simm.s32 @!p2 $0x0  }
0x16: {  	s3 =	sld [smem:$0x3FDB];
	s0 =	simm.s32 @p2 $0x1  }
0x17: {  	s4 =	simm.s32 $0x1BF5;
	[smem:$0x3FB7] =	sst s0  }
0x18: {  	s0 =	sld [smem:$0x3F9A];
	_ =	swait.ge [sflag:s4], $0x0  }
0x19: {  	s7 =	sld [smem:$0x3F9B]  }
0x1a: {  	s8 =	sadd.s32 $0xFFFFE003, lr  }
0x1b: {  	s9 =	sadd.s32 $0xFFFFFEF7, lr;
	s5 =	simm.s32 $0xFFFFFFFF;
	p2 =	slt.u32 s8, $0xFFFFF086  }
0x1c: {  	p1 =	slt.u32 s9, $0xF7A;
	s5 =	simm.s32 @!p2 $0x0  }
0x1d: {  	s5 =	simm.s32 @p1 $0x1;
	p0 =	seq.s32 s7, s2  }
0x1e: {  	s7 =	smul.u32 @!p0 $0xF7A, s2;
	p2 =	seq.s32 @!p0 s5, $0x0  }
0x1f: {  	s9 =	smul.u32 $0xF7A, s1;
	s8 =	simm.s32 @!p0 $0x1BF5;
	p2 =	por !p2, p0  }
0x20: {  	[sflag:s8] =	ssyncset.s32 @!p0 $0xFFFFF086;
	s6 =	sadd.s32 @!p0 s3, s7;
	s7 =	simm.s32 @!p0 $0x108  }
0x21: {  	s3 =	sadd.s32 s3, s9;
	s6 =	sadd.s32 @!p0 $0x88, s6;
	s7 =	simm.s32 @p2 $0x1082  }
0x22: {  	[simem:s7], [sflag:s8] =	dma.local @!p0 [hbm:s6], $0xF7A  }
0x23: {  	s9 =	sor.u32 $0xD0000000, s2;
	s6 =	simm.s32 $0x108;
	_ =	swait.ge @!p0 [sflag:s8], $0x0  }
0x24: {  	s3 =	sadd.s32 $0x88, s3;
	s6 =	simm.s32 @!p1 $0x1082;
	[sflag:s4] =	ssyncset.s32 $0xFFFFF086  }
0x25: {  	[simem:s6], [sflag:s4] =	dma.local [hbm:s3], $0xF7A  }
0x26: {  	[smem:$0x3F9B] =	sst s1;
	(tag) =	ssettag s2;
	_ =	strace s9  }
0x27: {  	s1 =	sld [smem:$0x3FAB]  }
0x28: {  	s2 =	sld [smem:$0x3FAC]  }
0x29: {  	s4 =	sld [smem:$0x3FAE]  }
0x2a: {  	p0 =	seq.s32 s5, $0x0;
	s5 =	sld [smem:$0x3FAF]  }
0x2b: {  	s6 =	sld [smem:$0x3FB0]  }
0x2c: {  	s7 =	sld [smem:$0x3FB1]  }
0x2d: {  	s3 =	simm.s32 $0x108;
	s8 =	sld [smem:$0x3FB2]  }
0x2e: {  	s3 =	simm.s32 @!p0 $0x1082;
	s9 =	sld [smem:$0x3FB3]  }
0x2f: {  	lr =	sadd.s32 s0, s3;
	s0 =	sld [smem:$0x3FAA]  }
0x30: {  	s3 =	sld [smem:$0x3FAD]  }
0x31: {  	[smem:$0x3FB6] =	sst s10  }
0x32: {  	s10 =	sld [smem:$0x3FB4];
	_ =	sdelay $0x3  }
0x33: {  	p0 =	seq.s32 s10, $0x1;
	s10 =	sld [smem:$0x3FB6];
	_ =	sdelay $0x3  }
0x34: {  	[smem:$0x3FB6] =	sst s10  }
0x35: {  	s10 =	sld [smem:$0x3FB5];
	_ =	sdelay $0x3  }
0x36: {  	p1 =	seq.s32 s10, $0x1;
	s10 =	sld [smem:$0x3FB6];
	_ =	sdelay $0x3  }
0x37: {  	[smem:$0x3FB6] =	sst s10  }
0x38: {  	s10 =	sld [smem:$0x3FB7]  }
0x39: {  	_ = 	snop;
	(pc) =	sbr.ind lr, $3  }
0x3a: {  	_ = 	snop  }
0x3b: {  	_ = 	snop  }
0x3c: {  	p2 =	seq.s32 s10, $0x1;
	s10 =	sld [smem:$0x3FB6]  }
0x3d: {  	_ =	shalt  }
0x3e: {  	_ =	shalt  }
0x3f: {  	_ =	shalt  }
0x40: {  	_ =	shalt  }
0x41: {  	_ =	shalt  }
0x42: {  	_ =	shalt  }
0x43: {  	_ =	shalt  }
0x44: {  	_ =	shalt  }
0x45: {  	_ =	shalt  }
0x46: {  	_ =	shalt  }
0x47: {  	_ =	shalt  }
0x48: {  	_ =	shalt  }
0x49: {  	_ =	shalt  }
0x4a: {  	_ =	shalt  }
0x4b: {  	_ =	shalt  }
0x4c: {  	_ =	shalt  }
0x4d: {  	_ =	shalt  }
0x4e: {  	_ =	shalt  }
0x4f: {  	_ =	shalt  }
0x50: {  	_ =	shalt  }
0x51: {  	_ =	shalt  }
0x52: {  	_ =	shalt  }
0x53: {  	_ =	shalt  }
0x54: {  	_ =	shalt  }
0x55: {  	_ =	shalt  }
0x56: {  	_ =	shalt  }
0x57: {  	_ =	shalt  }
0x58: {  	_ =	shalt  }
0x59: {  	_ =	shalt  }
0x5a: {  	_ =	shalt  }
0x5b: {  	_ =	shalt  }
0x5c: {  	_ =	shalt  }
0x5d: {  	_ =	shalt  }
0x5e: {  	_ =	shalt  }
0x5f: {  	_ =	shalt  }
0x60: {  	_ =	shalt  }
0x61: {  	_ =	shalt  }
0x62: {  	_ =	shalt  }
0x63: {  	_ =	shalt  }
0x64: {  	_ =	shalt  }
0x65: {  	_ =	shalt  }
0x66: {  	_ =	shalt  }
0x67: {  	_ =	shalt  }
0x68: {  	_ =	shalt  }
0x69: {  	_ =	shalt  }
0x6a: {  	_ =	shalt  }
0x6b: {  	_ =	shalt  }
0x6c: {  	_ =	shalt  }
0x6d: {  	_ =	shalt  }
0x6e: {  	_ =	shalt  }
0x6f: {  	_ =	shalt  }
0x70: {  	_ =	shalt  }
0x71: {  	_ =	shalt  }
0x72: {  	_ =	shalt  }
0x73: {  	_ =	shalt  }
0x74: {  	_ =	shalt  }
0x75: {  	_ =	shalt  }
0x76: {  	_ =	shalt  }
0x77: {  	_ =	shalt  }
0x78: {  	_ =	shalt  }
0x79: {  	_ =	shalt  }
0x7a: {  	_ =	shalt  }
0x7b: {  	_ =	shalt  }
0x7c: {  	_ =	shalt  }
0x7d: {  	_ =	shalt  }
0x7e: {  	_ =	shalt  }
0x7f: {  	_ =	shalt  }
0x80: {  	_ =	shalt  }
0x81: {  	_ =	shalt  }
0x82: {  	_ =	shalt  }
0x83: {  	_ =	shalt  }
0x84: {  	_ =	shalt  }
0x85: {  	_ =	shalt  }
0x86: {  	_ =	shalt  }
0x87: {  	_ =	shalt  }
.Lfunc_end0:
.L_simem_size_0:
called_computation_lowered:
.L_overlay_start_0:
0x88: {  	s2 =	sld [smem:$0x3FD9]  }
0x89: {  	s3 =	sld [smem:$0x3FFE];
	_ =	sdelay $0x1  }
0x8a: {  	s1 =	srdreg.scid  }
0x8b: {  	s0 =	sand.u32 $0x1, s1  }
0x8c: {  	s16 =	sshll.u32 s0, $0xA;
	s2 =	sadd.s32 s3, s2  }
0x8d: {  	s2 =	sadd.s32 s2, s16  }
0x8e: {  	[smem:$0x3FC2] =	sst s2  }
0x8f: {  	_ = 	snop  }
0x90: {  	(tm) =	ssettm $0x1  }
0x91: {  	s17 =	sld [smem:$0x3FFB];
	_ =	sdelay $0x3  }
0x92: {  	_ =	strace s17  }
0x93: {  	s2 =	sld [smem:$0x3FFC];
	_ =	sdelay $0x3  }
0x94: {  	_ =	strace s2  }
0x95: {  	s2 =	sld [smem:$0x3FFD];
	_ =	sdelay $0x3  }
0x96: {  	_ =	strace s2  }
0x97: {  	_ =	strace $0x8FFFFFFF  }
0x98: {  	s18 =	sld [smem:$0x3FDB];
	_ =	sdelay $0x1  }
0x99: {  	s19 =	simm.s32 $_scs_section_size  }
0x9a: {  	s4 =	simm.s32 $_size__tile_overlayer_lowered;
	s5 =	simm.s32 $_tile_overlayer_lowered  }
0x9b: {  	s22 =	simm.s32 $0x1BFF;
	s21 =	sshll.u32 s5, $0x1;
	s2 =	sadd.s32 s19, s18  }
0x9c: {  	s6 =	simm.s32 $0x0;
	s20 =	sshll.u32 s4, $0x1;
	s4 =	sadd.s32 s21, s2  }
0x9d: {  	[timem:s6], [sflag:s22] =	dma.local [hbm:s4], s20  }
0x9e: {  	_ =	swait.ge [sflag:s22], s20  }
0x9f: {  	s3 =	ssub.s32 $0x0, s20;
	[sflag:s22] =	ssyncset.done $0x0  }
0xa0: {  	[sflag:s22] =	ssyncadd.s32 s3;
	_ =	sdelay $0x1  }
0xa1: {  	s23 =	simm.s32 $0x1B8B  }
0xa2: {  	_ =	swait.ge [sflag:s23], $0x1  }
0xa3: {  	[sflag:s23] =	ssyncset.done $0x0  }
0xa4: {  	s25 =	simm.s32 $0x1B8E;
	s24 =	sld [smem:$0x3FFE];
	[sflag:s23] =	ssyncadd.s32 $0xFFFFFFFF  }
0xa5: {  	s26 =	simm.s32 $execute0_lowered;
	[smem:$0x3FD2] =	sst s25  }
0xa6: {  	s4 =	sshll.u32 s26, $0x1;
	_ =	strace $0x80000046;
	[dreg:$0x1] =	wrdreg $0xFFFFFFFF  }
0xa7: {  	s28 =	simm.s32 $_size_execute0_lowered;
	s2 =	sadd.s32 s2, s4;
	[dreg:$0x0] =	wrdreg $0x0  }
0xa8: {  	s4 =	sshll.u32 s28, $0x1;
	[dreg:$0x2] =	wrdreg s2  }
0xa9: {  	[dreg:$0x3] =	wrdreg s4  }
0xaa: {  	[dreg:$0x4] =	wrdreg $0xC0  }
0xab: {  	_ =	task [dreg:s6], $0x5FFFF  }
0xac: {  	[dreg:$0x1] =	wrdreg $0xFFFFFFFF  }
0xad: {  	[dreg:$0x0] =	wrdreg $0x60  }
0xae: {  	[dreg:$0x2] =	wrdreg s24  }
0xaf: {  	[dreg:$0x3] =	wrdreg $0x34000  }
0xb0: {  	[dreg:$0x4] =	wrdreg $0x9  }
0xb1: {  	_ =	task.clear_ibuf [dreg:s6], $0x5FFFF;
	_ =	strace $0x90000046  }
0xb2: {  	s29 =	simm.s32 $0x9;
	_ =	strace $0x80000048  }
0xb3: {  	_ =	swait.ge [sflag:s29], $0x1  }
0xb4: {  	[sflag:s29] =	ssyncadd.s32 $0xFFFFFFFF  }
0xb5: {  	_ =	strace $0x90000048  }
0xb6: {  	_ =	sfence  }
0xb7: {  	s30 =	sld [smem:$0x0];
	_ =	sdelay $0x2  }
0xb8: {  	s31 =	sshll.u32 s1, $0xD;
	s1 =	sshrl.u32 s1, $0x2  }
0xb9: {  	s3 =	sand.u32 $0x4000, s31;
	s1 =	sadd.s32 s1, s30  }
0xba: {  	s0 =	sor.u32 s3, s0;
	s1 =	sshll.u32 s1, $0x11  }
0xbb: {  	s0 =	sor.u32 s1, s0  }
0xbc: {  	s0 =	sadd.s32 $0x8F2B, s0  }
0xbd: {  	[sflag:s0] =	ssyncadd.remote.s32 $0x1  }
0xbe: {  	_ =	sfence.sel $0xFFFF  }
0xbf: {  	[dreg:$0x0] =	wrdreg $0xFFFFFFFF;
	(pc) =	sbr.abs _section_cstart, $3  }
0xc0: {  	[dreg:$0x1] =	wrdreg $0xFFFFFFFF  }
0xc1: {  	_ =	task.clear_ibuf [dreg:s6], $0x2FFFF;
	_ =	strace $0x9FFFFFFF  }
0xc2: {  	(tm) =	ssettm $0x7FFFFFFF  }
0xc3: {  	_ =	shalt  }
tec
execute0_lowered:
.L_overlay_start_1:
0x0: {  	(tag) =	ssettag $0x1  }
0x1: {  	s0 =	srdreg.scid;
	s7 =	stileid.u32  }
0x2: {  	s2 =	rddreg [dreg:$0x0];
	s4 =	simm.s32 $0x0;
	s0 =	sand.u32 $0x1, s0  }
0x3: {  	[smem:$0x7FF] =	sst s4;
	s4 =	smul.u32 $0x2800, s7;
	s5 =	sadd.s32 $0x16000, s2  }
0x4: {  	s1 =	sshll.u32 s0, $0x4;
	s3 =	smul.u32 $0x28000, s0;
	s0 =	ssub.s32 $0x2, s0  }
0x5: {  	s15 =	smul.u32 $0xA000, s7;
	s1 =	sor.u32 s7, s1;
	s6 =	sshrl.u32 s0, $0x1  }
0x6: {  	s7 =	sor.u32 $0x400, s4;
	s8 =	sadd.s32 $0x800, s4;
	s10 =	sadd.s32 $0xC00, s4  }
0x7: {  	s11 =	sadd.s32 $0x1400, s4;
	s13 =	sadd.s32 $0x1800, s4;
	s1 =	smul.u32 $0x2800, s1  }
0x8: {  	s0 =	ssub.s32 s0, s6;
	s14 =	sadd.s32 s3, s4;
	s16 =	sadd.s32 s3, s7  }
0x9: {  	s9 =	sadd.s32 s3, s8;
	s18 =	sadd.s32 s3, s10;
	s12 =	sadd.s32 s3, s11  }
0xa: {  	s22 =	sadd.s32 s3, s13;
	s17 =	sshrl.u32 s9, $0x3;
	s19 =	sshrl.u32 s18, $0x3  }
0xb: {  	s9 =	sadd.s32 $0x1000, s4;
	s21 =	sshrl.u32 s12, $0x3;
	s23 =	sshrl.u32 s22, $0x3  }
0xc: {  	s12 =	rddreg [dreg:$0x1];
	s0 =	smax.u32 s0, $0x1;
	s1 =	sshrl.u32 s1, $0x3  }
0xd: {  	s20 =	sadd.s32 s3, s9;
	s6 =	sadd.s32 s4, s12;
	s18 =	sadd.s32 s7, s12  }
0xe: {  	s22 =	sadd.s32 s11, s12;
	s7 =	simm.s32 $0x2800;
	s1 =	sadd.s32 s2, s1  }
0xf: {  	s2 =	sshrl.u32 s14, $0x3;
	s14 =	sadd.s32 $0x1C00, s4;
	s18 =	sshrl.u32 s18, $0x3  }
0x10: {  	s22 =	sshrl.u32 s22, $0x3;
	s2 =	sadd.s32 s5, s2;
	s24 =	sadd.s32 s3, s14  }
0x11: {  	[dreg:$0x3] =	wrdreg s2;
	s2 =	sshrl.u32 s16, $0x3;
	s16 =	sadd.s32 $0x2000, s4  }
0x12: {  	s1 =	sadd.s32 $0xC000, s1;
	s2 =	sadd.s32 s5, s2;
	s25 =	sadd.s32 s3, s16  }
0x13: {  	[dreg:$0x4] =	wrdreg s2;
	s2 =	sadd.s32 s5, s17;
	s17 =	sadd.s32 $0x2400, s4  }
0x14: {  	s26 =	sshrl.u32 s25, $0x3;
	s25 =	sadd.s32 s16, s12;
	s4 =	simm.s32 $0x2  }
0x15: {  	[dreg:$0x5] =	wrdreg s2;
	s2 =	sadd.s32 s5, s19;
	s3 =	sadd.s32 s3, s17  }
0x16: {  	s19 =	sadd.s32 s8, s12;
	s25 =	sshrl.u32 s25, $0x3;
	s8 =	simm.s32 $0x1  }
0x17: {  	[dreg:$0x6] =	wrdreg s2;
	s2 =	sshrl.u32 s20, $0x3;
	s3 =	sshrl.u32 s3, $0x3  }
0x18: {  	s20 =	sadd.s32 s10, s12;
	s19 =	sshrl.u32 s19, $0x3;
	s2 =	sadd.s32 s5, s2  }
0x19: {  	s20 =	sshrl.u32 s20, $0x3;
	[dreg:$0x7] =	wrdreg s2;
	s2 =	sadd.s32 s5, s21  }
0x1a: {  	s21 =	sadd.s32 s9, s12;
	s9 =	simm.s32 $0x0;
	[dreg:$0x8] =	wrdreg s2  }
0x1b: {  	s2 =	sadd.s32 s5, s23;
	s23 =	sadd.s32 s13, s12;
	s21 =	sshrl.u32 s21, $0x3  }
0x1c: {  	[dreg:$0x9] =	wrdreg s2;
	s2 =	sshrl.u32 s24, $0x3;
	s24 =	sadd.s32 s14, s12  }
0x1d: {  	s23 =	sshrl.u32 s23, $0x3;
	s2 =	sadd.s32 s5, s2;
	s24 =	sshrl.u32 s24, $0x3  }
0x1e: {  	[dreg:$0xa] =	wrdreg s2;
	s2 =	sadd.s32 s5, s26;
	s26 =	sadd.s32 s17, s12  }
0x1f: {  	s17 =	sshrl.u32 s6, $0x3;
	[dreg:$0xb] =	wrdreg s2;
	s2 =	sadd.s32 s5, s3  }
0x20: {  	s6 =	simm.s32 $0x80;
	s5 =	sshrl.u32 s15, $0x2;
	[dreg:$0xc] =	wrdreg s2  }
0x21: {  	s26 =	sshrl.u32 s26, $0x3;
	_ =	strace $0x80000047;
	[dreg:$0xd] =	wrdreg s1  }
0x22: {  	s15 =	sadd.s32 s5, s12;
	s5 =	simm.s32 $0x3000;
	[dreg:$0xe] =	wrdreg s0  }
0x23: {  	s28 =	sadd.s32 $0x400, s15;
	s29 =	sadd.s32 $0x800, s15;
	s30 =	sadd.s32 $0xC00, s15  }
0x24: {  	s31 =	sadd.s32 $0x1000, s15;
	s10 =	sadd.s32 $0x1400, s15;
	s1 =	sadd.s32 $0x1800, s15  }
0x25: {  	v0 =	vimm.f32 $1.000000000e+00;
	v1 =	vimm.f32 $0.0e+00;
	s0 =	sadd.s32 $0x1C00, s15;
	s2 =	sadd.s32 $0x2000, s15;
	s3 =	sadd.s32 $0x2400, s15  }
.LBB2_1:
0x26: {  	s11 =	simm.s32 $0x0;
	s13 =	rddreg [dreg:$0xd]  }
0x27: {  	[tilespmem:s11], [sflag:$0x2] =	stream.linear.gather [hbm4b:s13+s11], $0x2800, $0x38;
	[tilespmem:$0x5C00] =	vst v63  }
0x28: {  	_ =	swait.ge [sflag:s4], $0x2800  }
0x29: {  	[sflag:s4] =	ssyncset.done $0x0  }
0x2a: {  	s11 =	simm.s32 $0x0;
	[sflag:s4] =	ssyncadd.s32 $0xFFFFD800  }
.LBB2_2:
0x2b: {  	p0 =	sne.s32 s11, $0x1FC0  }
.Ltmp0:
0x2c: {  	_ = 	snop;
	(pc) =	sbr.rel @p0 .LBB2_2-.Ltmp0, $3  }
0x2d: {  	_ =	sdelay $0x1  }
0x2e: {  	s13 =	sshra.s32 s11, $0x2  }
0x2f: {  	s11 =	sadd.s32 $0x40, s11;
	[tilespmem:s13+$0x2800] =	vst v0  }
0x30: {  	s11 =	simm.s32 $0x40;
	s13 =	simm.s32 $0x0  }
.LBB2_4:
0x31: {  	p0 =	sne.s32 s11, $0xFC0;
	[tilespmem:s13+$0x3000] =	vst v1;
	s13 =	smov.u32 s11;
	s11 =	sadd.s32 $0x40, s11  }
.Ltmp1:
0x32: {  	(pc) =	sbr.rel @p0 .LBB2_4-.Ltmp1, $2  }
0x33: {  	_ =	sdelay $0x2  }
0x34: {  	s13 =	sshra.s32 s13, $0x2  }
0x35: {  	[tilespmem:s13+$0x3000] =	vst v1  }
0x36: {  	[spmem:s15] =	stream.linear.scatter [tilespmem:s5], [sflag:$0x2], $0x400, $0x38;
	[tilespmem:$0x5C00] =	vst v63  }
0x37: {  	_ =	swait.ge [sflag:s4], $0x400  }
0x38: {  	[sflag:s4] =	ssyncset.done $0x0  }
0x39: {  	[sflag:s4] =	ssyncadd.s32 $0xFFFFFC00  }
0x3a: {  	[spmem:s28] =	stream.linear.scatter [tilespmem:s5], [sflag:$0x2], $0x400, $0x38;
	[tilespmem:$0x5C00] =	vst v63  }
0x3b: {  	_ =	swait.ge [sflag:s4], $0x400  }
0x3c: {  	[sflag:s4] =	ssyncset.done $0x0  }
0x3d: {  	[sflag:s4] =	ssyncadd.s32 $0xFFFFFC00  }
0x3e: {  	[spmem:s29] =	stream.linear.scatter [tilespmem:s5], [sflag:$0x2], $0x400, $0x38;
	[tilespmem:$0x5C00] =	vst v63  }
0x3f: {  	_ =	swait.ge [sflag:s4], $0x400  }
0x40: {  	[sflag:s4] =	ssyncset.done $0x0  }
0x41: {  	[sflag:s4] =	ssyncadd.s32 $0xFFFFFC00  }
0x42: {  	[spmem:s30] =	stream.linear.scatter [tilespmem:s5], [sflag:$0x2], $0x400, $0x38;
	[tilespmem:$0x5C00] =	vst v63  }
0x43: {  	_ =	swait.ge [sflag:s4], $0x400  }
0x44: {  	[sflag:s4] =	ssyncset.done $0x0  }
0x45: {  	[sflag:s4] =	ssyncadd.s32 $0xFFFFFC00  }
0x46: {  	[spmem:s31] =	stream.linear.scatter [tilespmem:s5], [sflag:$0x2], $0x400, $0x38;
	[tilespmem:$0x5C00] =	vst v63  }
0x47: {  	_ =	swait.ge [sflag:s4], $0x400  }
0x48: {  	[sflag:s4] =	ssyncset.done $0x0  }
0x49: {  	[sflag:s4] =	ssyncadd.s32 $0xFFFFFC00  }
0x4a: {  	[spmem:s10] =	stream.linear.scatter [tilespmem:s5], [sflag:$0x2], $0x400, $0x38;
	[tilespmem:$0x5C00] =	vst v63  }
0x4b: {  	_ =	swait.ge [sflag:s4], $0x400  }
0x4c: {  	[sflag:s4] =	ssyncset.done $0x0  }
0x4d: {  	[sflag:s4] =	ssyncadd.s32 $0xFFFFFC00  }
0x4e: {  	[spmem:s1] =	stream.linear.scatter [tilespmem:s5], [sflag:$0x2], $0x400, $0x38;
	[tilespmem:$0x5C00] =	vst v63  }
0x4f: {  	_ =	swait.ge [sflag:s4], $0x400  }
0x50: {  	[sflag:s4] =	ssyncset.done $0x0  }
0x51: {  	[sflag:s4] =	ssyncadd.s32 $0xFFFFFC00  }
0x52: {  	[spmem:s0] =	stream.linear.scatter [tilespmem:s5], [sflag:$0x2], $0x400, $0x38;
	[tilespmem:$0x5C00] =	vst v63  }
0x53: {  	_ =	swait.ge [sflag:s4], $0x400  }
0x54: {  	[sflag:s4] =	ssyncset.done $0x0  }
0x55: {  	[sflag:s4] =	ssyncadd.s32 $0xFFFFFC00  }
0x56: {  	[spmem:s2] =	stream.linear.scatter [tilespmem:s5], [sflag:$0x2], $0x400, $0x38;
	[tilespmem:$0x5C00] =	vst v63  }
0x57: {  	_ =	swait.ge [sflag:s4], $0x400  }
0x58: {  	[sflag:s4] =	ssyncset.done $0x0  }
0x59: {  	[sflag:s4] =	ssyncadd.s32 $0xFFFFFC00  }
0x5a: {  	[spmem:s3] =	stream.linear.scatter [tilespmem:s5], [sflag:$0x2], $0x400, $0x38;
	[tilespmem:$0x5C00] =	vst v63  }
0x5b: {  	_ =	swait.ge [sflag:s4], $0x400  }
0x5c: {  	[sflag:s4] =	ssyncset.done $0x0  }
0x5d: {  	[sflag:s4] =	ssyncadd.s32 $0xFFFFFC00  }
0x5e: {  	s11 =	simm.s32 $0x0;
	[bflag:$0x0] =	sbarrier.arrive $0xFFFF  }
0x5f: {  	[spmem:s12] =	stream.indirect.scatter.add.f32 [tilespmem:s7], [sflag:$0x1], $0x10, s11, s6, $0xb8;
	[tilespmem:$0x5C00] =	vst v63  }
0x60: {  	s13 =	simm.s32 $0x80  }
0x61: {  	[spmem:s12] =	stream.indirect.scatter.add.f32 [tilespmem:s7], [sflag:$0x1], $0x10, s13, s6, $0xb8;
	[tilespmem:$0x5C00] =	vst v63  }
0x62: {  	s14 =	simm.s32 $0x100  }
0x63: {  	[spmem:s12] =	stream.indirect.scatter.add.f32 [tilespmem:s7], [sflag:$0x1], $0x10, s14, s6, $0xb8;
	[tilespmem:$0x5C00] =	vst v63  }
0x64: {  	s16 =	simm.s32 $0x180  }
0x65: {  	[spmem:s12] =	stream.indirect.scatter.add.f32 [tilespmem:s7], [sflag:$0x1], $0x10, s16, s6, $0xb8;
	[tilespmem:$0x5C00] =	vst v63  }
0x66: {  	s13 =	simm.s32 $0x200  }
0x67: {  	[spmem:s12] =	stream.indirect.scatter.add.f32 [tilespmem:s7], [sflag:$0x1], $0x10, s13, s6, $0xb8;
	[tilespmem:$0x5C00] =	vst v63  }
0x68: {  	s14 =	simm.s32 $0x280  }
0x69: {  	[spmem:s12] =	stream.indirect.scatter.add.f32 [tilespmem:s7], [sflag:$0x1], $0x10, s14, s6, $0xb8;
	[tilespmem:$0x5C00] =	vst v63  }
0x6a: {  	s16 =	simm.s32 $0x300  }
0x6b: {  	[spmem:s12] =	stream.indirect.scatter.add.f32 [tilespmem:s7], [sflag:$0x1], $0x10, s16, s6, $0xb8;
	[tilespmem:$0x5C00] =	vst v63  }
0x6c: {  	s13 =	simm.s32 $0x380  }
0x6d: {  	[spmem:s12] =	stream.indirect.scatter.add.f32 [tilespmem:s7], [sflag:$0x1], $0x10, s13, s6, $0xb8;
	[tilespmem:$0x5C00] =	vst v63  }
0x6e: {  	s14 =	simm.s32 $0x400  }
0x6f: {  	[spmem:s12] =	stream.indirect.scatter.add.f32 [tilespmem:s7], [sflag:$0x1], $0x10, s14, s6, $0xb8;
	[tilespmem:$0x5C00] =	vst v63  }
0x70: {  	s16 =	simm.s32 $0x480  }
0x71: {  	[spmem:s12] =	stream.indirect.scatter.add.f32 [tilespmem:s7], [sflag:$0x1], $0x10, s16, s6, $0xb8;
	[tilespmem:$0x5C00] =	vst v63  }
0x72: {  	s13 =	simm.s32 $0x500  }
0x73: {  	[spmem:s12] =	stream.indirect.scatter.add.f32 [tilespmem:s7], [sflag:$0x1], $0x10, s13, s6, $0xb8;
	[tilespmem:$0x5C00] =	vst v63  }
0x74: {  	s14 =	simm.s32 $0x580  }
0x75: {  	[spmem:s12] =	stream.indirect.scatter.add.f32 [tilespmem:s7], [sflag:$0x1], $0x10, s14, s6, $0xb8;
	[tilespmem:$0x5C00] =	vst v63  }
0x76: {  	s16 =	simm.s32 $0x600  }
0x77: {  	[spmem:s12] =	stream.indirect.scatter.add.f32 [tilespmem:s7], [sflag:$0x1], $0x10, s16, s6, $0xb8;
	[tilespmem:$0x5C00] =	vst v63  }
0x78: {  	s13 =	simm.s32 $0x680  }
0x79: {  	[spmem:s12] =	stream.indirect.scatter.add.f32 [tilespmem:s7], [sflag:$0x1], $0x10, s13, s6, $0xb8;
	[tilespmem:$0x5C00] =	vst v63  }
0x7a: {  	s14 =	simm.s32 $0x700  }
0x7b: {  	[spmem:s12] =	stream.indirect.scatter.add.f32 [tilespmem:s7], [sflag:$0x1], $0x10, s14, s6, $0xb8;
	[tilespmem:$0x5C00] =	vst v63  }
0x7c: {  	s16 =	simm.s32 $0x780  }
0x7d: {  	[spmem:s12] =	stream.indirect.scatter.add.f32 [tilespmem:s7], [sflag:$0x1], $0x10, s16, s6, $0xb8;
	[tilespmem:$0x5C00] =	vst v63  }
0x7e: {  	_ =	swait.ge [sflag:s8], $0x800  }
0x7f: {  	[sflag:s8] =	ssyncset.done $0x0  }
0x80: {  	[sflag:s8] =	ssyncadd.s32 $0xFFFFF800  }
0x81: {  	_ =	swait.ge [sflag:s8], $0x800  }
0x82: {  	[sflag:s8] =	ssyncset.done $0x0  }
0x83: {  	[sflag:s8] =	ssyncadd.s32 $0xFFFFF800  }
0x84: {  	_ =	swait.ge [sflag:s8], $0x800  }
0x85: {  	[sflag:s8] =	ssyncset.done $0x0  }
0x86: {  	[sflag:s8] =	ssyncadd.s32 $0xFFFFF800  }
0x87: {  	_ =	swait.ge [sflag:s8], $0x800  }
0x88: {  	[sflag:s8] =	ssyncset.done $0x0  }
0x89: {  	[sflag:s8] =	ssyncadd.s32 $0xFFFFF800  }
0x8a: {  	_ =	swait.ge [sflag:s8], $0x800  }
0x8b: {  	[sflag:s8] =	ssyncset.done $0x0  }
0x8c: {  	[sflag:s8] =	ssyncadd.s32 $0xFFFFF800  }
0x8d: {  	_ =	swait.ge [sflag:s8], $0x800  }
0x8e: {  	[sflag:s8] =	ssyncset.done $0x0  }
0x8f: {  	[sflag:s8] =	ssyncadd.s32 $0xFFFFF800  }
0x90: {  	_ =	swait.ge [sflag:s8], $0x800  }
0x91: {  	[sflag:s8] =	ssyncset.done $0x0  }
0x92: {  	[sflag:s8] =	ssyncadd.s32 $0xFFFFF800  }
0x93: {  	_ =	swait.ge [sflag:s8], $0x800  }
0x94: {  	[sflag:s8] =	ssyncset.done $0x0  }
0x95: {  	[sflag:s8] =	ssyncadd.s32 $0xFFFFF800  }
0x96: {  	_ =	swait.ge [sflag:s8], $0x800  }
0x97: {  	[sflag:s8] =	ssyncset.done $0x0  }
0x98: {  	[sflag:s8] =	ssyncadd.s32 $0xFFFFF800  }
0x99: {  	_ =	swait.ge [sflag:s8], $0x800  }
0x9a: {  	[sflag:s8] =	ssyncset.done $0x0  }
0x9b: {  	[sflag:s8] =	ssyncadd.s32 $0xFFFFF800  }
0x9c: {  	_ =	swait.ge [sflag:s8], $0x800  }
0x9d: {  	[sflag:s8] =	ssyncset.done $0x0  }
0x9e: {  	[sflag:s8] =	ssyncadd.s32 $0xFFFFF800  }
0x9f: {  	_ =	swait.ge [sflag:s8], $0x800  }
0xa0: {  	[sflag:s8] =	ssyncset.done $0x0  }
0xa1: {  	[sflag:s8] =	ssyncadd.s32 $0xFFFFF800  }
0xa2: {  	_ =	swait.ge [sflag:s8], $0x800  }
0xa3: {  	[sflag:s8] =	ssyncset.done $0x0  }
0xa4: {  	[sflag:s8] =	ssyncadd.s32 $0xFFFFF800  }
0xa5: {  	_ =	swait.ge [sflag:s8], $0x800  }
0xa6: {  	[sflag:s8] =	ssyncset.done $0x0  }
0xa7: {  	[sflag:s8] =	ssyncadd.s32 $0xFFFFF800  }
0xa8: {  	_ =	swait.ge [sflag:s8], $0x800  }
0xa9: {  	[sflag:s8] =	ssyncset.done $0x0  }
0xaa: {  	[sflag:s8] =	ssyncadd.s32 $0xFFFFF800  }
0xab: {  	_ =	swait.ge [sflag:s8], $0x800  }
0xac: {  	s11 =	simm.s32 $0x2000;
	s13 =	simm.s32 $0x4000;
	[sflag:s8] =	ssyncset.done $0x0  }
.LBB2_6:
0xad: {  	s14 =	sshra.s32 s11, $0x2  }
0xae: {  	[sflag:s8] =	ssyncadd.s32 $0xFFFFF800;
	s11 =	smov.u32 s13;
	s16 =	sadd.s32 $0x2000, s13  }
0xaf: {  	[spmem:s12] =	stream.indirect.scatter.add.f32 [tilespmem:s7], [sflag:$0x1], $0x10, s14, s6, $0xb8;
	[tilespmem:$0x5C00] =	vst v63  }
0xb0: {  	p0 =	sne.s32 s13, $0x8000;
	s13 =	sadd.s32 $0x80, s14  }
0xb1: {  	[spmem:s12] =	stream.indirect.scatter.add.f32 [tilespmem:s7], [sflag:$0x1], $0x10, s13, s6, $0xb8;
	[tilespmem:$0x5C00] =	vst v63  }
0xb2: {  	s13 =	sadd.s32 $0x100, s14  }
0xb3: {  	[spmem:s12] =	stream.indirect.scatter.add.f32 [tilespmem:s7], [sflag:$0x1], $0x10, s13, s6, $0xb8;
	[tilespmem:$0x5C00] =	vst v63  }
0xb4: {  	s13 =	sadd.s32 $0x180, s14  }
0xb5: {  	[spmem:s12] =	stream.indirect.scatter.add.f32 [tilespmem:s7], [sflag:$0x1], $0x10, s13, s6, $0xb8;
	[tilespmem:$0x5C00] =	vst v63  }
0xb6: {  	s13 =	sadd.s32 $0x200, s14  }
0xb7: {  	[spmem:s12] =	stream.indirect.scatter.add.f32 [tilespmem:s7], [sflag:$0x1], $0x10, s13, s6, $0xb8;
	[tilespmem:$0x5C00] =	vst v63  }
0xb8: {  	s13 =	sadd.s32 $0x280, s14  }
0xb9: {  	[spmem:s12] =	stream.indirect.scatter.add.f32 [tilespmem:s7], [sflag:$0x1], $0x10, s13, s6, $0xb8;
	[tilespmem:$0x5C00] =	vst v63  }
0xba: {  	s13 =	sadd.s32 $0x300, s14  }
0xbb: {  	[spmem:s12] =	stream.indirect.scatter.add.f32 [tilespmem:s7], [sflag:$0x1], $0x10, s13, s6, $0xb8;
	[tilespmem:$0x5C00] =	vst v63  }
0xbc: {  	s13 =	sadd.s32 $0x380, s14  }
0xbd: {  	[spmem:s12] =	stream.indirect.scatter.add.f32 [tilespmem:s7], [sflag:$0x1], $0x10, s13, s6, $0xb8;
	[tilespmem:$0x5C00] =	vst v63  }
0xbe: {  	s13 =	sadd.s32 $0x400, s14  }
0xbf: {  	[spmem:s12] =	stream.indirect.scatter.add.f32 [tilespmem:s7], [sflag:$0x1], $0x10, s13, s6, $0xb8;
	[tilespmem:$0x5C00] =	vst v63  }
0xc0: {  	s13 =	sadd.s32 $0x480, s14  }
0xc1: {  	[spmem:s12] =	stream.indirect.scatter.add.f32 [tilespmem:s7], [sflag:$0x1], $0x10, s13, s6, $0xb8;
	[tilespmem:$0x5C00] =	vst v63  }
0xc2: {  	s13 =	sadd.s32 $0x500, s14  }
0xc3: {  	[spmem:s12] =	stream.indirect.scatter.add.f32 [tilespmem:s7], [sflag:$0x1], $0x10, s13, s6, $0xb8;
	[tilespmem:$0x5C00] =	vst v63  }
0xc4: {  	s13 =	sadd.s32 $0x580, s14  }
0xc5: {  	[spmem:s12] =	stream.indirect.scatter.add.f32 [tilespmem:s7], [sflag:$0x1], $0x10, s13, s6, $0xb8;
	[tilespmem:$0x5C00] =	vst v63  }
0xc6: {  	s13 =	sadd.s32 $0x600, s14  }
0xc7: {  	[spmem:s12] =	stream.indirect.scatter.add.f32 [tilespmem:s7], [sflag:$0x1], $0x10, s13, s6, $0xb8;
	[tilespmem:$0x5C00] =	vst v63  }
0xc8: {  	s13 =	sadd.s32 $0x680, s14  }
0xc9: {  	[spmem:s12] =	stream.indirect.scatter.add.f32 [tilespmem:s7], [sflag:$0x1], $0x10, s13, s6, $0xb8;
	[tilespmem:$0x5C00] =	vst v63  }
0xca: {  	s13 =	sadd.s32 $0x700, s14  }
0xcb: {  	[spmem:s12] =	stream.indirect.scatter.add.f32 [tilespmem:s7], [sflag:$0x1], $0x10, s13, s6, $0xb8;
	[tilespmem:$0x5C00] =	vst v63  }
0xcc: {  	s13 =	sadd.s32 $0x780, s14  }
0xcd: {  	[spmem:s12] =	stream.indirect.scatter.add.f32 [tilespmem:s7], [sflag:$0x1], $0x10, s13, s6, $0xb8;
	[tilespmem:$0x5C00] =	vst v63  }
0xce: {  	_ =	swait.ge [sflag:s8], $0x800  }
0xcf: {  	[sflag:s8] =	ssyncset.done $0x0  }
0xd0: {  	[sflag:s8] =	ssyncadd.s32 $0xFFFFF800  }
0xd1: {  	_ =	swait.ge [sflag:s8], $0x800  }
0xd2: {  	[sflag:s8] =	ssyncset.done $0x0  }
0xd3: {  	[sflag:s8] =	ssyncadd.s32 $0xFFFFF800  }
0xd4: {  	_ =	swait.ge [sflag:s8], $0x800  }
0xd5: {  	[sflag:s8] =	ssyncset.done $0x0  }
0xd6: {  	[sflag:s8] =	ssyncadd.s32 $0xFFFFF800  }
0xd7: {  	_ =	swait.ge [sflag:s8], $0x800  }
0xd8: {  	[sflag:s8] =	ssyncset.done $0x0  }
0xd9: {  	[sflag:s8] =	ssyncadd.s32 $0xFFFFF800  }
0xda: {  	_ =	swait.ge [sflag:s8], $0x800  }
0xdb: {  	[sflag:s8] =	ssyncset.done $0x0  }
0xdc: {  	[sflag:s8] =	ssyncadd.s32 $0xFFFFF800  }
0xdd: {  	_ =	swait.ge [sflag:s8], $0x800  }
0xde: {  	[sflag:s8] =	ssyncset.done $0x0  }
0xdf: {  	[sflag:s8] =	ssyncadd.s32 $0xFFFFF800  }
0xe0: {  	_ =	swait.ge [sflag:s8], $0x800  }
0xe1: {  	[sflag:s8] =	ssyncset.done $0x0  }
0xe2: {  	[sflag:s8] =	ssyncadd.s32 $0xFFFFF800  }
0xe3: {  	_ =	swait.ge [sflag:s8], $0x800  }
0xe4: {  	[sflag:s8] =	ssyncset.done $0x0  }
0xe5: {  	[sflag:s8] =	ssyncadd.s32 $0xFFFFF800  }
0xe6: {  	_ =	swait.ge [sflag:s8], $0x800  }
0xe7: {  	[sflag:s8] =	ssyncset.done $0x0  }
0xe8: {  	[sflag:s8] =	ssyncadd.s32 $0xFFFFF800  }
0xe9: {  	_ =	swait.ge [sflag:s8], $0x800  }
0xea: {  	[sflag:s8] =	ssyncset.done $0x0  }
0xeb: {  	[sflag:s8] =	ssyncadd.s32 $0xFFFFF800  }
0xec: {  	_ =	swait.ge [sflag:s8], $0x800  }
0xed: {  	[sflag:s8] =	ssyncset.done $0x0  }
0xee: {  	[sflag:s8] =	ssyncadd.s32 $0xFFFFF800  }
0xef: {  	_ =	swait.ge [sflag:s8], $0x800  }
0xf0: {  	[sflag:s8] =	ssyncset.done $0x0  }
0xf1: {  	[sflag:s8] =	ssyncadd.s32 $0xFFFFF800  }
0xf2: {  	_ =	swait.ge [sflag:s8], $0x800  }
0xf3: {  	[sflag:s8] =	ssyncset.done $0x0  }
0xf4: {  	[sflag:s8] =	ssyncadd.s32 $0xFFFFF800  }
0xf5: {  	_ =	swait.ge [sflag:s8], $0x800  }
0xf6: {  	[sflag:s8] =	ssyncset.done $0x0  }
0xf7: {  	[sflag:s8] =	ssyncadd.s32 $0xFFFFF800  }
.Ltmp2:
0xf8: {  	_ =	swait.ge [sflag:s8], $0x800;
	(pc) =	sbr.rel @p0 .LBB2_6-.Ltmp2, $4  }
0xf9: {  	[sflag:s8] =	ssyncset.done $0x0  }
0xfa: {  	[sflag:s8] =	ssyncadd.s32 $0xFFFFF800  }
0xfb: {  	_ =	swait.ge [sflag:s8], $0x800  }
0xfc: {  	s13 =	smov.u32 s16;
	[sflag:s8] =	ssyncset.done $0x0  }
0xfd: {  	s11 =	sshra.s32 s11, $0x2;
	[sflag:s8] =	ssyncadd.s32 $0xFFFFF800  }
0xfe: {  	[spmem:s12] =	stream.indirect.scatter.add.f32 [tilespmem:s7], [sflag:$0x1], $0x10, s11, s6, $0xb8;
	[tilespmem:$0x5C00] =	vst v63  }
0xff: {  	s13 =	sadd.s32 $0x80, s11  }
0x100: {  	[spmem:s12] =	stream.indirect.scatter.add.f32 [tilespmem:s7], [sflag:$0x1], $0x10, s13, s6, $0xb8;
	[tilespmem:$0x5C00] =	vst v63  }
0x101: {  	s16 =	sadd.s32 $0x100, s11  }
0x102: {  	[spmem:s12] =	stream.indirect.scatter.add.f32 [tilespmem:s7], [sflag:$0x1], $0x10, s16, s6, $0xb8;
	[tilespmem:$0x5C00] =	vst v63  }
0x103: {  	s14 =	sadd.s32 $0x180, s11  }
0x104: {  	[spmem:s12] =	stream.indirect.scatter.add.f32 [tilespmem:s7], [sflag:$0x1], $0x10, s14, s6, $0xb8;
	[tilespmem:$0x5C00] =	vst v63  }
0x105: {  	s16 =	sadd.s32 $0x200, s11  }
0x106: {  	[spmem:s12] =	stream.indirect.scatter.add.f32 [tilespmem:s7], [sflag:$0x1], $0x10, s16, s6, $0xb8;
	[tilespmem:$0x5C00] =	vst v63  }
0x107: {  	s14 =	sadd.s32 $0x280, s11  }
0x108: {  	[spmem:s12] =	stream.indirect.scatter.add.f32 [tilespmem:s7], [sflag:$0x1], $0x10, s14, s6, $0xb8;
	[tilespmem:$0x5C00] =	vst v63  }
0x109: {  	s16 =	sadd.s32 $0x300, s11  }
0x10a: {  	[spmem:s12] =	stream.indirect.scatter.add.f32 [tilespmem:s7], [sflag:$0x1], $0x10, s16, s6, $0xb8;
	[tilespmem:$0x5C00] =	vst v63  }
0x10b: {  	s14 =	sadd.s32 $0x380, s11  }
0x10c: {  	[spmem:s12] =	stream.indirect.scatter.add.f32 [tilespmem:s7], [sflag:$0x1], $0x10, s14, s6, $0xb8;
	[tilespmem:$0x5C00] =	vst v63  }
0x10d: {  	s16 =	sadd.s32 $0x400, s11  }
0x10e: {  	[spmem:s12] =	stream.indirect.scatter.add.f32 [tilespmem:s7], [sflag:$0x1], $0x10, s16, s6, $0xb8;
	[tilespmem:$0x5C00] =	vst v63  }
0x10f: {  	s14 =	sadd.s32 $0x480, s11  }
0x110: {  	[spmem:s12] =	stream.indirect.scatter.add.f32 [tilespmem:s7], [sflag:$0x1], $0x10, s14, s6, $0xb8;
	[tilespmem:$0x5C00] =	vst v63  }
0x111: {  	s16 =	sadd.s32 $0x500, s11  }
0x112: {  	[spmem:s12] =	stream.indirect.scatter.add.f32 [tilespmem:s7], [sflag:$0x1], $0x10, s16, s6, $0xb8;
	[tilespmem:$0x5C00] =	vst v63  }
0x113: {  	s14 =	sadd.s32 $0x580, s11  }
0x114: {  	[spmem:s12] =	stream.indirect.scatter.add.f32 [tilespmem:s7], [sflag:$0x1], $0x10, s14, s6, $0xb8;
	[tilespmem:$0x5C00] =	vst v63  }
0x115: {  	s16 =	sadd.s32 $0x600, s11  }
0x116: {  	[spmem:s12] =	stream.indirect.scatter.add.f32 [tilespmem:s7], [sflag:$0x1], $0x10, s16, s6, $0xb8;
	[tilespmem:$0x5C00] =	vst v63  }
0x117: {  	s14 =	sadd.s32 $0x680, s11  }
0x118: {  	[spmem:s12] =	stream.indirect.scatter.add.f32 [tilespmem:s7], [sflag:$0x1], $0x10, s14, s6, $0xb8;
	[tilespmem:$0x5C00] =	vst v63  }
0x119: {  	s16 =	sadd.s32 $0x700, s11  }
0x11a: {  	[spmem:s12] =	stream.indirect.scatter.add.f32 [tilespmem:s7], [sflag:$0x1], $0x10, s16, s6, $0xb8;
	[tilespmem:$0x5C00] =	vst v63  }
0x11b: {  	s11 =	sadd.s32 $0x780, s11  }
0x11c: {  	[spmem:s12] =	stream.indirect.scatter.add.f32 [tilespmem:s7], [sflag:$0x1], $0x10, s11, s6, $0xb8;
	[tilespmem:$0x5C00] =	vst v63  }
0x11d: {  	_ =	swait.ge [sflag:s8], $0x800  }
0x11e: {  	[sflag:s8] =	ssyncset.done $0x0  }
0x11f: {  	[sflag:s8] =	ssyncadd.s32 $0xFFFFF800  }
0x120: {  	_ =	swait.ge [sflag:s8], $0x800  }
0x121: {  	[sflag:s8] =	ssyncset.done $0x0  }
0x122: {  	[sflag:s8] =	ssyncadd.s32 $0xFFFFF800  }
0x123: {  	_ =	swait.ge [sflag:s8], $0x800  }
0x124: {  	[sflag:s8] =	ssyncset.done $0x0  }
0x125: {  	[sflag:s8] =	ssyncadd.s32 $0xFFFFF800  }
0x126: {  	_ =	swait.ge [sflag:s8], $0x800  }
0x127: {  	[sflag:s8] =	ssyncset.done $0x0  }
0x128: {  	[sflag:s8] =	ssyncadd.s32 $0xFFFFF800  }
0x129: {  	_ =	swait.ge [sflag:s8], $0x800  }
0x12a: {  	[sflag:s8] =	ssyncset.done $0x0  }
0x12b: {  	[sflag:s8] =	ssyncadd.s32 $0xFFFFF800  }
0x12c: {  	_ =	swait.ge [sflag:s8], $0x800  }
0x12d: {  	[sflag:s8] =	ssyncset.done $0x0  }
0x12e: {  	[sflag:s8] =	ssyncadd.s32 $0xFFFFF800  }
0x12f: {  	_ =	swait.ge [sflag:s8], $0x800  }
0x130: {  	[sflag:s8] =	ssyncset.done $0x0  }
0x131: {  	[sflag:s8] =	ssyncadd.s32 $0xFFFFF800  }
0x132: {  	_ =	swait.ge [sflag:s8], $0x800  }
0x133: {  	[sflag:s8] =	ssyncset.done $0x0  }
0x134: {  	[sflag:s8] =	ssyncadd.s32 $0xFFFFF800  }
0x135: {  	_ =	swait.ge [sflag:s8], $0x800  }
0x136: {  	[sflag:s8] =	ssyncset.done $0x0  }
0x137: {  	[sflag:s8] =	ssyncadd.s32 $0xFFFFF800  }
0x138: {  	_ =	swait.ge [sflag:s8], $0x800  }
0x139: {  	[sflag:s8] =	ssyncset.done $0x0  }
0x13a: {  	[sflag:s8] =	ssyncadd.s32 $0xFFFFF800  }
0x13b: {  	_ =	swait.ge [sflag:s8], $0x800  }
0x13c: {  	[sflag:s8] =	ssyncset.done $0x0  }
0x13d: {  	[sflag:s8] =	ssyncadd.s32 $0xFFFFF800  }
0x13e: {  	_ =	swait.ge [sflag:s8], $0x800  }
0x13f: {  	[sflag:s8] =	ssyncset.done $0x0  }
0x140: {  	[sflag:s8] =	ssyncadd.s32 $0xFFFFF800  }
0x141: {  	_ =	swait.ge [sflag:s8], $0x800  }
0x142: {  	[sflag:s8] =	ssyncset.done $0x0  }
0x143: {  	[sflag:s8] =	ssyncadd.s32 $0xFFFFF800  }
0x144: {  	_ =	swait.ge [sflag:s8], $0x800  }
0x145: {  	[sflag:s8] =	ssyncset.done $0x0  }
0x146: {  	[sflag:s8] =	ssyncadd.s32 $0xFFFFF800  }
0x147: {  	_ =	swait.ge [sflag:s8], $0x800  }
0x148: {  	[sflag:s8] =	ssyncset.done $0x0  }
0x149: {  	[sflag:s8] =	ssyncadd.s32 $0xFFFFF800  }
0x14a: {  	_ =	swait.ge [sflag:s8], $0x800  }
0x14b: {  	[sflag:s8] =	ssyncset.done $0x0  }
0x14c: {  	s14 =	stileid.u32;
	[sflag:s8] =	ssyncadd.s32 $0xFFFFF800  }
0x14d: {  	s11 =	sshll.u32 s14, $0x6;
	[bflag:$0x0] =	sbarrier.arrive $0xFFFF  }
0x14e: {  	s11 =	sor.u32 $0x1C02, s11;
	s16 =	rddreg [dreg:$0x3]  }
0x14f: {  	[hbm:s16], [sflag:s11] =	dma.local [spmem:s17], $0x80  }
0x150: {  	_ =	swait.ge [sflag:s4], $0x80  }
0x151: {  	[sflag:s4] =	ssyncset.done $0x0  }
0x152: {  	s14 =	rddreg [dreg:$0x4];
	[sflag:s4] =	ssyncadd.s32 $0xFFFFFF80  }
0x153: {  	[hbm:s14], [sflag:s11] =	dma.local [spmem:s18], $0x80  }
0x154: {  	_ =	swait.ge [sflag:s4], $0x80  }
0x155: {  	[sflag:s4] =	ssyncset.done $0x0  }
0x156: {  	s16 =	rddreg [dreg:$0x5];
	[sflag:s4] =	ssyncadd.s32 $0xFFFFFF80  }
0x157: {  	[hbm:s16], [sflag:s11] =	dma.local [spmem:s19], $0x80  }
0x158: {  	_ =	swait.ge [sflag:s4], $0x80  }
0x159: {  	[sflag:s4] =	ssyncset.done $0x0  }
0x15a: {  	s14 =	rddreg [dreg:$0x6];
	[sflag:s4] =	ssyncadd.s32 $0xFFFFFF80  }
0x15b: {  	[hbm:s14], [sflag:s11] =	dma.local [spmem:s20], $0x80  }
0x15c: {  	_ =	swait.ge [sflag:s4], $0x80  }
0x15d: {  	[sflag:s4] =	ssyncset.done $0x0  }
0x15e: {  	s16 =	rddreg [dreg:$0x7];
	[sflag:s4] =	ssyncadd.s32 $0xFFFFFF80  }
0x15f: {  	[hbm:s16], [sflag:s11] =	dma.local [spmem:s21], $0x80  }
0x160: {  	_ =	swait.ge [sflag:s4], $0x80  }
0x161: {  	[sflag:s4] =	ssyncset.done $0x0  }
0x162: {  	s14 =	rddreg [dreg:$0x8];
	[sflag:s4] =	ssyncadd.s32 $0xFFFFFF80  }
0x163: {  	[hbm:s14], [sflag:s11] =	dma.local [spmem:s22], $0x80  }
0x164: {  	_ =	swait.ge [sflag:s4], $0x80  }
0x165: {  	[sflag:s4] =	ssyncset.done $0x0  }
0x166: {  	s16 =	rddreg [dreg:$0x9];
	[sflag:s4] =	ssyncadd.s32 $0xFFFFFF80  }
0x167: {  	[hbm:s16], [sflag:s11] =	dma.local [spmem:s23], $0x80  }
0x168: {  	_ =	swait.ge [sflag:s4], $0x80  }
0x169: {  	[sflag:s4] =	ssyncset.done $0x0  }
0x16a: {  	s14 =	rddreg [dreg:$0xa];
	[sflag:s4] =	ssyncadd.s32 $0xFFFFFF80  }
0x16b: {  	[hbm:s14], [sflag:s11] =	dma.local [spmem:s24], $0x80  }
0x16c: {  	_ =	swait.ge [sflag:s4], $0x80  }
0x16d: {  	[sflag:s4] =	ssyncset.done $0x0  }
0x16e: {  	s16 =	rddreg [dreg:$0xb];
	[sflag:s4] =	ssyncadd.s32 $0xFFFFFF80  }
0x16f: {  	[hbm:s16], [sflag:s11] =	dma.local [spmem:s25], $0x80  }
0x170: {  	_ =	swait.ge [sflag:s4], $0x80  }
0x171: {  	[sflag:s4] =	ssyncset.done $0x0  }
0x172: {  	s14 =	rddreg [dreg:$0xc];
	[sflag:s4] =	ssyncadd.s32 $0xFFFFFF80  }
0x173: {  	[hbm:s14], [sflag:s11] =	dma.local [spmem:s26], $0x80  }
0x174: {  	_ =	swait.ge [sflag:s4], $0x80  }
0x175: {  	s9 =	sadd.s32 $0x1, s9;
	s16 =	rddreg [dreg:$0xe]  }
0x176: {  	p0 =	sne.s32 s9, s16  }
.Ltmp3:
0x177: {  	_ = 	snop;
	(pc) =	sbr.rel @p0 .LBB2_1-.Ltmp3, $3  }
0x178: {  	_ =	sdelay $0x1  }
0x179: {  	[sflag:s4] =	ssyncset.done $0x0  }
0x17a: {  	[sflag:s4] =	ssyncadd.s32 $0xFFFFFF80  }
0x17b: {  	_ =	sfence.sel $0x180000  }
0x17c: {  	[bflag:$0x0] =	sbarrier.arrive $0xFFFF  }
0x17d: {  	_ =	strace $0x90000047  }
0x17e: {  	s0 =	stileid.u32;
	[bflag:$0x2] =	sbarrier.arrive $0xFFFF  }
0x17f: {  	p0 =	sne.s32 s0, $0x0;
	s0 =	rddreg [dreg:$0x2]  }
0x180: {  	s0 =	sadd.s32 @!p0 $0x100000, s0  }
0x181: {  	[sflag:s0] =	ssyncadd.tile.s32 @!p0 $0x1;
	_ =	shalt  }
.Lfunc_end2:
_tile_overlayer_lowered:
.L_overlay_start_2:
0x182: {  	(tag) =	ssettag $0x2  }
0x183: {  	s0 =	rddreg [dreg:$0x0];
	s2 =	stileid.u32  }
0x184: {  	s1 =	rddreg [dreg:$0x1];
	p0 =	sne.s32 s2, $0x0  }
0x185: {  	s3 =	rddreg [dreg:$0x2];
	[bflag:$0x3] =	sbarrier.arrive $0xFFFF;
	s2 =	simm.s32 @!p0 $0x1C02  }
0x186: {  	[timem:s3], [sflag:s2] =	dma.local @!p0 [hbm:s0], s1  }
0x187: {  	s0 =	simm.s32 @!p0 $0x2  }
0x188: {  	_ =	swait.ge @!p0 [sflag:s0], s1  }
0x189: {  	s1 =	ssub.s32 @!p0 $0x0, s1;
	[sflag:s0] =	ssyncset.done @!p0 $0x0  }
0x18a: {  	[sflag:s0] =	ssyncadd.s32 @!p0 s1  }
0x18b: {  	[bflag:$0x3] =	sbarrier.arrive $0xFFFF  }
0x18c: {  	_ =	shalt  }

</sc_bundles>
